<compile_context>
chip_gen: v7x
topology: tpu7x:2x2x1
jax: 0.10.2.dev20260603
libtpu: 0.0.44.dev20260713+nightly
codegen_flags: <defaults>
</compile_context>

<pallas_src>
import functools

import jax
import jax.numpy as jnp
from jax import lax
from jax.experimental import pallas as pl
from jax.experimental.pallas import tpu as pltpu
from jax.experimental.pallas import tpu_sc as plsc

M = 16
DH = 128
DX = 128
N = 32768
BLK = 2048
NEG = -1e30

NWORK = 32
CHUNK = 256
CPW = N // (NWORK * CHUNK)
NCHUNK = N // CHUNK
LANES = 16



def _scores_body(h_ref, a_ref, x_ref, seg_ref, s_ref, ha_ref):
    i = pl.program_id(0)

    @pl.when(i == 0)
    def _init():
        ha_ref[...] = jnp.dot(h_ref[...], a_ref[...],
                              preferred_element_type=jnp.float32)

    x_blk = x_ref[...]
    seg = seg_ref[0]
    scores = lax.dot_general(ha_ref[...], x_blk,
                             (((1,), (1,)), ((), ())),
                             preferred_element_type=jnp.float32)
    seg_iota = lax.broadcasted_iota(jnp.int32, (M, BLK), 0)
    onehot = seg == seg_iota
    s = jnp.sum(jnp.where(onehot, scores, 0.0), axis=0)
    s_ref[...] = s.reshape(1, 1, BLK)


def _tc_scores(h, a, x, seg3):
    nb = N // BLK
    return pl.pallas_call(
        _scores_body,
        grid=(nb,),
        in_specs=[
            pl.BlockSpec((M, DH), lambda i: (0, 0)),
            pl.BlockSpec((DH, DX), lambda i: (0, 0)),
            pl.BlockSpec((BLK, DX), lambda i: (i, 0)),
            pl.BlockSpec((1, 1, BLK), lambda i: (i, 0, 0)),
        ],
        out_specs=pl.BlockSpec((1, 1, BLK), lambda i: (i, 0, 0)),
        out_shape=jax.ShapeDtypeStruct((nb, 1, BLK), jnp.float32),
        scratch_shapes=[pltpu.VMEM((M, DX), jnp.float32)],
    )(h, a, x, seg3)



def _lane_perm(v, idx):
    return lax.gather(
        v, idx[:, None],
        lax.GatherDimensionNumbers(offset_dims=(), collapsed_slice_dims=(0,),
                                   start_index_map=(0,)),
        slice_sizes=(1,),
        mode=lax.GatherScatterMode.PROMISE_IN_BOUNDS)


def _bfly_max(v, lane_iota):
    for sh in (8, 4, 2, 1):
        v = jnp.maximum(v, _lane_perm(v, lane_iota ^ sh))
    return v


def _bfly_sum(v, lane_iota):
    for sh in (8, 4, 2, 1):
        v = v + _lane_perm(v, lane_iota ^ sh)
    return v


def _sc_body(x_hbm, s_hbm, seg_hbm, maxs_hbm, zs_hbm, nums_hbm,
             x_v, s_v, seg_v, e_v, cm_v, zv_v, acc_v):
    wid = lax.axis_index("s") * 2 + lax.axis_index("c")
    nvec = CHUNK // LANES
    lane_iota = lax.iota(jnp.int32, LANES)

    def chunk_body(c, _):
        cid = wid * CPW + c
        base = cid * CHUNK
        pltpu.sync_copy(x_hbm.at[pl.ds(base, CHUNK)], x_v)
        pltpu.sync_copy(s_hbm.at[pl.ds(base, CHUNK)], s_v)
        pltpu.sync_copy(seg_hbm.at[pl.ds(base, CHUNK)], seg_v)

        lo = seg_v[pl.ds(0, LANES)][0]
        hi = seg_v[pl.ds(CHUNK - LANES, LANES)][LANES - 1]

        def max_loop(m, cm):
            def vloop(v, acc):
                sv = s_v[pl.ds(v * LANES, LANES)]
                gv = seg_v[pl.ds(v * LANES, LANES)]
                return jnp.maximum(acc, jnp.where(gv == m, sv, NEG))
            mv = lax.fori_loop(0, nvec, vloop,
                               jnp.full((LANES,), NEG, jnp.float32))
            return jnp.where(lane_iota == m, _bfly_max(mv, lane_iota), cm)
        cm = lax.fori_loop(lo, hi + 1, max_loop,
                           jnp.full((LANES,), NEG, jnp.float32))
        cm_v[...] = cm

        def e_loop(v, _):
            sv = s_v[pl.ds(v * LANES, LANES)]
            gv = seg_v[pl.ds(v * LANES, LANES)]
            mg = plsc.load_gather(cm_v, [gv])
            e_v[pl.ds(v * LANES, LANES)] = jnp.exp(sv - mg)
            return 0
        lax.fori_loop(0, nvec, e_loop, 0)

        def z_loop(m, zacc):
            def vloop(v, acc):
                ev = e_v[pl.ds(v * LANES, LANES)]
                gv = seg_v[pl.ds(v * LANES, LANES)]
                return acc + jnp.where(gv == m, ev, 0.0)
            zv = lax.fori_loop(0, nvec, vloop, jnp.zeros((LANES,), jnp.float32))
            return jnp.where(lane_iota == m, _bfly_sum(zv, lane_iota), zacc)
        zvec = lax.fori_loop(lo, hi + 1, z_loop, jnp.zeros((LANES,), jnp.float32))
        zv_v[...] = zvec

        def zero_loop(d, _):
            acc_v[pl.ds(d * LANES, LANES)] = jnp.zeros((LANES,), jnp.float32)
            return 0
        lax.fori_loop(0, (M * DX) // LANES, zero_loop, 0)

        def node_loop(v, _):
            ev = e_v[pl.ds(v * LANES, LANES)]
            gv = seg_v[pl.ds(v * LANES, LANES)]
            for l in range(LANES):
                ej = ev[l]
                rowbase = gv[l] * DX
                for k in range(DX // LANES):
                    sl = pl.ds(rowbase + k * LANES, LANES)
                    acc_v[sl] = acc_v[sl] + ej * x_v[v * LANES + l,
                                                     pl.ds(k * LANES, LANES)]
            return 0
        lax.fori_loop(0, nvec, node_loop, 0)

        pltpu.sync_copy(cm_v, maxs_hbm.at[cid])
        pltpu.sync_copy(zv_v, zs_hbm.at[cid])
        pltpu.sync_copy(acc_v, nums_hbm.at[cid])
        return 0

    lax.fori_loop(0, CPW, chunk_body, 0)


def _sc_partials(x, s, seg):
    mesh = plsc.VectorSubcoreMesh(core_axis_name="c", subcore_axis_name="s")
    f = pl.kernel(
        _sc_body,
        out_type=[
            jax.ShapeDtypeStruct((NCHUNK, LANES), jnp.float32),
            jax.ShapeDtypeStruct((NCHUNK, LANES), jnp.float32),
            jax.ShapeDtypeStruct((NCHUNK, M * DX), jnp.float32),
        ],
        mesh=mesh,
        compiler_params=pltpu.CompilerParams(needs_layout_passes=False),
        scratch_types=[
            pltpu.VMEM((CHUNK, DX), jnp.float32),
            pltpu.VMEM((CHUNK,), jnp.float32),
            pltpu.VMEM((CHUNK,), jnp.int32),
            pltpu.VMEM((CHUNK,), jnp.float32),
            pltpu.VMEM((LANES,), jnp.float32),
            pltpu.VMEM((LANES,), jnp.float32),
            pltpu.VMEM((M * DX,), jnp.float32),
        ],
    )
    return f(x, s, seg)



def _combine_body(maxs_ref, zs_ref, nums_ref, out_ref):
    maxs = maxs_ref[...]
    zs = zs_ref[...]
    gmax = jnp.max(maxs, axis=0, keepdims=True)
    scale = jnp.exp(maxs - gmax)
    zz = jnp.sum(zs * scale, axis=0)
    nums = nums_ref[...].reshape(NCHUNK, M, DX)
    wnum = jnp.sum(nums * scale[:, :, None], axis=0)
    z_col = zz.reshape(M, 1)
    out_ref[...] = jnp.where(z_col > 0.0, wnum / z_col, 0.0)


def _tc_combine(maxs, zs, nums):
    return pl.pallas_call(
        _combine_body,
        out_shape=jax.ShapeDtypeStruct((M, DX), jnp.float32),
    )(maxs, zs, nums)


def kernel(h, x, segment_ids, a):
    nb = N // BLK
    seg3 = segment_ids.reshape(nb, 1, BLK)
    s3 = _tc_scores(h, a, x, seg3)
    s = s3.reshape(N)
    maxs, zs, nums = _sc_partials(x, s, segment_ids)
    return _tc_combine(maxs, zs, nums)

# --- scband reference (transcript-rebuilt; emitter-appended) ---
"""Pipeline reference for scband-attention-30382598652170 (READ-ONLY COPY).

The authoritative reference and input builder live on the scoring server;
editing this copy changes nothing except your own understanding.
"""

import jax, jax.numpy as jnp
import numpy as np

M = 16        # number of graphs (batch)
N = 32768     # total nodes across graphs (ragged)
DH = 128      # d_h
DX = 128      # d_x


def setup_inputs(seed: int = 0) -> dict:
    key = jax.random.key(seed)
    k1, k2, k3, k4 = jax.random.split(key, 4)
    h = jax.random.normal(k1, (M, DH), dtype=jnp.float32)
    x = jax.random.normal(k2, (N, DX), dtype=jnp.float32)
    segment_ids = jnp.sort(jax.random.randint(k3, (N,), 0, M)).astype(jnp.int32)
    # learned parameter a, initialized as 0.001 * rand(d_h, d_x) like the torch module
    a = 0.001 * jax.random.uniform(k4, (DH, DX), dtype=jnp.float32)
    return {"h": h, "x": x, "segment_ids": segment_ids, "a": a}


def reference(h, x, segment_ids, a):
    # h: (m, d_h); x: (n, d_x); segment_ids: (n,) sorted graph-id per node.
    # Equivalent to the DGL version: repeat_interleave(h @ a, batch_num_nodes, 0)
    # becomes a gather (h @ a)[segment_ids]; dgl.max_nodes/sum_nodes become
    # segment_max/segment_sum.
    ha = h @ a                                         # (m, d_x)
    s = jnp.sum(x * ha[segment_ids], axis=1)           # (n,)  per-node score
    smax = jax.ops.segment_max(s, segment_ids, num_segments=M)   # (m,)
    smax = jnp.where(jnp.isfinite(smax), smax, 0.0)    # guard empty segments
    e = jnp.exp(s - smax[segment_ids])                 # (n,)  stabilized exp
    z = jax.ops.segment_sum(e, segment_ids, num_segments=M)      # (m,)
    att = e / z[segment_ids]                           # (n,)  softmax within graph
    ret = jax.ops.segment_sum(att[:, None] * x, segment_ids, num_segments=M)  # (m, d_x)
    return ret

if __name__ == "__main__":
    import jax
    _d = setup_inputs()
    print(jax.jit(kernel)(*tuple(_d.values())))

</pallas_src>

<mosaic_0001>
#map = affine_map<(d0, d1) -> (0, 0)>
#map1 = affine_map<(d0, d1) -> (0)>
module attributes {stable_mosaic.version = 14 : i64} {
  func.func @_sc_body(%arg0: i32, %arg1: i32, %arg2: memref<32768x128xf32, #tpu.memory_space<hbm>>, %arg3: memref<32768xf32, #tpu.memory_space<hbm>>, %arg4: memref<32768xi32, #tpu.memory_space<hbm>>, %arg5: memref<128x16xf32, #tpu.memory_space<hbm>>, %arg6: memref<128x16xf32, #tpu.memory_space<hbm>>, %arg7: memref<128x2048xf32, #tpu.memory_space<hbm>>, %arg8: memref<256x128xf32, #tpu.memory_space<vmem>>, %arg9: memref<256xf32, #tpu.memory_space<vmem>>, %arg10: memref<256xi32, #tpu.memory_space<vmem>>, %arg11: memref<256xf32, #tpu.memory_space<vmem>>, %arg12: memref<16xf32, #tpu.memory_space<vmem>>, %arg13: memref<16xf32, #tpu.memory_space<vmem>>, %arg14: memref<2048xf32, #tpu.memory_space<vmem>>) attributes {dimension_semantics = [#tpu.dimension_semantics<core_parallel>, #tpu.dimension_semantics<subcore_parallel>], iteration_bounds = array<i64: 2, 16>, scalar_prefetch = 0 : i64, scratch_operands = 7 : i64, tpu.core_type = #tpu.core_type<sc_vector_subcore>, window_params = [{transform_indices = #map}, {transform_indices = #map1}, {transform_indices = #map1}, {transform_indices = #map}, {transform_indices = #map}, {transform_indices = #map}]} {
    %mul3A = arith.constant 2 : i32
    %mul3A_0 = arith.muli %arg1, %mul3A : i32
    %add3A = arith.addi %mul3A_0, %arg0 : i32
    %iota3A = tpu.iota {dimensions = array<i32: 0>} : vector<16xi32>
    %scan3A = arith.constant 0 : i32
    %scan3A_1 = arith.constant 0 : i32
    %scan3A_2 = arith.constant 4 : i32
    %scan3A_3 = arith.addi %scan3A_1, %scan3A_2 : i32
    %scan3A_4 = arith.constant 1 : i32
    %scan3A_5 = scf.for %scan3A_7 = %scan3A_1 to %scan3A_3 step %scan3A_4 iter_args(%scan3A_8 = %scan3A) -> (i32)  : i32 {
      %mul3A_9 = arith.constant 4 : i32
      %mul3A_10 = arith.muli %add3A, %mul3A_9 : i32
      %add3A_11 = arith.addi %mul3A_10, %scan3A_7 : i32
      %mul3A_12 = arith.constant 256 : i32
      %mul3A_13 = arith.muli %add3A_11, %mul3A_12 : i32
      "tpu.region"() ({
        %run_scoped3A = tpu.sem_alloc : memref<!tpu.dma_semaphore, #tpu.memory_space<semaphore_mem>>
        %dma_start3A = arith.constant 0 : i32
        %dma_start3A_70 = tpu.memref_slice %arg2[%mul3A_13, %dma_start3A] : memref<32768x128xf32, #tpu.memory_space<hbm>> -> memref<256x128xf32, #tpu.memory_space<hbm>>
        %dma_start3A_71 = arith.constant 0 : i32
        %dma_start3A_72 = tpu.memref_slice %arg2[%mul3A_13, %dma_start3A_71] : memref<32768x128xf32, #tpu.memory_space<hbm>> -> memref<256x128xf32, #tpu.memory_space<hbm>>
        tpu.enqueue_dma source(%dma_start3A_72 : memref<256x128xf32, #tpu.memory_space<hbm>>) target(%arg8 : memref<256x128xf32, #tpu.memory_space<vmem>>) target_semaphore(%run_scoped3A : memref<!tpu.dma_semaphore, #tpu.memory_space<semaphore_mem>>)
        %dma_wait3A = arith.constant 0 : i32
        %dma_wait3A_73 = tpu.memref_slice %arg2[%mul3A_13, %dma_wait3A] : memref<32768x128xf32, #tpu.memory_space<hbm>> -> memref<256x128xf32, #tpu.memory_space<hbm>>
        %dma_wait3A_74 = arith.constant 0 : i32
        %dma_wait3A_75 = tpu.memref_slice %arg2[%mul3A_13, %dma_wait3A_74] : memref<32768x128xf32, #tpu.memory_space<hbm>> -> memref<256x128xf32, #tpu.memory_space<hbm>>
        tpu.wait_dma2 semaphore(%run_scoped3A : memref<!tpu.dma_semaphore, #tpu.memory_space<semaphore_mem>>) src(%dma_wait3A_75 : memref<256x128xf32, #tpu.memory_space<hbm>>) dst(%arg8 : memref<256x128xf32, #tpu.memory_space<vmem>>)
        tpu.yield
      }) : () -> ()
      "tpu.region"() ({
        %run_scoped3A = tpu.sem_alloc : memref<!tpu.dma_semaphore, #tpu.memory_space<semaphore_mem>>
        %dma_start3A = tpu.memref_slice %arg3[%mul3A_13] : memref<32768xf32, #tpu.memory_space<hbm>> -> memref<256xf32, #tpu.memory_space<hbm>>
        %dma_start3A_70 = tpu.memref_slice %arg3[%mul3A_13] : memref<32768xf32, #tpu.memory_space<hbm>> -> memref<256xf32, #tpu.memory_space<hbm>>
        tpu.enqueue_dma source(%dma_start3A_70 : memref<256xf32, #tpu.memory_space<hbm>>) target(%arg9 : memref<256xf32, #tpu.memory_space<vmem>>) target_semaphore(%run_scoped3A : memref<!tpu.dma_semaphore, #tpu.memory_space<semaphore_mem>>)
        %dma_wait3A = tpu.memref_slice %arg3[%mul3A_13] : memref<32768xf32, #tpu.memory_space<hbm>> -> memref<256xf32, #tpu.memory_space<hbm>>
        %dma_wait3A_71 = tpu.memref_slice %arg3[%mul3A_13] : memref<32768xf32, #tpu.memory_space<hbm>> -> memref<256xf32, #tpu.memory_space<hbm>>
        tpu.wait_dma2 semaphore(%run_scoped3A : memref<!tpu.dma_semaphore, #tpu.memory_space<semaphore_mem>>) src(%dma_wait3A_71 : memref<256xf32, #tpu.memory_space<hbm>>) dst(%arg9 : memref<256xf32, #tpu.memory_space<vmem>>)
        tpu.yield
      }) : () -> ()
      "tpu.region"() ({
        %run_scoped3A = tpu.sem_alloc : memref<!tpu.dma_semaphore, #tpu.memory_space<semaphore_mem>>
        %dma_start3A = tpu.memref_slice %arg4[%mul3A_13] : memref<32768xi32, #tpu.memory_space<hbm>> -> memref<256xi32, #tpu.memory_space<hbm>>
        %dma_start3A_70 = tpu.memref_slice %arg4[%mul3A_13] : memref<32768xi32, #tpu.memory_space<hbm>> -> memref<256xi32, #tpu.memory_space<hbm>>
        tpu.enqueue_dma source(%dma_start3A_70 : memref<256xi32, #tpu.memory_space<hbm>>) target(%arg10 : memref<256xi32, #tpu.memory_space<vmem>>) target_semaphore(%run_scoped3A : memref<!tpu.dma_semaphore, #tpu.memory_space<semaphore_mem>>)
        %dma_wait3A = tpu.memref_slice %arg4[%mul3A_13] : memref<32768xi32, #tpu.memory_space<hbm>> -> memref<256xi32, #tpu.memory_space<hbm>>
        %dma_wait3A_71 = tpu.memref_slice %arg4[%mul3A_13] : memref<32768xi32, #tpu.memory_space<hbm>> -> memref<256xi32, #tpu.memory_space<hbm>>
        tpu.wait_dma2 semaphore(%run_scoped3A : memref<!tpu.dma_semaphore, #tpu.memory_space<semaphore_mem>>) src(%dma_wait3A_71 : memref<256xi32, #tpu.memory_space<hbm>>) dst(%arg10 : memref<256xi32, #tpu.memory_space<vmem>>)
        tpu.yield
      }) : () -> ()
      %get3A = arith.constant 0 : index
      %get3A_14 = tpu.vector_load %arg10[%get3A] {strides = array<i32>} : memref<256xi32, #tpu.memory_space<vmem>>, vector<16xi32>,
      %slice3A = vector.extract_strided_slice %get3A_14 {offsets = [0], sizes = [1], strides = [1]} : vector<16xi32> to vector<1xi32>
      %squeeze3A = vector.extract %slice3A[0] : i32 from vector<1xi32>
      %get3A_15 = arith.constant 240 : index
      %get3A_16 = tpu.vector_load %arg10[%get3A_15] {strides = array<i32>} : memref<256xi32, #tpu.memory_space<vmem>>, vector<16xi32>,
      %slice3A_17 = vector.extract_strided_slice %get3A_16 {offsets = [15], sizes = [1], strides = [1]} : vector<16xi32> to vector<1xi32>
      %squeeze3A_18 = vector.extract %slice3A_17[0] : i32 from vector<1xi32>
      %add3A_19 = arith.constant 1 : i32
      %add3A_20 = arith.addi %squeeze3A_18, %add3A_19 : i32
      %broadcast_in_dim3A = arith.constant -1.000000e+30 : f32
      %broadcast_in_dim3A_21 = vector.broadcast %broadcast_in_dim3A : f32 to vector<16xf32>
      %while3A = arith.subi %add3A_20, %squeeze3A : i32
      %while3A_22 = arith.addi %squeeze3A, %while3A : i32
      %while3A_23 = arith.constant 1 : i32
      %while3A_24 = arith.divsi %while3A, %while3A_23 : i32
      %while3A_25 = arith.muli %while3A_24, %while3A_23 : i32
      %while3A_26 = arith.addi %squeeze3A, %while3A_25 : i32
      %while3A_27 = arith.constant 1 : i32
      %while3A_28 = scf.for %while3A_70 = %squeeze3A to %while3A_26 step %while3A_27 iter_args(%while3A_71 = %broadcast_in_dim3A_21) -> (vector<16xf32>)  : i32 {
        %broadcast_in_dim3A_72 = arith.constant -1.000000e+30 : f32
        %broadcast_in_dim3A_73 = vector.broadcast %broadcast_in_dim3A_72 : f32 to vector<16xf32>
        %scan3A_74 = arith.constant 0 : i32
        %scan3A_75 = arith.constant 16 : i32
        %scan3A_76 = arith.addi %scan3A_74, %scan3A_75 : i32
        %scan3A_77 = arith.constant 1 : i32
        %scan3A_78 = scf.for %scan3A_106 = %scan3A_74 to %scan3A_76 step %scan3A_77 iter_args(%scan3A_107 = %broadcast_in_dim3A_73) -> (vector<16xf32>)  : i32 {
          %mul3A_108 = arith.constant 16 : i32
          %mul3A_109 = arith.muli %scan3A_106, %mul3A_108 : i32
          %get3A_110 = arith.index_cast %mul3A_109 : i32 to index
          %get3A_111 = tpu.vector_load %arg9[%get3A_110] {strides = array<i32>} : memref<256xf32, #tpu.memory_space<vmem>>, vector<16xf32>,
          %mul3A_112 = arith.constant 16 : i32
          %mul3A_113 = arith.muli %scan3A_106, %mul3A_112 : i32
          %get3A_114 = arith.index_cast %mul3A_113 : i32 to index
          %get3A_115 = tpu.vector_load %arg10[%get3A_114] {strides = array<i32>} : memref<256xi32, #tpu.memory_space<vmem>>, vector<16xi32>,
          %eq3A_116 = vector.broadcast %while3A_70 : i32 to vector<16xi32>
          %eq3A_117 = arith.cmpi eq, %get3A_115, %eq3A_116 : vector<16xi32>
          %jit3A = arith.constant -1.000000e+30 : f32
          %broadcast_in_dim3A_118 = vector.broadcast %jit3A : f32 to vector<16xf32>
          %select_n3A_119 = arith.select %eq3A_117, %get3A_111, %broadcast_in_dim3A_118 : vector<16xi1>, vector<16xf32>
          %max3A_120 = arith.maximumf %scan3A_107, %select_n3A_119 : vector<16xf32>
          scf.yield %max3A_120 : vector<16xf32>
        }
        %scan3A_79 = arith.constant 16 : i32
        %eq3A = vector.broadcast %while3A_70 : i32 to vector<16xi32>
        %eq3A_80 = arith.cmpi eq, %iota3A, %eq3A : vector<16xi32>
        %xor3A = arith.constant 8 : i32
        %xor3A_81 = vector.broadcast %xor3A : i32 to vector<16xi32>
        %xor3A_82 = arith.xori %iota3A, %xor3A_81 : vector<16xi32>
        %broadcast_in_dim3A_83 = vector.shape_cast %xor3A_82 : vector<16xi32> to vector<16x1xi32>
        %gather3A = vector.shape_cast %broadcast_in_dim3A_83 : vector<16x1xi32> to vector<16xi32>
        %gather3A_84 = tpu.dynamic_gather %scan3A_78[%gather3A] in [0] : vector<16xf32>, vector<16xi32> -> vector<16xf32>
        %max3A = arith.maximumf %scan3A_78, %gather3A_84 : vector<16xf32>
        %xor3A_85 = arith.constant 4 : i32
        %xor3A_86 = vector.broadcast %xor3A_85 : i32 to vector<16xi32>
        %xor3A_87 = arith.xori %iota3A, %xor3A_86 : vector<16xi32>
        %broadcast_in_dim3A_88 = vector.shape_cast %xor3A_87 : vector<16xi32> to vector<16x1xi32>
        %gather3A_89 = vector.shape_cast %broadcast_in_dim3A_88 : vector<16x1xi32> to vector<16xi32>
        %gather3A_90 = tpu.dynamic_gather %max3A[%gather3A_89] in [0] : vector<16xf32>, vector<16xi32> -> vector<16xf32>
        %max3A_91 = arith.maximumf %max3A, %gather3A_90 : vector<16xf32>
        %xor3A_92 = arith.constant 2 : i32
        %xor3A_93 = vector.broadcast %xor3A_92 : i32 to vector<16xi32>
        %xor3A_94 = arith.xori %iota3A, %xor3A_93 : vector<16xi32>
        %broadcast_in_dim3A_95 = vector.shape_cast %xor3A_94 : vector<16xi32> to vector<16x1xi32>
        %gather3A_96 = vector.shape_cast %broadcast_in_dim3A_95 : vector<16x1xi32> to vector<16xi32>
        %gather3A_97 = tpu.dynamic_gather %max3A_91[%gather3A_96] in [0] : vector<16xf32>, vector<16xi32> -> vector<16xf32>
        %max3A_98 = arith.maximumf %max3A_91, %gather3A_97 : vector<16xf32>
        %xor3A_99 = arith.constant 1 : i32
        %xor3A_100 = vector.broadcast %xor3A_99 : i32 to vector<16xi32>
        %xor3A_101 = arith.xori %iota3A, %xor3A_100 : vector<16xi32>
        %broadcast_in_dim3A_102 = vector.shape_cast %xor3A_101 : vector<16xi32> to vector<16x1xi32>
        %gather3A_103 = vector.shape_cast %broadcast_in_dim3A_102 : vector<16x1xi32> to vector<16xi32>
        %gather3A_104 = tpu.dynamic_gather %max3A_98[%gather3A_103] in [0] : vector<16xf32>, vector<16xi32> -> vector<16xf32>
        %max3A_105 = arith.maximumf %max3A_98, %gather3A_104 : vector<16xf32>
        %select_n3A = arith.select %eq3A_80, %max3A_105, %while3A_71 : vector<16xi1>, vector<16xf32>
        scf.yield %select_n3A : vector<16xf32>
      }
      %while3A_29 = arith.constant 1 : i32
      %while3A_30 = scf.for %while3A_70 = %while3A_26 to %while3A_22 step %while3A_29 iter_args(%while3A_71 = %while3A_28) -> (vector<16xf32>)  : i32 {
        %broadcast_in_dim3A_72 = arith.constant -1.000000e+30 : f32
        %broadcast_in_dim3A_73 = vector.broadcast %broadcast_in_dim3A_72 : f32 to vector<16xf32>
        %scan3A_74 = arith.constant 0 : i32
        %scan3A_75 = arith.constant 16 : i32
        %scan3A_76 = arith.addi %scan3A_74, %scan3A_75 : i32
        %scan3A_77 = arith.constant 1 : i32
        %scan3A_78 = scf.for %scan3A_106 = %scan3A_74 to %scan3A_76 step %scan3A_77 iter_args(%scan3A_107 = %broadcast_in_dim3A_73) -> (vector<16xf32>)  : i32 {
          %mul3A_108 = arith.constant 16 : i32
          %mul3A_109 = arith.muli %scan3A_106, %mul3A_108 : i32
          %get3A_110 = arith.index_cast %mul3A_109 : i32 to index
          %get3A_111 = tpu.vector_load %arg9[%get3A_110] {strides = array<i32>} : memref<256xf32, #tpu.memory_space<vmem>>, vector<16xf32>,
          %mul3A_112 = arith.constant 16 : i32
          %mul3A_113 = arith.muli %scan3A_106, %mul3A_112 : i32
          %get3A_114 = arith.index_cast %mul3A_113 : i32 to index
          %get3A_115 = tpu.vector_load %arg10[%get3A_114] {strides = array<i32>} : memref<256xi32, #tpu.memory_space<vmem>>, vector<16xi32>,
          %eq3A_116 = vector.broadcast %while3A_70 : i32 to vector<16xi32>
          %eq3A_117 = arith.cmpi eq, %get3A_115, %eq3A_116 : vector<16xi32>
          %jit3A = arith.constant -1.000000e+30 : f32
          %broadcast_in_dim3A_118 = vector.broadcast %jit3A : f32 to vector<16xf32>
          %select_n3A_119 = arith.select %eq3A_117, %get3A_111, %broadcast_in_dim3A_118 : vector<16xi1>, vector<16xf32>
          %max3A_120 = arith.maximumf %scan3A_107, %select_n3A_119 : vector<16xf32>
          scf.yield %max3A_120 : vector<16xf32>
        }
        %scan3A_79 = arith.constant 16 : i32
        %eq3A = vector.broadcast %while3A_70 : i32 to vector<16xi32>
        %eq3A_80 = arith.cmpi eq, %iota3A, %eq3A : vector<16xi32>
        %xor3A = arith.constant 8 : i32
        %xor3A_81 = vector.broadcast %xor3A : i32 to vector<16xi32>
        %xor3A_82 = arith.xori %iota3A, %xor3A_81 : vector<16xi32>
        %broadcast_in_dim3A_83 = vector.shape_cast %xor3A_82 : vector<16xi32> to vector<16x1xi32>
        %gather3A = vector.shape_cast %broadcast_in_dim3A_83 : vector<16x1xi32> to vector<16xi32>
        %gather3A_84 = tpu.dynamic_gather %scan3A_78[%gather3A] in [0] : vector<16xf32>, vector<16xi32> -> vector<16xf32>
        %max3A = arith.maximumf %scan3A_78, %gather3A_84 : vector<16xf32>
        %xor3A_85 = arith.constant 4 : i32
        %xor3A_86 = vector.broadcast %xor3A_85 : i32 to vector<16xi32>
        %xor3A_87 = arith.xori %iota3A, %xor3A_86 : vector<16xi32>
        %broadcast_in_dim3A_88 = vector.shape_cast %xor3A_87 : vector<16xi32> to vector<16x1xi32>
        %gather3A_89 = vector.shape_cast %broadcast_in_dim3A_88 : vector<16x1xi32> to vector<16xi32>
        %gather3A_90 = tpu.dynamic_gather %max3A[%gather3A_89] in [0] : vector<16xf32>, vector<16xi32> -> vector<16xf32>
        %max3A_91 = arith.maximumf %max3A, %gather3A_90 : vector<16xf32>
        %xor3A_92 = arith.constant 2 : i32
        %xor3A_93 = vector.broadcast %xor3A_92 : i32 to vector<16xi32>
        %xor3A_94 = arith.xori %iota3A, %xor3A_93 : vector<16xi32>
        %broadcast_in_dim3A_95 = vector.shape_cast %xor3A_94 : vector<16xi32> to vector<16x1xi32>
        %gather3A_96 = vector.shape_cast %broadcast_in_dim3A_95 : vector<16x1xi32> to vector<16xi32>
        %gather3A_97 = tpu.dynamic_gather %max3A_91[%gather3A_96] in [0] : vector<16xf32>, vector<16xi32> -> vector<16xf32>
        %max3A_98 = arith.maximumf %max3A_91, %gather3A_97 : vector<16xf32>
        %xor3A_99 = arith.constant 1 : i32
        %xor3A_100 = vector.broadcast %xor3A_99 : i32 to vector<16xi32>
        %xor3A_101 = arith.xori %iota3A, %xor3A_100 : vector<16xi32>
        %broadcast_in_dim3A_102 = vector.shape_cast %xor3A_101 : vector<16xi32> to vector<16x1xi32>
        %gather3A_103 = vector.shape_cast %broadcast_in_dim3A_102 : vector<16x1xi32> to vector<16xi32>
        %gather3A_104 = tpu.dynamic_gather %max3A_98[%gather3A_103] in [0] : vector<16xf32>, vector<16xi32> -> vector<16xf32>
        %max3A_105 = arith.maximumf %max3A_98, %gather3A_104 : vector<16xf32>
        %select_n3A = arith.select %eq3A_80, %max3A_105, %while3A_71 : vector<16xi1>, vector<16xf32>
        scf.yield %select_n3A : vector<16xf32>
      }
      %swap3A = arith.constant 0 : index
      %swap3A_31 = tpu.vector_load %arg12[%swap3A] {strides = array<i32>} : memref<16xf32, #tpu.memory_space<vmem>>, vector<16xf32>,
      tpu.vector_store %arg12[%swap3A], %while3A_30 {strides = array<i32>} : memref<16xf32, #tpu.memory_space<vmem>>, vector<16xf32>,
      %scan3A_32 = arith.constant 0 : i32
      %scan3A_33 = arith.constant 0 : i32
      %scan3A_34 = arith.constant 16 : i32
      %scan3A_35 = arith.addi %scan3A_33, %scan3A_34 : i32
      %scan3A_36 = arith.constant 1 : i32
      %scan3A_37 = scf.for %scan3A_70 = %scan3A_33 to %scan3A_35 step %scan3A_36 iter_args(%scan3A_71 = %scan3A_32) -> (i32)  : i32 {
        %mul3A_72 = arith.constant 16 : i32
        %mul3A_73 = arith.muli %scan3A_70, %mul3A_72 : i32
        %get3A_74 = arith.index_cast %mul3A_73 : i32 to index
        %get3A_75 = tpu.vector_load %arg9[%get3A_74] {strides = array<i32>} : memref<256xf32, #tpu.memory_space<vmem>>, vector<16xf32>,
        %mul3A_76 = arith.constant 16 : i32
        %mul3A_77 = arith.muli %scan3A_70, %mul3A_76 : i32
        %get3A_78 = arith.index_cast %mul3A_77 : i32 to index
        %get3A_79 = tpu.vector_load %arg10[%get3A_78] {strides = array<i32>} : memref<256xi32, #tpu.memory_space<vmem>>, vector<16xi32>,
        %gather3A = tpu.vector_load_idx %arg12[%get3A_79] : memref<16xf32, #tpu.memory_space<vmem>>[vector<16xi32>], vector<16xf32>,
        %sub3A = arith.subf %get3A_75, %gather3A : vector<16xf32>
        %exp3A = math.exp %sub3A : vector<16xf32>
        %mul3A_80 = arith.constant 16 : i32
        %mul3A_81 = arith.muli %scan3A_70, %mul3A_80 : i32
        %swap3A_82 = arith.index_cast %mul3A_81 : i32 to index
        %swap3A_83 = tpu.vector_load %arg11[%swap3A_82] {strides = array<i32>} : memref<256xf32, #tpu.memory_space<vmem>>, vector<16xf32>,
        tpu.vector_store %arg11[%swap3A_82], %exp3A {strides = array<i32>} : memref<256xf32, #tpu.memory_space<vmem>>, vector<16xf32>,
        %scan3A_84 = arith.constant 0 : i32
        scf.yield %scan3A_84 : i32
      }
      %scan3A_38 = arith.constant 16 : i32
      %add3A_39 = arith.constant 1 : i32
      %add3A_40 = arith.addi %squeeze3A_18, %add3A_39 : i32
      %broadcast_in_dim3A_41 = arith.constant 0.000000e+00 : f32
      %broadcast_in_dim3A_42 = vector.broadcast %broadcast_in_dim3A_41 : f32 to vector<16xf32>
      %while3A_43 = arith.subi %add3A_40, %squeeze3A : i32
      %while3A_44 = arith.addi %squeeze3A, %while3A_43 : i32
      %while3A_45 = arith.constant 1 : i32
      %while3A_46 = arith.divsi %while3A_43, %while3A_45 : i32
      %while3A_47 = arith.muli %while3A_46, %while3A_45 : i32
      %while3A_48 = arith.addi %squeeze3A, %while3A_47 : i32
      %while3A_49 = arith.constant 1 : i32
      %while3A_50 = scf.for %while3A_70 = %squeeze3A to %while3A_48 step %while3A_49 iter_args(%while3A_71 = %broadcast_in_dim3A_42) -> (vector<16xf32>)  : i32 {
        %broadcast_in_dim3A_72 = arith.constant 0.000000e+00 : f32
        %broadcast_in_dim3A_73 = vector.broadcast %broadcast_in_dim3A_72 : f32 to vector<16xf32>
        %scan3A_74 = arith.constant 0 : i32
        %scan3A_75 = arith.constant 16 : i32
        %scan3A_76 = arith.addi %scan3A_74, %scan3A_75 : i32
        %scan3A_77 = arith.constant 1 : i32
        %scan3A_78 = scf.for %scan3A_107 = %scan3A_74 to %scan3A_76 step %scan3A_77 iter_args(%scan3A_108 = %broadcast_in_dim3A_73) -> (vector<16xf32>)  : i32 {
          %mul3A_109 = arith.constant 16 : i32
          %mul3A_110 = arith.muli %scan3A_107, %mul3A_109 : i32
          %get3A_111 = arith.index_cast %mul3A_110 : i32 to index
          %get3A_112 = tpu.vector_load %arg11[%get3A_111] {strides = array<i32>} : memref<256xf32, #tpu.memory_space<vmem>>, vector<16xf32>,
          %mul3A_113 = arith.constant 16 : i32
          %mul3A_114 = arith.muli %scan3A_107, %mul3A_113 : i32
          %get3A_115 = arith.index_cast %mul3A_114 : i32 to index
          %get3A_116 = tpu.vector_load %arg10[%get3A_115] {strides = array<i32>} : memref<256xi32, #tpu.memory_space<vmem>>, vector<16xi32>,
          %eq3A_117 = vector.broadcast %while3A_70 : i32 to vector<16xi32>
          %eq3A_118 = arith.cmpi eq, %get3A_116, %eq3A_117 : vector<16xi32>
          %jit3A = arith.constant 0.000000e+00 : f32
          %broadcast_in_dim3A_119 = vector.broadcast %jit3A : f32 to vector<16xf32>
          %select_n3A_120 = arith.select %eq3A_118, %get3A_112, %broadcast_in_dim3A_119 : vector<16xi1>, vector<16xf32>
          %add3A_121 = arith.addf %scan3A_108, %select_n3A_120 : vector<16xf32>
          scf.yield %add3A_121 : vector<16xf32>
        }
        %scan3A_79 = arith.constant 16 : i32
        %eq3A = vector.broadcast %while3A_70 : i32 to vector<16xi32>
        %eq3A_80 = arith.cmpi eq, %iota3A, %eq3A : vector<16xi32>
        %xor3A = arith.constant 8 : i32
        %xor3A_81 = vector.broadcast %xor3A : i32 to vector<16xi32>
        %xor3A_82 = arith.xori %iota3A, %xor3A_81 : vector<16xi32>
        %broadcast_in_dim3A_83 = vector.shape_cast %xor3A_82 : vector<16xi32> to vector<16x1xi32>
        %gather3A = vector.shape_cast %broadcast_in_dim3A_83 : vector<16x1xi32> to vector<16xi32>
        %gather3A_84 = tpu.dynamic_gather %scan3A_78[%gather3A] in [0] : vector<16xf32>, vector<16xi32> -> vector<16xf32>
        %add3A_85 = arith.addf %scan3A_78, %gather3A_84 : vector<16xf32>
        %xor3A_86 = arith.constant 4 : i32
        %xor3A_87 = vector.broadcast %xor3A_86 : i32 to vector<16xi32>
        %xor3A_88 = arith.xori %iota3A, %xor3A_87 : vector<16xi32>
        %broadcast_in_dim3A_89 = vector.shape_cast %xor3A_88 : vector<16xi32> to vector<16x1xi32>
        %gather3A_90 = vector.shape_cast %broadcast_in_dim3A_89 : vector<16x1xi32> to vector<16xi32>
        %gather3A_91 = tpu.dynamic_gather %add3A_85[%gather3A_90] in [0] : vector<16xf32>, vector<16xi32> -> vector<16xf32>
        %add3A_92 = arith.addf %add3A_85, %gather3A_91 : vector<16xf32>
        %xor3A_93 = arith.constant 2 : i32
        %xor3A_94 = vector.broadcast %xor3A_93 : i32 to vector<16xi32>
        %xor3A_95 = arith.xori %iota3A, %xor3A_94 : vector<16xi32>
        %broadcast_in_dim3A_96 = vector.shape_cast %xor3A_95 : vector<16xi32> to vector<16x1xi32>
        %gather3A_97 = vector.shape_cast %broadcast_in_dim3A_96 : vector<16x1xi32> to vector<16xi32>
        %gather3A_98 = tpu.dynamic_gather %add3A_92[%gather3A_97] in [0] : vector<16xf32>, vector<16xi32> -> vector<16xf32>
        %add3A_99 = arith.addf %add3A_92, %gather3A_98 : vector<16xf32>
        %xor3A_100 = arith.constant 1 : i32
        %xor3A_101 = vector.broadcast %xor3A_100 : i32 to vector<16xi32>
        %xor3A_102 = arith.xori %iota3A, %xor3A_101 : vector<16xi32>
        %broadcast_in_dim3A_103 = vector.shape_cast %xor3A_102 : vector<16xi32> to vector<16x1xi32>
        %gather3A_104 = vector.shape_cast %broadcast_in_dim3A_103 : vector<16x1xi32> to vector<16xi32>
        %gather3A_105 = tpu.dynamic_gather %add3A_99[%gather3A_104] in [0] : vector<16xf32>, vector<16xi32> -> vector<16xf32>
        %add3A_106 = arith.addf %add3A_99, %gather3A_105 : vector<16xf32>
        %select_n3A = arith.select %eq3A_80, %add3A_106, %while3A_71 : vector<16xi1>, vector<16xf32>
        scf.yield %select_n3A : vector<16xf32>
      }
      %while3A_51 = arith.constant 1 : i32
      %while3A_52 = scf.for %while3A_70 = %while3A_48 to %while3A_44 step %while3A_51 iter_args(%while3A_71 = %while3A_50) -> (vector<16xf32>)  : i32 {
        %broadcast_in_dim3A_72 = arith.constant 0.000000e+00 : f32
        %broadcast_in_dim3A_73 = vector.broadcast %broadcast_in_dim3A_72 : f32 to vector<16xf32>
        %scan3A_74 = arith.constant 0 : i32
        %scan3A_75 = arith.constant 16 : i32
        %scan3A_76 = arith.addi %scan3A_74, %scan3A_75 : i32
        %scan3A_77 = arith.constant 1 : i32
        %scan3A_78 = scf.for %scan3A_107 = %scan3A_74 to %scan3A_76 step %scan3A_77 iter_args(%scan3A_108 = %broadcast_in_dim3A_73) -> (vector<16xf32>)  : i32 {
          %mul3A_109 = arith.constant 16 : i32
          %mul3A_110 = arith.muli %scan3A_107, %mul3A_109 : i32
          %get3A_111 = arith.index_cast %mul3A_110 : i32 to index
          %get3A_112 = tpu.vector_load %arg11[%get3A_111] {strides = array<i32>} : memref<256xf32, #tpu.memory_space<vmem>>, vector<16xf32>,
          %mul3A_113 = arith.constant 16 : i32
          %mul3A_114 = arith.muli %scan3A_107, %mul3A_113 : i32
          %get3A_115 = arith.index_cast %mul3A_114 : i32 to index
          %get3A_116 = tpu.vector_load %arg10[%get3A_115] {strides = array<i32>} : memref<256xi32, #tpu.memory_space<vmem>>, vector<16xi32>,
          %eq3A_117 = vector.broadcast %while3A_70 : i32 to vector<16xi32>
          %eq3A_118 = arith.cmpi eq, %get3A_116, %eq3A_117 : vector<16xi32>
          %jit3A = arith.constant 0.000000e+00 : f32
          %broadcast_in_dim3A_119 = vector.broadcast %jit3A : f32 to vector<16xf32>
          %select_n3A_120 = arith.select %eq3A_118, %get3A_112, %broadcast_in_dim3A_119 : vector<16xi1>, vector<16xf32>
          %add3A_121 = arith.addf %scan3A_108, %select_n3A_120 : vector<16xf32>
          scf.yield %add3A_121 : vector<16xf32>
        }
        %scan3A_79 = arith.constant 16 : i32
        %eq3A = vector.broadcast %while3A_70 : i32 to vector<16xi32>
        %eq3A_80 = arith.cmpi eq, %iota3A, %eq3A : vector<16xi32>
        %xor3A = arith.constant 8 : i32
        %xor3A_81 = vector.broadcast %xor3A : i32 to vector<16xi32>
        %xor3A_82 = arith.xori %iota3A, %xor3A_81 : vector<16xi32>
        %broadcast_in_dim3A_83 = vector.shape_cast %xor3A_82 : vector<16xi32> to vector<16x1xi32>
        %gather3A = vector.shape_cast %broadcast_in_dim3A_83 : vector<16x1xi32> to vector<16xi32>
        %gather3A_84 = tpu.dynamic_gather %scan3A_78[%gather3A] in [0] : vector<16xf32>, vector<16xi32> -> vector<16xf32>
        %add3A_85 = arith.addf %scan3A_78, %gather3A_84 : vector<16xf32>
        %xor3A_86 = arith.constant 4 : i32
        %xor3A_87 = vector.broadcast %xor3A_86 : i32 to vector<16xi32>
        %xor3A_88 = arith.xori %iota3A, %xor3A_87 : vector<16xi32>
        %broadcast_in_dim3A_89 = vector.shape_cast %xor3A_88 : vector<16xi32> to vector<16x1xi32>
        %gather3A_90 = vector.shape_cast %broadcast_in_dim3A_89 : vector<16x1xi32> to vector<16xi32>
        %gather3A_91 = tpu.dynamic_gather %add3A_85[%gather3A_90] in [0] : vector<16xf32>, vector<16xi32> -> vector<16xf32>
        %add3A_92 = arith.addf %add3A_85, %gather3A_91 : vector<16xf32>
        %xor3A_93 = arith.constant 2 : i32
        %xor3A_94 = vector.broadcast %xor3A_93 : i32 to vector<16xi32>
        %xor3A_95 = arith.xori %iota3A, %xor3A_94 : vector<16xi32>
        %broadcast_in_dim3A_96 = vector.shape_cast %xor3A_95 : vector<16xi32> to vector<16x1xi32>
        %gather3A_97 = vector.shape_cast %broadcast_in_dim3A_96 : vector<16x1xi32> to vector<16xi32>
        %gather3A_98 = tpu.dynamic_gather %add3A_92[%gather3A_97] in [0] : vector<16xf32>, vector<16xi32> -> vector<16xf32>
        %add3A_99 = arith.addf %add3A_92, %gather3A_98 : vector<16xf32>
        %xor3A_100 = arith.constant 1 : i32
        %xor3A_101 = vector.broadcast %xor3A_100 : i32 to vector<16xi32>
        %xor3A_102 = arith.xori %iota3A, %xor3A_101 : vector<16xi32>
        %broadcast_in_dim3A_103 = vector.shape_cast %xor3A_102 : vector<16xi32> to vector<16x1xi32>
        %gather3A_104 = vector.shape_cast %broadcast_in_dim3A_103 : vector<16x1xi32> to vector<16xi32>
        %gather3A_105 = tpu.dynamic_gather %add3A_99[%gather3A_104] in [0] : vector<16xf32>, vector<16xi32> -> vector<16xf32>
        %add3A_106 = arith.addf %add3A_99, %gather3A_105 : vector<16xf32>
        %select_n3A = arith.select %eq3A_80, %add3A_106, %while3A_71 : vector<16xi1>, vector<16xf32>
        scf.yield %select_n3A : vector<16xf32>
      }
      %swap3A_53 = arith.constant 0 : index
      %swap3A_54 = tpu.vector_load %arg13[%swap3A_53] {strides = array<i32>} : memref<16xf32, #tpu.memory_space<vmem>>, vector<16xf32>,
      tpu.vector_store %arg13[%swap3A_53], %while3A_52 {strides = array<i32>} : memref<16xf32, #tpu.memory_space<vmem>>, vector<16xf32>,
      %scan3A_55 = arith.constant 0 : i32
      %scan3A_56 = arith.constant 0 : i32
      %scan3A_57 = arith.constant 128 : i32
      %scan3A_58 = arith.addi %scan3A_56, %scan3A_57 : i32
      %scan3A_59 = arith.constant 1 : i32
      %scan3A_60 = scf.for %scan3A_70 = %scan3A_56 to %scan3A_58 step %scan3A_59 iter_args(%scan3A_71 = %scan3A_55) -> (i32)  : i32 {
        %broadcast_in_dim3A_72 = arith.constant 0.000000e+00 : f32
        %broadcast_in_dim3A_73 = vector.broadcast %broadcast_in_dim3A_72 : f32 to vector<16xf32>
        %mul3A_74 = arith.constant 16 : i32
        %mul3A_75 = arith.muli %scan3A_70, %mul3A_74 : i32
        %swap3A_76 = arith.index_cast %mul3A_75 : i32 to index
        %swap3A_77 = tpu.vector_load %arg14[%swap3A_76] {strides = array<i32>} : memref<2048xf32, #tpu.memory_space<vmem>>, vector<16xf32>,
        tpu.vector_store %arg14[%swap3A_76], %broadcast_in_dim3A_73 {strides = array<i32>} : memref<2048xf32, #tpu.memory_space<vmem>>, vector<16xf32>,
        %scan3A_78 = arith.constant 0 : i32
        scf.yield %scan3A_78 : i32
      }
      %scan3A_61 = arith.constant 128 : i32
      %scan3A_62 = arith.constant 0 : i32
      %scan3A_63 = arith.constant 0 : i32
      %scan3A_64 = arith.constant 16 : i32
      %scan3A_65 = arith.addi %scan3A_63, %scan3A_64 : i32
      %scan3A_66 = arith.constant 1 : i32
      %scan3A_67 = scf.for %scan3A_70 = %scan3A_63 to %scan3A_65 step %scan3A_66 iter_args(%scan3A_71 = %scan3A_62) -> (i32)  : i32 {
        %mul3A_72 = arith.constant 16 : i32
        %mul3A_73 = arith.muli %scan3A_70, %mul3A_72 : i32
        %get3A_74 = arith.index_cast %mul3A_73 : i32 to index
        %get3A_75 = tpu.vector_load %arg11[%get3A_74] {strides = array<i32>} : memref<256xf32, #tpu.memory_space<vmem>>, vector<16xf32>,
        %mul3A_76 = arith.constant 16 : i32
        %mul3A_77 = arith.muli %scan3A_70, %mul3A_76 : i32
        %get3A_78 = arith.index_cast %mul3A_77 : i32 to index
        %get3A_79 = tpu.vector_load %arg10[%get3A_78] {strides = array<i32>} : memref<256xi32, #tpu.memory_space<vmem>>, vector<16xi32>,
        %slice3A_80 = vector.extract_strided_slice %get3A_75 {offsets = [0], sizes = [1], strides = [1]} : vector<16xf32> to vector<1xf32>
        %squeeze3A_81 = vector.extract %slice3A_80[0] : f32 from vector<1xf32>
        %slice3A_82 = vector.extract_strided_slice %get3A_79 {offsets = [0], sizes = [1], strides = [1]} : vector<16xi32> to vector<1xi32>
        %squeeze3A_83 = vector.extract %slice3A_82[0] : i32 from vector<1xi32>
        %mul3A_84 = arith.constant 128 : i32
        %mul3A_85 = arith.muli %squeeze3A_83, %mul3A_84 : i32
        %add3A_86 = arith.constant 0 : i32
        %add3A_87 = arith.addi %mul3A_85, %add3A_86 : i32
        %get3A_88 = arith.index_cast %add3A_87 : i32 to index
        %get3A_89 = tpu.vector_load %arg14[%get3A_88] {strides = array<i32>} : memref<2048xf32, #tpu.memory_space<vmem>>, vector<16xf32>,
        %mul3A_90 = arith.constant 16 : i32
        %mul3A_91 = arith.muli %scan3A_70, %mul3A_90 : i32
        %add3A_92 = arith.constant 0 : i32
        %add3A_93 = arith.addi %mul3A_91, %add3A_92 : i32
        %get3A_94 = arith.index_cast %add3A_93 : i32 to index
        %get3A_95 = arith.constant 0 : index
        %get3A_96 = tpu.vector_load %arg8[%get3A_94, %get3A_95] {strides = array<i32>} : memref<256x128xf32, #tpu.memory_space<vmem>>, vector<16xf32>,
        %mul3A_97 = vector.broadcast %squeeze3A_81 : f32 to vector<16xf32>
        %mul3A_98 = arith.mulf %mul3A_97, %get3A_96 : vector<16xf32>
        %add3A_99 = arith.addf %get3A_89, %mul3A_98 : vector<16xf32>
        %swap3A_100 = arith.index_cast %add3A_87 : i32 to index
        %swap3A_101 = tpu.vector_load %arg14[%swap3A_100] {strides = array<i32>} : memref<2048xf32, #tpu.memory_space<vmem>>, vector<16xf32>,
        tpu.vector_store %arg14[%swap3A_100], %add3A_99 {strides = array<i32>} : memref<2048xf32, #tpu.memory_space<vmem>>, vector<16xf32>,
        %add3A_102 = arith.constant 16 : i32
        %add3A_103 = arith.addi %mul3A_85, %add3A_102 : i32
        %get3A_104 = arith.index_cast %add3A_103 : i32 to index
        %get3A_105 = tpu.vector_load %arg14[%get3A_104] {strides = array<i32>} : memref<2048xf32, #tpu.memory_space<vmem>>, vector<16xf32>,
        %mul3A_106 = arith.constant 16 : i32
        %mul3A_107 = arith.muli %scan3A_70, %mul3A_106 : i32
        %add3A_108 = arith.constant 0 : i32
        %add3A_109 = arith.addi %mul3A_107, %add3A_108 : i32
        %get3A_110 = arith.index_cast %add3A_109 : i32 to index
        %get3A_111 = arith.constant 16 : index
        %get3A_112 = tpu.vector_load %arg8[%get3A_110, %get3A_111] {strides = array<i32>} : memref<256x128xf32, #tpu.memory_space<vmem>>, vector<16xf32>,
        %mul3A_113 = vector.broadcast %squeeze3A_81 : f32 to vector<16xf32>
        %mul3A_114 = arith.mulf %mul3A_113, %get3A_112 : vector<16xf32>
        %add3A_115 = arith.addf %get3A_105, %mul3A_114 : vector<16xf32>
        %swap3A_116 = arith.index_cast %add3A_103 : i32 to index
        %swap3A_117 = tpu.vector_load %arg14[%swap3A_116] {strides = array<i32>} : memref<2048xf32, #tpu.memory_space<vmem>>, vector<16xf32>,
        tpu.vector_store %arg14[%swap3A_116], %add3A_115 {strides = array<i32>} : memref<2048xf32, #tpu.memory_space<vmem>>, vector<16xf32>,
        %add3A_118 = arith.constant 32 : i32
        %add3A_119 = arith.addi %mul3A_85, %add3A_118 : i32
        %get3A_120 = arith.index_cast %add3A_119 : i32 to index
        %get3A_121 = tpu.vector_load %arg14[%get3A_120] {strides = array<i32>} : memref<2048xf32, #tpu.memory_space<vmem>>, vector<16xf32>,
        %mul3A_122 = arith.constant 16 : i32
        %mul3A_123 = arith.muli %scan3A_70, %mul3A_122 : i32
        %add3A_124 = arith.constant 0 : i32
        %add3A_125 = arith.addi %mul3A_123, %add3A_124 : i32
        %get3A_126 = arith.index_cast %add3A_125 : i32 to index
        %get3A_127 = arith.constant 32 : index
        %get3A_128 = tpu.vector_load %arg8[%get3A_126, %get3A_127] {strides = array<i32>} : memref<256x128xf32, #tpu.memory_space<vmem>>, vector<16xf32>,
        %mul3A_129 = vector.broadcast %squeeze3A_81 : f32 to vector<16xf32>
        %mul3A_130 = arith.mulf %mul3A_129, %get3A_128 : vector<16xf32>
        %add3A_131 = arith.addf %get3A_121, %mul3A_130 : vector<16xf32>
        %swap3A_132 = arith.index_cast %add3A_119 : i32 to index
        %swap3A_133 = tpu.vector_load %arg14[%swap3A_132] {strides = array<i32>} : memref<2048xf32, #tpu.memory_space<vmem>>, vector<16xf32>,
        tpu.vector_store %arg14[%swap3A_132], %add3A_131 {strides = array<i32>} : memref<2048xf32, #tpu.memory_space<vmem>>, vector<16xf32>,
        %add3A_134 = arith.constant 48 : i32
        %add3A_135 = arith.addi %mul3A_85, %add3A_134 : i32
        %get3A_136 = arith.index_cast %add3A_135 : i32 to index
        %get3A_137 = tpu.vector_load %arg14[%get3A_136] {strides = array<i32>} : memref<2048xf32, #tpu.memory_space<vmem>>, vector<16xf32>,
        %mul3A_138 = arith.constant 16 : i32
        %mul3A_139 = arith.muli %scan3A_70, %mul3A_138 : i32
        %add3A_140 = arith.constant 0 : i32
        %add3A_141 = arith.addi %mul3A_139, %add3A_140 : i32
        %get3A_142 = arith.index_cast %add3A_141 : i32 to index
        %get3A_143 = arith.constant 48 : index
        %get3A_144 = tpu.vector_load %arg8[%get3A_142, %get3A_143] {strides = array<i32>} : memref<256x128xf32, #tpu.memory_space<vmem>>, vector<16xf32>,
        %mul3A_145 = vector.broadcast %squeeze3A_81 : f32 to vector<16xf32>
        %mul3A_146 = arith.mulf %mul3A_145, %get3A_144 : vector<16xf32>
        %add3A_147 = arith.addf %get3A_137, %mul3A_146 : vector<16xf32>
        %swap3A_148 = arith.index_cast %add3A_135 : i32 to index
        %swap3A_149 = tpu.vector_load %arg14[%swap3A_148] {strides = array<i32>} : memref<2048xf32, #tpu.memory_space<vmem>>, vector<16xf32>,
        tpu.vector_store %arg14[%swap3A_148], %add3A_147 {strides = array<i32>} : memref<2048xf32, #tpu.memory_space<vmem>>, vector<16xf32>,
        %add3A_150 = arith.constant 64 : i32
        %add3A_151 = arith.addi %mul3A_85, %add3A_150 : i32
        %get3A_152 = arith.index_cast %add3A_151 : i32 to index
        %get3A_153 = tpu.vector_load %arg14[%get3A_152] {strides = array<i32>} : memref<2048xf32, #tpu.memory_space<vmem>>, vector<16xf32>,
        %mul3A_154 = arith.constant 16 : i32
        %mul3A_155 = arith.muli %scan3A_70, %mul3A_154 : i32
        %add3A_156 = arith.constant 0 : i32
        %add3A_157 = arith.addi %mul3A_155, %add3A_156 : i32
        %get3A_158 = arith.index_cast %add3A_157 : i32 to index
        %get3A_159 = arith.constant 64 : index
        %get3A_160 = tpu.vector_load %arg8[%get3A_158, %get3A_159] {strides = array<i32>} : memref<256x128xf32, #tpu.memory_space<vmem>>, vector<16xf32>,
        %mul3A_161 = vector.broadcast %squeeze3A_81 : f32 to vector<16xf32>
        %mul3A_162 = arith.mulf %mul3A_161, %get3A_160 : vector<16xf32>
        %add3A_163 = arith.addf %get3A_153, %mul3A_162 : vector<16xf32>
        %swap3A_164 = arith.index_cast %add3A_151 : i32 to index
        %swap3A_165 = tpu.vector_load %arg14[%swap3A_164] {strides = array<i32>} : memref<2048xf32, #tpu.memory_space<vmem>>, vector<16xf32>,
        tpu.vector_store %arg14[%swap3A_164], %add3A_163 {strides = array<i32>} : memref<2048xf32, #tpu.memory_space<vmem>>, vector<16xf32>,
        %add3A_166 = arith.constant 80 : i32
        %add3A_167 = arith.addi %mul3A_85, %add3A_166 : i32
        %get3A_168 = arith.index_cast %add3A_167 : i32 to index
        %get3A_169 = tpu.vector_load %arg14[%get3A_168] {strides = array<i32>} : memref<2048xf32, #tpu.memory_space<vmem>>, vector<16xf32>,
        %mul3A_170 = arith.constant 16 : i32
        %mul3A_171 = arith.muli %scan3A_70, %mul3A_170 : i32
        %add3A_172 = arith.constant 0 : i32
        %add3A_173 = arith.addi %mul3A_171, %add3A_172 : i32
        %get3A_174 = arith.index_cast %add3A_173 : i32 to index
        %get3A_175 = arith.constant 80 : index
        %get3A_176 = tpu.vector_load %arg8[%get3A_174, %get3A_175] {strides = array<i32>} : memref<256x128xf32, #tpu.memory_space<vmem>>, vector<16xf32>,
        %mul3A_177 = vector.broadcast %squeeze3A_81 : f32 to vector<16xf32>
        %mul3A_178 = arith.mulf %mul3A_177, %get3A_176 : vector<16xf32>
        %add3A_179 = arith.addf %get3A_169, %mul3A_178 : vector<16xf32>
        %swap3A_180 = arith.index_cast %add3A_167 : i32 to index
        %swap3A_181 = tpu.vector_load %arg14[%swap3A_180] {strides = array<i32>} : memref<2048xf32, #tpu.memory_space<vmem>>, vector<16xf32>,
        tpu.vector_store %arg14[%swap3A_180], %add3A_179 {strides = array<i32>} : memref<2048xf32, #tpu.memory_space<vmem>>, vector<16xf32>,
        %add3A_182 = arith.constant 96 : i32
        %add3A_183 = arith.addi %mul3A_85, %add3A_182 : i32
        %get3A_184 = arith.index_cast %add3A_183 : i32 to index
        %get3A_185 = tpu.vector_load %arg14[%get3A_184] {strides = array<i32>} : memref<2048xf32, #tpu.memory_space<vmem>>, vector<16xf32>,
        %mul3A_186 = arith.constant 16 : i32
        %mul3A_187 = arith.muli %scan3A_70, %mul3A_186 : i32
        %add3A_188 = arith.constant 0 : i32
        %add3A_189 = arith.addi %mul3A_187, %add3A_188 : i32
        %get3A_190 = arith.index_cast %add3A_189 : i32 to index
        %get3A_191 = arith.constant 96 : index
        %get3A_192 = tpu.vector_load %arg8[%get3A_190, %get3A_191] {strides = array<i32>} : memref<256x128xf32, #tpu.memory_space<vmem>>, vector<16xf32>,
        %mul3A_193 = vector.broadcast %squeeze3A_81 : f32 to vector<16xf32>
        %mul3A_194 = arith.mulf %mul3A_193, %get3A_192 : vector<16xf32>
        %add3A_195 = arith.addf %get3A_185, %mul3A_194 : vector<16xf32>
        %swap3A_196 = arith.index_cast %add3A_183 : i32 to index
        %swap3A_197 = tpu.vector_load %arg14[%swap3A_196] {strides = array<i32>} : memref<2048xf32, #tpu.memory_space<vmem>>, vector<16xf32>,
        tpu.vector_store %arg14[%swap3A_196], %add3A_195 {strides = array<i32>} : memref<2048xf32, #tpu.memory_space<vmem>>, vector<16xf32>,
        %add3A_198 = arith.constant 112 : i32
        %add3A_199 = arith.addi %mul3A_85, %add3A_198 : i32
        %get3A_200 = arith.index_cast %add3A_199 : i32 to index
        %get3A_201 = tpu.vector_load %arg14[%get3A_200] {strides = array<i32>} : memref<2048xf32, #tpu.memory_space<vmem>>, vector<16xf32>,
        %mul3A_202 = arith.constant 16 : i32
        %mul3A_203 = arith.muli %scan3A_70, %mul3A_202 : i32
        %add3A_204 = arith.constant 0 : i32
        %add3A_205 = arith.addi %mul3A_203, %add3A_204 : i32
        %get3A_206 = arith.index_cast %add3A_205 : i32 to index
        %get3A_207 = arith.constant 112 : index
        %get3A_208 = tpu.vector_load %arg8[%get3A_206, %get3A_207] {strides = array<i32>} : memref<256x128xf32, #tpu.memory_space<vmem>>, vector<16xf32>,
        %mul3A_209 = vector.broadcast %squeeze3A_81 : f32 to vector<16xf32>
        %mul3A_210 = arith.mulf %mul3A_209, %get3A_208 : vector<16xf32>
        %add3A_211 = arith.addf %get3A_201, %mul3A_210 : vector<16xf32>
        %swap3A_212 = arith.index_cast %add3A_199 : i32 to index
        %swap3A_213 = tpu.vector_load %arg14[%swap3A_212] {strides = array<i32>} : memref<2048xf32, #tpu.memory_space<vmem>>, vector<16xf32>,
        tpu.vector_store %arg14[%swap3A_212], %add3A_211 {strides = array<i32>} : memref<2048xf32, #tpu.memory_space<vmem>>, vector<16xf32>,
        %slice3A_214 = vector.extract_strided_slice %get3A_75 {offsets = [1], sizes = [1], strides = [1]} : vector<16xf32> to vector<1xf32>
        %squeeze3A_215 = vector.extract %slice3A_214[0] : f32 from vector<1xf32>
        %slice3A_216 = vector.extract_strided_slice %get3A_79 {offsets = [1], sizes = [1], strides = [1]} : vector<16xi32> to vector<1xi32>
        %squeeze3A_217 = vector.extract %slice3A_216[0] : i32 from vector<1xi32>
        %mul3A_218 = arith.constant 128 : i32
        %mul3A_219 = arith.muli %squeeze3A_217, %mul3A_218 : i32
        %add3A_220 = arith.constant 0 : i32
        %add3A_221 = arith.addi %mul3A_219, %add3A_220 : i32
        %get3A_222 = arith.index_cast %add3A_221 : i32 to index
        %get3A_223 = tpu.vector_load %arg14[%get3A_222] {strides = array<i32>} : memref<2048xf32, #tpu.memory_space<vmem>>, vector<16xf32>,
        %mul3A_224 = arith.constant 16 : i32
        %mul3A_225 = arith.muli %scan3A_70, %mul3A_224 : i32
        %add3A_226 = arith.constant 1 : i32
        %add3A_227 = arith.addi %mul3A_225, %add3A_226 : i32
        %get3A_228 = arith.index_cast %add3A_227 : i32 to index
        %get3A_229 = arith.constant 0 : index
        %get3A_230 = tpu.vector_load %arg8[%get3A_228, %get3A_229] {strides = array<i32>} : memref<256x128xf32, #tpu.memory_space<vmem>>, vector<16xf32>,
        %mul3A_231 = vector.broadcast %squeeze3A_215 : f32 to vector<16xf32>
        %mul3A_232 = arith.mulf %mul3A_231, %get3A_230 : vector<16xf32>
        %add3A_233 = arith.addf %get3A_223, %mul3A_232 : vector<16xf32>
        %swap3A_234 = arith.index_cast %add3A_221 : i32 to index
        %swap3A_235 = tpu.vector_load %arg14[%swap3A_234] {strides = array<i32>} : memref<2048xf32, #tpu.memory_space<vmem>>, vector<16xf32>,
        tpu.vector_store %arg14[%swap3A_234], %add3A_233 {strides = array<i32>} : memref<2048xf32, #tpu.memory_space<vmem>>, vector<16xf32>,
        %add3A_236 = arith.constant 16 : i32
        %add3A_237 = arith.addi %mul3A_219, %add3A_236 : i32
        %get3A_238 = arith.index_cast %add3A_237 : i32 to index
        %get3A_239 = tpu.vector_load %arg14[%get3A_238] {strides = array<i32>} : memref<2048xf32, #tpu.memory_space<vmem>>, vector<16xf32>,
        %mul3A_240 = arith.constant 16 : i32
        %mul3A_241 = arith.muli %scan3A_70, %mul3A_240 : i32
        %add3A_242 = arith.constant 1 : i32
        %add3A_243 = arith.addi %mul3A_241, %add3A_242 : i32
        %get3A_244 = arith.index_cast %add3A_243 : i32 to index
        %get3A_245 = arith.constant 16 : index
        %get3A_246 = tpu.vector_load %arg8[%get3A_244, %get3A_245] {strides = array<i32>} : memref<256x128xf32, #tpu.memory_space<vmem>>, vector<16xf32>,
        %mul3A_247 = vector.broadcast %squeeze3A_215 : f32 to vector<16xf32>
        %mul3A_248 = arith.mulf %mul3A_247, %get3A_246 : vector<16xf32>
        %add3A_249 = arith.addf %get3A_239, %mul3A_248 : vector<16xf32>
        %swap3A_250 = arith.index_cast %add3A_237 : i32 to index
        %swap3A_251 = tpu.vector_load %arg14[%swap3A_250] {strides = array<i32>} : memref<2048xf32, #tpu.memory_space<vmem>>, vector<16xf32>,
        tpu.vector_store %arg14[%swap3A_250], %add3A_249 {strides = array<i32>} : memref<2048xf32, #tpu.memory_space<vmem>>, vector<16xf32>,
        %add3A_252 = arith.constant 32 : i32
        %add3A_253 = arith.addi %mul3A_219, %add3A_252 : i32
        %get3A_254 = arith.index_cast %add3A_253 : i32 to index
        %get3A_255 = tpu.vector_load %arg14[%get3A_254] {strides = array<i32>} : memref<2048xf32, #tpu.memory_space<vmem>>, vector<16xf32>,
        %mul3A_256 = arith.constant 16 : i32
        %mul3A_257 = arith.muli %scan3A_70, %mul3A_256 : i32
        %add3A_258 = arith.constant 1 : i32
        %add3A_259 = arith.addi %mul3A_257, %add3A_258 : i32
        %get3A_260 = arith.index_cast %add3A_259 : i32 to index
        %get3A_261 = arith.constant 32 : index
        %get3A_262 = tpu.vector_load %arg8[%get3A_260, %get3A_261] {strides = array<i32>} : memref<256x128xf32, #tpu.memory_space<vmem>>, vector<16xf32>,
        %mul3A_263 = vector.broadcast %squeeze3A_215 : f32 to vector<16xf32>
        %mul3A_264 = arith.mulf %mul3A_263, %get3A_262 : vector<16xf32>
        %add3A_265 = arith.addf %get3A_255, %mul3A_264 : vector<16xf32>
        %swap3A_266 = arith.index_cast %add3A_253 : i32 to index
        %swap3A_267 = tpu.vector_load %arg14[%swap3A_266] {strides = array<i32>} : memref<2048xf32, #tpu.memory_space<vmem>>, vector<16xf32>,
        tpu.vector_store %arg14[%swap3A_266], %add3A_265 {strides = array<i32>} : memref<2048xf32, #tpu.memory_space<vmem>>, vector<16xf32>,
        %add3A_268 = arith.constant 48 : i32
        %add3A_269 = arith.addi %mul3A_219, %add3A_268 : i32
        %get3A_270 = arith.index_cast %add3A_269 : i32 to index
        %get3A_271 = tpu.vector_load %arg14[%get3A_270] {strides = array<i32>} : memref<2048xf32, #tpu.memory_space<vmem>>, vector<16xf32>,
        %mul3A_272 = arith.constant 16 : i32
        %mul3A_273 = arith.muli %scan3A_70, %mul3A_272 : i32
        %add3A_274 = arith.constant 1 : i32
        %add3A_275 = arith.addi %mul3A_273, %add3A_274 : i32
        %get3A_276 = arith.index_cast %add3A_275 : i32 to index
        %get3A_277 = arith.constant 48 : index
        %get3A_278 = tpu.vector_load %arg8[%get3A_276, %get3A_277] {strides = array<i32>} : memref<256x128xf32, #tpu.memory_space<vmem>>, vector<16xf32>,
        %mul3A_279 = vector.broadcast %squeeze3A_215 : f32 to vector<16xf32>
        %mul3A_280 = arith.mulf %mul3A_279, %get3A_278 : vector<16xf32>
        %add3A_281 = arith.addf %get3A_271, %mul3A_280 : vector<16xf32>
        %swap3A_282 = arith.index_cast %add3A_269 : i32 to index
        %swap3A_283 = tpu.vector_load %arg14[%swap3A_282] {strides = array<i32>} : memref<2048xf32, #tpu.memory_space<vmem>>, vector<16xf32>,
        tpu.vector_store %arg14[%swap3A_282], %add3A_281 {strides = array<i32>} : memref<2048xf32, #tpu.memory_space<vmem>>, vector<16xf32>,
        %add3A_284 = arith.constant 64 : i32
        %add3A_285 = arith.addi %mul3A_219, %add3A_284 : i32
        %get3A_286 = arith.index_cast %add3A_285 : i32 to index
        %get3A_287 = tpu.vector_load %arg14[%get3A_286] {strides = array<i32>} : memref<2048xf32, #tpu.memory_space<vmem>>, vector<16xf32>,
        %mul3A_288 = arith.constant 16 : i32
        %mul3A_289 = arith.muli %scan3A_70, %mul3A_288 : i32
        %add3A_290 = arith.constant 1 : i32
        %add3A_291 = arith.addi %mul3A_289, %add3A_290 : i32
        %get3A_292 = arith.index_cast %add3A_291 : i32 to index
        %get3A_293 = arith.constant 64 : index
        %get3A_294 = tpu.vector_load %arg8[%get3A_292, %get3A_293] {strides = array<i32>} : memref<256x128xf32, #tpu.memory_space<vmem>>, vector<16xf32>,
        %mul3A_295 = vector.broadcast %squeeze3A_215 : f32 to vector<16xf32>
        %mul3A_296 = arith.mulf %mul3A_295, %get3A_294 : vector<16xf32>
        %add3A_297 = arith.addf %get3A_287, %mul3A_296 : vector<16xf32>
        %swap3A_298 = arith.index_cast %add3A_285 : i32 to index
        %swap3A_299 = tpu.vector_load %arg14[%swap3A_298] {strides = array<i32>} : memref<2048xf32, #tpu.memory_space<vmem>>, vector<16xf32>,
        tpu.vector_store %arg14[%swap3A_298], %add3A_297 {strides = array<i32>} : memref<2048xf32, #tpu.memory_space<vmem>>, vector<16xf32>,
        %add3A_300 = arith.constant 80 : i32
        %add3A_301 = arith.addi %mul3A_219, %add3A_300 : i32
        %get3A_302 = arith.index_cast %add3A_301 : i32 to index
        %get3A_303 = tpu.vector_load %arg14[%get3A_302] {strides = array<i32>} : memref<2048xf32, #tpu.memory_space<vmem>>, vector<16xf32>,
        %mul3A_304 = arith.constant 16 : i32
        %mul3A_305 = arith.muli %scan3A_70, %mul3A_304 : i32
        %add3A_306 = arith.constant 1 : i32
        %add3A_307 = arith.addi %mul3A_305, %add3A_306 : i32
        %get3A_308 = arith.index_cast %add3A_307 : i32 to index
        %get3A_309 = arith.constant 80 : index
        %get3A_310 = tpu.vector_load %arg8[%get3A_308, %get3A_309] {strides = array<i32>} : memref<256x128xf32, #tpu.memory_space<vmem>>, vector<16xf32>,
        %mul3A_311 = vector.broadcast %squeeze3A_215 : f32 to vector<16xf32>
        %mul3A_312 = arith.mulf %mul3A_311, %get3A_310 : vector<16xf32>
        %add3A_313 = arith.addf %get3A_303, %mul3A_312 : vector<16xf32>
        %swap3A_314 = arith.index_cast %add3A_301 : i32 to index
        %swap3A_315 = tpu.vector_load %arg14[%swap3A_314] {strides = array<i32>} : memref<2048xf32, #tpu.memory_space<vmem>>, vector<16xf32>,
        tpu.vector_store %arg14[%swap3A_314], %add3A_313 {strides = array<i32>} : memref<2048xf32, #tpu.memory_space<vmem>>, vector<16xf32>,
        %add3A_316 = arith.constant 96 : i32
        %add3A_317 = arith.addi %mul3A_219, %add3A_316 : i32
        %get3A_318 = arith.index_cast %add3A_317 : i32 to index
        %get3A_319 = tpu.vector_load %arg14[%get3A_318] {strides = array<i32>} : memref<2048xf32, #tpu.memory_space<vmem>>, vector<16xf32>,
        %mul3A_320 = arith.constant 16 : i32
        %mul3A_321 = arith.muli %scan3A_70, %mul3A_320 : i32
        %add3A_322 = arith.constant 1 : i32
        %add3A_323 = arith.addi %mul3A_321, %add3A_322 : i32
        %get3A_324 = arith.index_cast %add3A_323 : i32 to index
        %get3A_325 = arith.constant 96 : index
        %get3A_326 = tpu.vector_load %arg8[%get3A_324, %get3A_325] {strides = array<i32>} : memref<256x128xf32, #tpu.memory_space<vmem>>, vector<16xf32>,
        %mul3A_327 = vector.broadcast %squeeze3A_215 : f32 to vector<16xf32>
        %mul3A_328 = arith.mulf %mul3A_327, %get3A_326 : vector<16xf32>
        %add3A_329 = arith.addf %get3A_319, %mul3A_328 : vector<16xf32>
        %swap3A_330 = arith.index_cast %add3A_317 : i32 to index
        %swap3A_331 = tpu.vector_load %arg14[%swap3A_330] {strides = array<i32>} : memref<2048xf32, #tpu.memory_space<vmem>>, vector<16xf32>,
        tpu.vector_store %arg14[%swap3A_330], %add3A_329 {strides = array<i32>} : memref<2048xf32, #tpu.memory_space<vmem>>, vector<16xf32>,
        %add3A_332 = arith.constant 112 : i32
        %add3A_333 = arith.addi %mul3A_219, %add3A_332 : i32
        %get3A_334 = arith.index_cast %add3A_333 : i32 to index
        %get3A_335 = tpu.vector_load %arg14[%get3A_334] {strides = array<i32>} : memref<2048xf32, #tpu.memory_space<vmem>>, vector<16xf32>,
        %mul3A_336 = arith.constant 16 : i32
        %mul3A_337 = arith.muli %scan3A_70, %mul3A_336 : i32
        %add3A_338 = arith.constant 1 : i32
        %add3A_339 = arith.addi %mul3A_337, %add3A_338 : i32
        %get3A_340 = arith.index_cast %add3A_339 : i32 to index
        %get3A_341 = arith.constant 112 : index
        %get3A_342 = tpu.vector_load %arg8[%get3A_340, %get3A_341] {strides = array<i32>} : memref<256x128xf32, #tpu.memory_space<vmem>>, vector<16xf32>,
        %mul3A_343 = vector.broadcast %squeeze3A_215 : f32 to vector<16xf32>
        %mul3A_344 = arith.mulf %mul3A_343, %get3A_342 : vector<16xf32>
        %add3A_345 = arith.addf %get3A_335, %mul3A_344 : vector<16xf32>
        %swap3A_346 = arith.index_cast %add3A_333 : i32 to index
        %swap3A_347 = tpu.vector_load %arg14[%swap3A_346] {strides = array<i32>} : memref<2048xf32, #tpu.memory_space<vmem>>, vector<16xf32>,
        tpu.vector_store %arg14[%swap3A_346], %add3A_345 {strides = array<i32>} : memref<2048xf32, #tpu.memory_space<vmem>>, vector<16xf32>,
        %slice3A_348 = vector.extract_strided_slice %get3A_75 {offsets = [2], sizes = [1], strides = [1]} : vector<16xf32> to vector<1xf32>
        %squeeze3A_349 = vector.extract %slice3A_348[0] : f32 from vector<1xf32>
        %slice3A_350 = vector.extract_strided_slice %get3A_79 {offsets = [2], sizes = [1], strides = [1]} : vector<16xi32> to vector<1xi32>
        %squeeze3A_351 = vector.extract %slice3A_350[0] : i32 from vector<1xi32>
        %mul3A_352 = arith.constant 128 : i32
        %mul3A_353 = arith.muli %squeeze3A_351, %mul3A_352 : i32
        %add3A_354 = arith.constant 0 : i32
        %add3A_355 = arith.addi %mul3A_353, %add3A_354 : i32
        %get3A_356 = arith.index_cast %add3A_355 : i32 to index
        %get3A_357 = tpu.vector_load %arg14[%get3A_356] {strides = array<i32>} : memref<2048xf32, #tpu.memory_space<vmem>>, vector<16xf32>,
        %mul3A_358 = arith.constant 16 : i32
        %mul3A_359 = arith.muli %scan3A_70, %mul3A_358 : i32
        %add3A_360 = arith.constant 2 : i32
        %add3A_361 = arith.addi %mul3A_359, %add3A_360 : i32
        %get3A_362 = arith.index_cast %add3A_361 : i32 to index
        %get3A_363 = arith.constant 0 : index
        %get3A_364 = tpu.vector_load %arg8[%get3A_362, %get3A_363] {strides = array<i32>} : memref<256x128xf32, #tpu.memory_space<vmem>>, vector<16xf32>,
        %mul3A_365 = vector.broadcast %squeeze3A_349 : f32 to vector<16xf32>
        %mul3A_366 = arith.mulf %mul3A_365, %get3A_364 : vector<16xf32>
        %add3A_367 = arith.addf %get3A_357, %mul3A_366 : vector<16xf32>
        %swap3A_368 = arith.index_cast %add3A_355 : i32 to index
        %swap3A_369 = tpu.vector_load %arg14[%swap3A_368] {strides = array<i32>} : memref<2048xf32, #tpu.memory_space<vmem>>, vector<16xf32>,
        tpu.vector_store %arg14[%swap3A_368], %add3A_367 {strides = array<i32>} : memref<2048xf32, #tpu.memory_space<vmem>>, vector<16xf32>,
        %add3A_370 = arith.constant 16 : i32
        %add3A_371 = arith.addi %mul3A_353, %add3A_370 : i32
        %get3A_372 = arith.index_cast %add3A_371 : i32 to index
        %get3A_373 = tpu.vector_load %arg14[%get3A_372] {strides = array<i32>} : memref<2048xf32, #tpu.memory_space<vmem>>, vector<16xf32>,
        %mul3A_374 = arith.constant 16 : i32
        %mul3A_375 = arith.muli %scan3A_70, %mul3A_374 : i32
        %add3A_376 = arith.constant 2 : i32
        %add3A_377 = arith.addi %mul3A_375, %add3A_376 : i32
        %get3A_378 = arith.index_cast %add3A_377 : i32 to index
        %get3A_379 = arith.constant 16 : index
        %get3A_380 = tpu.vector_load %arg8[%get3A_378, %get3A_379] {strides = array<i32>} : memref<256x128xf32, #tpu.memory_space<vmem>>, vector<16xf32>,
        %mul3A_381 = vector.broadcast %squeeze3A_349 : f32 to vector<16xf32>
        %mul3A_382 = arith.mulf %mul3A_381, %get3A_380 : vector<16xf32>
        %add3A_383 = arith.addf %get3A_373, %mul3A_382 : vector<16xf32>
        %swap3A_384 = arith.index_cast %add3A_371 : i32 to index
        %swap3A_385 = tpu.vector_load %arg14[%swap3A_384] {strides = array<i32>} : memref<2048xf32, #tpu.memory_space<vmem>>, vector<16xf32>,
        tpu.vector_store %arg14[%swap3A_384], %add3A_383 {strides = array<i32>} : memref<2048xf32, #tpu.memory_space<vmem>>, vector<16xf32>,
        %add3A_386 = arith.constant 32 : i32
        %add3A_387 = arith.addi %mul3A_353, %add3A_386 : i32
        %get3A_388 = arith.index_cast %add3A_387 : i32 to index
        %get3A_389 = tpu.vector_load %arg14[%get3A_388] {strides = array<i32>} : memref<2048xf32, #tpu.memory_space<vmem>>, vector<16xf32>,
        %mul3A_390 = arith.constant 16 : i32
        %mul3A_391 = arith.muli %scan3A_70, %mul3A_390 : i32
        %add3A_392 = arith.constant 2 : i32
        %add3A_393 = arith.addi %mul3A_391, %add3A_392 : i32
        %get3A_394 = arith.index_cast %add3A_393 : i32 to index
        %get3A_395 = arith.constant 32 : index
        %get3A_396 = tpu.vector_load %arg8[%get3A_394, %get3A_395] {strides = array<i32>} : memref<256x128xf32, #tpu.memory_space<vmem>>, vector<16xf32>,
        %mul3A_397 = vector.broadcast %squeeze3A_349 : f32 to vector<16xf32>
        %mul3A_398 = arith.mulf %mul3A_397, %get3A_396 : vector<16xf32>
        %add3A_399 = arith.addf %get3A_389, %mul3A_398 : vector<16xf32>
        %swap3A_400 = arith.index_cast %add3A_387 : i32 to index
        %swap3A_401 = tpu.vector_load %arg14[%swap3A_400] {strides = array<i32>} : memref<2048xf32, #tpu.memory_space<vmem>>, vector<16xf32>,
        tpu.vector_store %arg14[%swap3A_400], %add3A_399 {strides = array<i32>} : memref<2048xf32, #tpu.memory_space<vmem>>, vector<16xf32>,
        %add3A_402 = arith.constant 48 : i32
        %add3A_403 = arith.addi %mul3A_353, %add3A_402 : i32
        %get3A_404 = arith.index_cast %add3A_403 : i32 to index
        %get3A_405 = tpu.vector_load %arg14[%get3A_404] {strides = array<i32>} : memref<2048xf32, #tpu.memory_space<vmem>>, vector<16xf32>,
        %mul3A_406 = arith.constant 16 : i32
        %mul3A_407 = arith.muli %scan3A_70, %mul3A_406 : i32
        %add3A_408 = arith.constant 2 : i32
        %add3A_409 = arith.addi %mul3A_407, %add3A_408 : i32
        %get3A_410 = arith.index_cast %add3A_409 : i32 to index
        %get3A_411 = arith.constant 48 : index
        %get3A_412 = tpu.vector_load %arg8[%get3A_410, %get3A_411] {strides = array<i32>} : memref<256x128xf32, #tpu.memory_space<vmem>>, vector<16xf32>,
        %mul3A_413 = vector.broadcast %squeeze3A_349 : f32 to vector<16xf32>
        %mul3A_414 = arith.mulf %mul3A_413, %get3A_412 : vector<16xf32>
        %add3A_415 = arith.addf %get3A_405, %mul3A_414 : vector<16xf32>
        %swap3A_416 = arith.index_cast %add3A_403 : i32 to index
        %swap3A_417 = tpu.vector_load %arg14[%swap3A_416] {strides = array<i32>} : memref<2048xf32, #tpu.memory_space<vmem>>, vector<16xf32>,
        tpu.vector_store %arg14[%swap3A_416], %add3A_415 {strides = array<i32>} : memref<2048xf32, #tpu.memory_space<vmem>>, vector<16xf32>,
        %add3A_418 = arith.constant 64 : i32
        %add3A_419 = arith.addi %mul3A_353, %add3A_418 : i32
        %get3A_420 = arith.index_cast %add3A_419 : i32 to index
        %get3A_421 = tpu.vector_load %arg14[%get3A_420] {strides = array<i32>} : memref<2048xf32, #tpu.memory_space<vmem>>, vector<16xf32>,
        %mul3A_422 = arith.constant 16 : i32
        %mul3A_423 = arith.muli %scan3A_70, %mul3A_422 : i32
        %add3A_424 = arith.constant 2 : i32
        %add3A_425 = arith.addi %mul3A_423, %add3A_424 : i32
        %get3A_426 = arith.index_cast %add3A_425 : i32 to index
        %get3A_427 = arith.constant 64 : index
        %get3A_428 = tpu.vector_load %arg8[%get3A_426, %get3A_427] {strides = array<i32>} : memref<256x128xf32, #tpu.memory_space<vmem>>, vector<16xf32>,
        %mul3A_429 = vector.broadcast %squeeze3A_349 : f32 to vector<16xf32>
        %mul3A_430 = arith.mulf %mul3A_429, %get3A_428 : vector<16xf32>
        %add3A_431 = arith.addf %get3A_421, %mul3A_430 : vector<16xf32>
        %swap3A_432 = arith.index_cast %add3A_419 : i32 to index
        %swap3A_433 = tpu.vector_load %arg14[%swap3A_432] {strides = array<i32>} : memref<2048xf32, #tpu.memory_space<vmem>>, vector<16xf32>,
        tpu.vector_store %arg14[%swap3A_432], %add3A_431 {strides = array<i32>} : memref<2048xf32, #tpu.memory_space<vmem>>, vector<16xf32>,
        %add3A_434 = arith.constant 80 : i32
        %add3A_435 = arith.addi %mul3A_353, %add3A_434 : i32
        %get3A_436 = arith.index_cast %add3A_435 : i32 to index
        %get3A_437 = tpu.vector_load %arg14[%get3A_436] {strides = array<i32>} : memref<2048xf32, #tpu.memory_space<vmem>>, vector<16xf32>,
        %mul3A_438 = arith.constant 16 : i32
        %mul3A_439 = arith.muli %scan3A_70, %mul3A_438 : i32
        %add3A_440 = arith.constant 2 : i32
        %add3A_441 = arith.addi %mul3A_439, %add3A_440 : i32
        %get3A_442 = arith.index_cast %add3A_441 : i32 to index
        %get3A_443 = arith.constant 80 : index
        %get3A_444 = tpu.vector_load %arg8[%get3A_442, %get3A_443] {strides = array<i32>} : memref<256x128xf32, #tpu.memory_space<vmem>>, vector<16xf32>,
        %mul3A_445 = vector.broadcast %squeeze3A_349 : f32 to vector<16xf32>
        %mul3A_446 = arith.mulf %mul3A_445, %get3A_444 : vector<16xf32>
        %add3A_447 = arith.addf %get3A_437, %mul3A_446 : vector<16xf32>
        %swap3A_448 = arith.index_cast %add3A_435 : i32 to index
        %swap3A_449 = tpu.vector_load %arg14[%swap3A_448] {strides = array<i32>} : memref<2048xf32, #tpu.memory_space<vmem>>, vector<16xf32>,
        tpu.vector_store %arg14[%swap3A_448], %add3A_447 {strides = array<i32>} : memref<2048xf32, #tpu.memory_space<vmem>>, vector<16xf32>,
        %add3A_450 = arith.constant 96 : i32
        %add3A_451 = arith.addi %mul3A_353, %add3A_450 : i32
        %get3A_452 = arith.index_cast %add3A_451 : i32 to index
        %get3A_453 = tpu.vector_load %arg14[%get3A_452] {strides = array<i32>} : memref<2048xf32, #tpu.memory_space<vmem>>, vector<16xf32>,
        %mul3A_454 = arith.constant 16 : i32
        %mul3A_455 = arith.muli %scan3A_70, %mul3A_454 : i32
        %add3A_456 = arith.constant 2 : i32
        %add3A_457 = arith.addi %mul3A_455, %add3A_456 : i32
        %get3A_458 = arith.index_cast %add3A_457 : i32 to index
        %get3A_459 = arith.constant 96 : index
        %get3A_460 = tpu.vector_load %arg8[%get3A_458, %get3A_459] {strides = array<i32>} : memref<256x128xf32, #tpu.memory_space<vmem>>, vector<16xf32>,
        %mul3A_461 = vector.broadcast %squeeze3A_349 : f32 to vector<16xf32>
        %mul3A_462 = arith.mulf %mul3A_461, %get3A_460 : vector<16xf32>
        %add3A_463 = arith.addf %get3A_453, %mul3A_462 : vector<16xf32>
        %swap3A_464 = arith.index_cast %add3A_451 : i32 to index
        %swap3A_465 = tpu.vector_load %arg14[%swap3A_464] {strides = array<i32>} : memref<2048xf32, #tpu.memory_space<vmem>>, vector<16xf32>,
        tpu.vector_store %arg14[%swap3A_464], %add3A_463 {strides = array<i32>} : memref<2048xf32, #tpu.memory_space<vmem>>, vector<16xf32>,
        %add3A_466 = arith.constant 112 : i32
        %add3A_467 = arith.addi %mul3A_353, %add3A_466 : i32
        %get3A_468 = arith.index_cast %add3A_467 : i32 to index
        %get3A_469 = tpu.vector_load %arg14[%get3A_468] {strides = array<i32>} : memref<2048xf32, #tpu.memory_space<vmem>>, vector<16xf32>,
        %mul3A_470 = arith.constant 16 : i32
        %mul3A_471 = arith.muli %scan3A_70, %mul3A_470 : i32
        %add3A_472 = arith.constant 2 : i32
        %add3A_473 = arith.addi %mul3A_471, %add3A_472 : i32
        %get3A_474 = arith.index_cast %add3A_473 : i32 to index
        %get3A_475 = arith.constant 112 : index
        %get3A_476 = tpu.vector_load %arg8[%get3A_474, %get3A_475] {strides = array<i32>} : memref<256x128xf32, #tpu.memory_space<vmem>>, vector<16xf32>,
        %mul3A_477 = vector.broadcast %squeeze3A_349 : f32 to vector<16xf32>
        %mul3A_478 = arith.mulf %mul3A_477, %get3A_476 : vector<16xf32>
        %add3A_479 = arith.addf %get3A_469, %mul3A_478 : vector<16xf32>
        %swap3A_480 = arith.index_cast %add3A_467 : i32 to index
        %swap3A_481 = tpu.vector_load %arg14[%swap3A_480] {strides = array<i32>} : memref<2048xf32, #tpu.memory_space<vmem>>, vector<16xf32>,
        tpu.vector_store %arg14[%swap3A_480], %add3A_479 {strides = array<i32>} : memref<2048xf32, #tpu.memory_space<vmem>>, vector<16xf32>,
        %slice3A_482 = vector.extract_strided_slice %get3A_75 {offsets = [3], sizes = [1], strides = [1]} : vector<16xf32> to vector<1xf32>
        %squeeze3A_483 = vector.extract %slice3A_482[0] : f32 from vector<1xf32>
        %slice3A_484 = vector.extract_strided_slice %get3A_79 {offsets = [3], sizes = [1], strides = [1]} : vector<16xi32> to vector<1xi32>
        %squeeze3A_485 = vector.extract %slice3A_484[0] : i32 from vector<1xi32>
        %mul3A_486 = arith.constant 128 : i32
        %mul3A_487 = arith.muli %squeeze3A_485, %mul3A_486 : i32
        %add3A_488 = arith.constant 0 : i32
        %add3A_489 = arith.addi %mul3A_487, %add3A_488 : i32
        %get3A_490 = arith.index_cast %add3A_489 : i32 to index
        %get3A_491 = tpu.vector_load %arg14[%get3A_490] {strides = array<i32>} : memref<2048xf32, #tpu.memory_space<vmem>>, vector<16xf32>,
        %mul3A_492 = arith.constant 16 : i32
        %mul3A_493 = arith.muli %scan3A_70, %mul3A_492 : i32
        %add3A_494 = arith.constant 3 : i32
        %add3A_495 = arith.addi %mul3A_493, %add3A_494 : i32
        %get3A_496 = arith.index_cast %add3A_495 : i32 to index
        %get3A_497 = arith.constant 0 : index
        %get3A_498 = tpu.vector_load %arg8[%get3A_496, %get3A_497] {strides = array<i32>} : memref<256x128xf32, #tpu.memory_space<vmem>>, vector<16xf32>,
        %mul3A_499 = vector.broadcast %squeeze3A_483 : f32 to vector<16xf32>
        %mul3A_500 = arith.mulf %mul3A_499, %get3A_498 : vector<16xf32>
        %add3A_501 = arith.addf %get3A_491, %mul3A_500 : vector<16xf32>
        %swap3A_502 = arith.index_cast %add3A_489 : i32 to index
        %swap3A_503 = tpu.vector_load %arg14[%swap3A_502] {strides = array<i32>} : memref<2048xf32, #tpu.memory_space<vmem>>, vector<16xf32>,
        tpu.vector_store %arg14[%swap3A_502], %add3A_501 {strides = array<i32>} : memref<2048xf32, #tpu.memory_space<vmem>>, vector<16xf32>,
        %add3A_504 = arith.constant 16 : i32
        %add3A_505 = arith.addi %mul3A_487, %add3A_504 : i32
        %get3A_506 = arith.index_cast %add3A_505 : i32 to index
        %get3A_507 = tpu.vector_load %arg14[%get3A_506] {strides = array<i32>} : memref<2048xf32, #tpu.memory_space<vmem>>, vector<16xf32>,
        %mul3A_508 = arith.constant 16 : i32
        %mul3A_509 = arith.muli %scan3A_70, %mul3A_508 : i32
        %add3A_510 = arith.constant 3 : i32
        %add3A_511 = arith.addi %mul3A_509, %add3A_510 : i32
        %get3A_512 = arith.index_cast %add3A_511 : i32 to index
        %get3A_513 = arith.constant 16 : index
        %get3A_514 = tpu.vector_load %arg8[%get3A_512, %get3A_513] {strides = array<i32>} : memref<256x128xf32, #tpu.memory_space<vmem>>, vector<16xf32>,
        %mul3A_515 = vector.broadcast %squeeze3A_483 : f32 to vector<16xf32>
        %mul3A_516 = arith.mulf %mul3A_515, %get3A_514 : vector<16xf32>
        %add3A_517 = arith.addf %get3A_507, %mul3A_516 : vector<16xf32>
        %swap3A_518 = arith.index_cast %add3A_505 : i32 to index
        %swap3A_519 = tpu.vector_load %arg14[%swap3A_518] {strides = array<i32>} : memref<2048xf32, #tpu.memory_space<vmem>>, vector<16xf32>,
        tpu.vector_store %arg14[%swap3A_518], %add3A_517 {strides = array<i32>} : memref<2048xf32, #tpu.memory_space<vmem>>, vector<16xf32>,
        %add3A_520 = arith.constant 32 : i32
        %add3A_521 = arith.addi %mul3A_487, %add3A_520 : i32
        %get3A_522 = arith.index_cast %add3A_521 : i32 to index
        %get3A_523 = tpu.vector_load %arg14[%get3A_522] {strides = array<i32>} : memref<2048xf32, #tpu.memory_space<vmem>>, vector<16xf32>,
        %mul3A_524 = arith.constant 16 : i32
        %mul3A_525 = arith.muli %scan3A_70, %mul3A_524 : i32
        %add3A_526 = arith.constant 3 : i32
        %add3A_527 = arith.addi %mul3A_525, %add3A_526 : i32
        %get3A_528 = arith.index_cast %add3A_527 : i32 to index
        %get3A_529 = arith.constant 32 : index
        %get3A_530 = tpu.vector_load %arg8[%get3A_528, %get3A_529] {strides = array<i32>} : memref<256x128xf32, #tpu.memory_space<vmem>>, vector<16xf32>,
        %mul3A_531 = vector.broadcast %squeeze3A_483 : f32 to vector<16xf32>
        %mul3A_532 = arith.mulf %mul3A_531, %get3A_530 : vector<16xf32>
        %add3A_533 = arith.addf %get3A_523, %mul3A_532 : vector<16xf32>
        %swap3A_534 = arith.index_cast %add3A_521 : i32 to index
        %swap3A_535 = tpu.vector_load %arg14[%swap3A_534] {strides = array<i32>} : memref<2048xf32, #tpu.memory_space<vmem>>, vector<16xf32>,
        tpu.vector_store %arg14[%swap3A_534], %add3A_533 {strides = array<i32>} : memref<2048xf32, #tpu.memory_space<vmem>>, vector<16xf32>,
        %add3A_536 = arith.constant 48 : i32
        %add3A_537 = arith.addi %mul3A_487, %add3A_536 : i32
        %get3A_538 = arith.index_cast %add3A_537 : i32 to index
        %get3A_539 = tpu.vector_load %arg14[%get3A_538] {strides = array<i32>} : memref<2048xf32, #tpu.memory_space<vmem>>, vector<16xf32>,
        %mul3A_540 = arith.constant 16 : i32
        %mul3A_541 = arith.muli %scan3A_70, %mul3A_540 : i32
        %add3A_542 = arith.constant 3 : i32
        %add3A_543 = arith.addi %mul3A_541, %add3A_542 : i32
        %get3A_544 = arith.index_cast %add3A_543 : i32 to index
        %get3A_545 = arith.constant 48 : index
        %get3A_546 = tpu.vector_load %arg8[%get3A_544, %get3A_545] {strides = array<i32>} : memref<256x128xf32, #tpu.memory_space<vmem>>, vector<16xf32>,
        %mul3A_547 = vector.broadcast %squeeze3A_483 : f32 to vector<16xf32>
        %mul3A_548 = arith.mulf %mul3A_547, %get3A_546 : vector<16xf32>
        %add3A_549 = arith.addf %get3A_539, %mul3A_548 : vector<16xf32>
        %swap3A_550 = arith.index_cast %add3A_537 : i32 to index
        %swap3A_551 = tpu.vector_load %arg14[%swap3A_550] {strides = array<i32>} : memref<2048xf32, #tpu.memory_space<vmem>>, vector<16xf32>,
        tpu.vector_store %arg14[%swap3A_550], %add3A_549 {strides = array<i32>} : memref<2048xf32, #tpu.memory_space<vmem>>, vector<16xf32>,
        %add3A_552 = arith.constant 64 : i32
        %add3A_553 = arith.addi %mul3A_487, %add3A_552 : i32
        %get3A_554 = arith.index_cast %add3A_553 : i32 to index
        %get3A_555 = tpu.vector_load %arg14[%get3A_554] {strides = array<i32>} : memref<2048xf32, #tpu.memory_space<vmem>>, vector<16xf32>,
        %mul3A_556 = arith.constant 16 : i32
        %mul3A_557 = arith.muli %scan3A_70, %mul3A_556 : i32
        %add3A_558 = arith.constant 3 : i32
        %add3A_559 = arith.addi %mul3A_557, %add3A_558 : i32
        %get3A_560 = arith.index_cast %add3A_559 : i32 to index
        %get3A_561 = arith.constant 64 : index
        %get3A_562 = tpu.vector_load %arg8[%get3A_560, %get3A_561] {strides = array<i32>} : memref<256x128xf32, #tpu.memory_space<vmem>>, vector<16xf32>,
        %mul3A_563 = vector.broadcast %squeeze3A_483 : f32 to vector<16xf32>
        %mul3A_564 = arith.mulf %mul3A_563, %get3A_562 : vector<16xf32>
        %add3A_565 = arith.addf %get3A_555, %mul3A_564 : vector<16xf32>
        %swap3A_566 = arith.index_cast %add3A_553 : i32 to index
        %swap3A_567 = tpu.vector_load %arg14[%swap3A_566] {strides = array<i32>} : memref<2048xf32, #tpu.memory_space<vmem>>, vector<16xf32>,
        tpu.vector_store %arg14[%swap3A_566], %add3A_565 {strides = array<i32>} : memref<2048xf32, #tpu.memory_space<vmem>>, vector<16xf32>,
        %add3A_568 = arith.constant 80 : i32
        %add3A_569 = arith.addi %mul3A_487, %add3A_568 : i32
        %get3A_570 = arith.index_cast %add3A_569 : i32 to index
        %get3A_571 = tpu.vector_load %arg14[%get3A_570] {strides = array<i32>} : memref<2048xf32, #tpu.memory_space<vmem>>, vector<16xf32>,
        %mul3A_572 = arith.constant 16 : i32
        %mul3A_573 = arith.muli %scan3A_70, %mul3A_572 : i32
        %add3A_574 = arith.constant 3 : i32
        %add3A_575 = arith.addi %mul3A_573, %add3A_574 : i32
        %get3A_576 = arith.index_cast %add3A_575 : i32 to index
        %get3A_577 = arith.constant 80 : index
        %get3A_578 = tpu.vector_load %arg8[%get3A_576, %get3A_577] {strides = array<i32>} : memref<256x128xf32, #tpu.memory_space<vmem>>, vector<16xf32>,
        %mul3A_579 = vector.broadcast %squeeze3A_483 : f32 to vector<16xf32>
        %mul3A_580 = arith.mulf %mul3A_579, %get3A_578 : vector<16xf32>
        %add3A_581 = arith.addf %get3A_571, %mul3A_580 : vector<16xf32>
        %swap3A_582 = arith.index_cast %add3A_569 : i32 to index
        %swap3A_583 = tpu.vector_load %arg14[%swap3A_582] {strides = array<i32>} : memref<2048xf32, #tpu.memory_space<vmem>>, vector<16xf32>,
        tpu.vector_store %arg14[%swap3A_582], %add3A_581 {strides = array<i32>} : memref<2048xf32, #tpu.memory_space<vmem>>, vector<16xf32>,
        %add3A_584 = arith.constant 96 : i32
        %add3A_585 = arith.addi %mul3A_487, %add3A_584 : i32
        %get3A_586 = arith.index_cast %add3A_585 : i32 to index
        %get3A_587 = tpu.vector_load %arg14[%get3A_586] {strides = array<i32>} : memref<2048xf32, #tpu.memory_space<vmem>>, vector<16xf32>,
        %mul3A_588 = arith.constant 16 : i32
        %mul3A_589 = arith.muli %scan3A_70, %mul3A_588 : i32
        %add3A_590 = arith.constant 3 : i32
        %add3A_591 = arith.addi %mul3A_589, %add3A_590 : i32
        %get3A_592 = arith.index_cast %add3A_591 : i32 to index
        %get3A_593 = arith.constant 96 : index
        %get3A_594 = tpu.vector_load %arg8[%get3A_592, %get3A_593] {strides = array<i32>} : memref<256x128xf32, #tpu.memory_space<vmem>>, vector<16xf32>,
        %mul3A_595 = vector.broadcast %squeeze3A_483 : f32 to vector<16xf32>
        %mul3A_596 = arith.mulf %mul3A_595, %get3A_594 : vector<16xf32>
        %add3A_597 = arith.addf %get3A_587, %mul3A_596 : vector<16xf32>
        %swap3A_598 = arith.index_cast %add3A_585 : i32 to index
        %swap3A_599 = tpu.vector_load %arg14[%swap3A_598] {strides = array<i32>} : memref<2048xf32, #tpu.memory_space<vmem>>, vector<16xf32>,
        tpu.vector_store %arg14[%swap3A_598], %add3A_597 {strides = array<i32>} : memref<2048xf32, #tpu.memory_space<vmem>>, vector<16xf32>,
        %add3A_600 = arith.constant 112 : i32
        %add3A_601 = arith.addi %mul3A_487, %add3A_600 : i32
        %get3A_602 = arith.index_cast %add3A_601 : i32 to index
        %get3A_603 = tpu.vector_load %arg14[%get3A_602] {strides = array<i32>} : memref<2048xf32, #tpu.memory_space<vmem>>, vector<16xf32>,
        %mul3A_604 = arith.constant 16 : i32
        %mul3A_605 = arith.muli %scan3A_70, %mul3A_604 : i32
        %add3A_606 = arith.constant 3 : i32
        %add3A_607 = arith.addi %mul3A_605, %add3A_606 : i32
        %get3A_608 = arith.index_cast %add3A_607 : i32 to index
        %get3A_609 = arith.constant 112 : index
        %get3A_610 = tpu.vector_load %arg8[%get3A_608, %get3A_609] {strides = array<i32>} : memref<256x128xf32, #tpu.memory_space<vmem>>, vector<16xf32>,
        %mul3A_611 = vector.broadcast %squeeze3A_483 : f32 to vector<16xf32>
        %mul3A_612 = arith.mulf %mul3A_611, %get3A_610 : vector<16xf32>
        %add3A_613 = arith.addf %get3A_603, %mul3A_612 : vector<16xf32>
        %swap3A_614 = arith.index_cast %add3A_601 : i32 to index
        %swap3A_615 = tpu.vector_load %arg14[%swap3A_614] {strides = array<i32>} : memref<2048xf32, #tpu.memory_space<vmem>>, vector<16xf32>,
        tpu.vector_store %arg14[%swap3A_614], %add3A_613 {strides = array<i32>} : memref<2048xf32, #tpu.memory_space<vmem>>, vector<16xf32>,
        %slice3A_616 = vector.extract_strided_slice %get3A_75 {offsets = [4], sizes = [1], strides = [1]} : vector<16xf32> to vector<1xf32>
        %squeeze3A_617 = vector.extract %slice3A_616[0] : f32 from vector<1xf32>
        %slice3A_618 = vector.extract_strided_slice %get3A_79 {offsets = [4], sizes = [1], strides = [1]} : vector<16xi32> to vector<1xi32>
        %squeeze3A_619 = vector.extract %slice3A_618[0] : i32 from vector<1xi32>
        %mul3A_620 = arith.constant 128 : i32
        %mul3A_621 = arith.muli %squeeze3A_619, %mul3A_620 : i32
        %add3A_622 = arith.constant 0 : i32
        %add3A_623 = arith.addi %mul3A_621, %add3A_622 : i32
        %get3A_624 = arith.index_cast %add3A_623 : i32 to index
        %get3A_625 = tpu.vector_load %arg14[%get3A_624] {strides = array<i32>} : memref<2048xf32, #tpu.memory_space<vmem>>, vector<16xf32>,
        %mul3A_626 = arith.constant 16 : i32
        %mul3A_627 = arith.muli %scan3A_70, %mul3A_626 : i32
        %add3A_628 = arith.constant 4 : i32
        %add3A_629 = arith.addi %mul3A_627, %add3A_628 : i32
        %get3A_630 = arith.index_cast %add3A_629 : i32 to index
        %get3A_631 = arith.constant 0 : index
        %get3A_632 = tpu.vector_load %arg8[%get3A_630, %get3A_631] {strides = array<i32>} : memref<256x128xf32, #tpu.memory_space<vmem>>, vector<16xf32>,
        %mul3A_633 = vector.broadcast %squeeze3A_617 : f32 to vector<16xf32>
        %mul3A_634 = arith.mulf %mul3A_633, %get3A_632 : vector<16xf32>
        %add3A_635 = arith.addf %get3A_625, %mul3A_634 : vector<16xf32>
        %swap3A_636 = arith.index_cast %add3A_623 : i32 to index
        %swap3A_637 = tpu.vector_load %arg14[%swap3A_636] {strides = array<i32>} : memref<2048xf32, #tpu.memory_space<vmem>>, vector<16xf32>,
        tpu.vector_store %arg14[%swap3A_636], %add3A_635 {strides = array<i32>} : memref<2048xf32, #tpu.memory_space<vmem>>, vector<16xf32>,
        %add3A_638 = arith.constant 16 : i32
        %add3A_639 = arith.addi %mul3A_621, %add3A_638 : i32
        %get3A_640 = arith.index_cast %add3A_639 : i32 to index
        %get3A_641 = tpu.vector_load %arg14[%get3A_640] {strides = array<i32>} : memref<2048xf32, #tpu.memory_space<vmem>>, vector<16xf32>,
        %mul3A_642 = arith.constant 16 : i32
        %mul3A_643 = arith.muli %scan3A_70, %mul3A_642 : i32
        %add3A_644 = arith.constant 4 : i32
        %add3A_645 = arith.addi %mul3A_643, %add3A_644 : i32
        %get3A_646 = arith.index_cast %add3A_645 : i32 to index
        %get3A_647 = arith.constant 16 : index
        %get3A_648 = tpu.vector_load %arg8[%get3A_646, %get3A_647] {strides = array<i32>} : memref<256x128xf32, #tpu.memory_space<vmem>>, vector<16xf32>,
        %mul3A_649 = vector.broadcast %squeeze3A_617 : f32 to vector<16xf32>
        %mul3A_650 = arith.mulf %mul3A_649, %get3A_648 : vector<16xf32>
        %add3A_651 = arith.addf %get3A_641, %mul3A_650 : vector<16xf32>
        %swap3A_652 = arith.index_cast %add3A_639 : i32 to index
        %swap3A_653 = tpu.vector_load %arg14[%swap3A_652] {strides = array<i32>} : memref<2048xf32, #tpu.memory_space<vmem>>, vector<16xf32>,
        tpu.vector_store %arg14[%swap3A_652], %add3A_651 {strides = array<i32>} : memref<2048xf32, #tpu.memory_space<vmem>>, vector<16xf32>,
        %add3A_654 = arith.constant 32 : i32
        %add3A_655 = arith.addi %mul3A_621, %add3A_654 : i32
        %get3A_656 = arith.index_cast %add3A_655 : i32 to index
        %get3A_657 = tpu.vector_load %arg14[%get3A_656] {strides = array<i32>} : memref<2048xf32, #tpu.memory_space<vmem>>, vector<16xf32>,
        %mul3A_658 = arith.constant 16 : i32
        %mul3A_659 = arith.muli %scan3A_70, %mul3A_658 : i32
        %add3A_660 = arith.constant 4 : i32
        %add3A_661 = arith.addi %mul3A_659, %add3A_660 : i32
        %get3A_662 = arith.index_cast %add3A_661 : i32 to index
        %get3A_663 = arith.constant 32 : index
        %get3A_664 = tpu.vector_load %arg8[%get3A_662, %get3A_663] {strides = array<i32>} : memref<256x128xf32, #tpu.memory_space<vmem>>, vector<16xf32>,
        %mul3A_665 = vector.broadcast %squeeze3A_617 : f32 to vector<16xf32>
        %mul3A_666 = arith.mulf %mul3A_665, %get3A_664 : vector<16xf32>
        %add3A_667 = arith.addf %get3A_657, %mul3A_666 : vector<16xf32>
        %swap3A_668 = arith.index_cast %add3A_655 : i32 to index
        %swap3A_669 = tpu.vector_load %arg14[%swap3A_668] {strides = array<i32>} : memref<2048xf32, #tpu.memory_space<vmem>>, vector<16xf32>,
        tpu.vector_store %arg14[%swap3A_668], %add3A_667 {strides = array<i32>} : memref<2048xf32, #tpu.memory_space<vmem>>, vector<16xf32>,
        %add3A_670 = arith.constant 48 : i32
        %add3A_671 = arith.addi %mul3A_621, %add3A_670 : i32
        %get3A_672 = arith.index_cast %add3A_671 : i32 to index
        %get3A_673 = tpu.vector_load %arg14[%get3A_672] {strides = array<i32>} : memref<2048xf32, #tpu.memory_space<vmem>>, vector<16xf32>,
        %mul3A_674 = arith.constant 16 : i32
        %mul3A_675 = arith.muli %scan3A_70, %mul3A_674 : i32
        %add3A_676 = arith.constant 4 : i32
        %add3A_677 = arith.addi %mul3A_675, %add3A_676 : i32
        %get3A_678 = arith.index_cast %add3A_677 : i32 to index
        %get3A_679 = arith.constant 48 : index
        %get3A_680 = tpu.vector_load %arg8[%get3A_678, %get3A_679] {strides = array<i32>} : memref<256x128xf32, #tpu.memory_space<vmem>>, vector<16xf32>,
        %mul3A_681 = vector.broadcast %squeeze3A_617 : f32 to vector<16xf32>
        %mul3A_682 = arith.mulf %mul3A_681, %get3A_680 : vector<16xf32>
        %add3A_683 = arith.addf %get3A_673, %mul3A_682 : vector<16xf32>
        %swap3A_684 = arith.index_cast %add3A_671 : i32 to index
        %swap3A_685 = tpu.vector_load %arg14[%swap3A_684] {strides = array<i32>} : memref<2048xf32, #tpu.memory_space<vmem>>, vector<16xf32>,
        tpu.vector_store %arg14[%swap3A_684], %add3A_683 {strides = array<i32>} : memref<2048xf32, #tpu.memory_space<vmem>>, vector<16xf32>,
        %add3A_686 = arith.constant 64 : i32
        %add3A_687 = arith.addi %mul3A_621, %add3A_686 : i32
        %get3A_688 = arith.index_cast %add3A_687 : i32 to index
        %get3A_689 = tpu.vector_load %arg14[%get3A_688] {strides = array<i32>} : memref<2048xf32, #tpu.memory_space<vmem>>, vector<16xf32>,
        %mul3A_690 = arith.constant 16 : i32
        %mul3A_691 = arith.muli %scan3A_70, %mul3A_690 : i32
        %add3A_692 = arith.constant 4 : i32
        %add3A_693 = arith.addi %mul3A_691, %add3A_692 : i32
        %get3A_694 = arith.index_cast %add3A_693 : i32 to index
        %get3A_695 = arith.constant 64 : index
        %get3A_696 = tpu.vector_load %arg8[%get3A_694, %get3A_695] {strides = array<i32>} : memref<256x128xf32, #tpu.memory_space<vmem>>, vector<16xf32>,
        %mul3A_697 = vector.broadcast %squeeze3A_617 : f32 to vector<16xf32>
        %mul3A_698 = arith.mulf %mul3A_697, %get3A_696 : vector<16xf32>
        %add3A_699 = arith.addf %get3A_689, %mul3A_698 : vector<16xf32>
        %swap3A_700 = arith.index_cast %add3A_687 : i32 to index
        %swap3A_701 = tpu.vector_load %arg14[%swap3A_700] {strides = array<i32>} : memref<2048xf32, #tpu.memory_space<vmem>>, vector<16xf32>,
        tpu.vector_store %arg14[%swap3A_700], %add3A_699 {strides = array<i32>} : memref<2048xf32, #tpu.memory_space<vmem>>, vector<16xf32>,
        %add3A_702 = arith.constant 80 : i32
        %add3A_703 = arith.addi %mul3A_621, %add3A_702 : i32
        %get3A_704 = arith.index_cast %add3A_703 : i32 to index
        %get3A_705 = tpu.vector_load %arg14[%get3A_704] {strides = array<i32>} : memref<2048xf32, #tpu.memory_space<vmem>>, vector<16xf32>,
        %mul3A_706 = arith.constant 16 : i32
        %mul3A_707 = arith.muli %scan3A_70, %mul3A_706 : i32
        %add3A_708 = arith.constant 4 : i32
        %add3A_709 = arith.addi %mul3A_707, %add3A_708 : i32
        %get3A_710 = arith.index_cast %add3A_709 : i32 to index
        %get3A_711 = arith.constant 80 : index
        %get3A_712 = tpu.vector_load %arg8[%get3A_710, %get3A_711] {strides = array<i32>} : memref<256x128xf32, #tpu.memory_space<vmem>>, vector<16xf32>,
        %mul3A_713 = vector.broadcast %squeeze3A_617 : f32 to vector<16xf32>
        %mul3A_714 = arith.mulf %mul3A_713, %get3A_712 : vector<16xf32>
        %add3A_715 = arith.addf %get3A_705, %mul3A_714 : vector<16xf32>
        %swap3A_716 = arith.index_cast %add3A_703 : i32 to index
        %swap3A_717 = tpu.vector_load %arg14[%swap3A_716] {strides = array<i32>} : memref<2048xf32, #tpu.memory_space<vmem>>, vector<16xf32>,
        tpu.vector_store %arg14[%swap3A_716], %add3A_715 {strides = array<i32>} : memref<2048xf32, #tpu.memory_space<vmem>>, vector<16xf32>,
        %add3A_718 = arith.constant 96 : i32
        %add3A_719 = arith.addi %mul3A_621, %add3A_718 : i32
        %get3A_720 = arith.index_cast %add3A_719 : i32 to index
        %get3A_721 = tpu.vector_load %arg14[%get3A_720] {strides = array<i32>} : memref<2048xf32, #tpu.memory_space<vmem>>, vector<16xf32>,
        %mul3A_722 = arith.constant 16 : i32
        %mul3A_723 = arith.muli %scan3A_70, %mul3A_722 : i32
        %add3A_724 = arith.constant 4 : i32
        %add3A_725 = arith.addi %mul3A_723, %add3A_724 : i32
        %get3A_726 = arith.index_cast %add3A_725 : i32 to index
        %get3A_727 = arith.constant 96 : index
        %get3A_728 = tpu.vector_load %arg8[%get3A_726, %get3A_727] {strides = array<i32>} : memref<256x128xf32, #tpu.memory_space<vmem>>, vector<16xf32>,
        %mul3A_729 = vector.broadcast %squeeze3A_617 : f32 to vector<16xf32>
        %mul3A_730 = arith.mulf %mul3A_729, %get3A_728 : vector<16xf32>
        %add3A_731 = arith.addf %get3A_721, %mul3A_730 : vector<16xf32>
        %swap3A_732 = arith.index_cast %add3A_719 : i32 to index
        %swap3A_733 = tpu.vector_load %arg14[%swap3A_732] {strides = array<i32>} : memref<2048xf32, #tpu.memory_space<vmem>>, vector<16xf32>,
        tpu.vector_store %arg14[%swap3A_732], %add3A_731 {strides = array<i32>} : memref<2048xf32, #tpu.memory_space<vmem>>, vector<16xf32>,
        %add3A_734 = arith.constant 112 : i32
        %add3A_735 = arith.addi %mul3A_621, %add3A_734 : i32
        %get3A_736 = arith.index_cast %add3A_735 : i32 to index
        %get3A_737 = tpu.vector_load %arg14[%get3A_736] {strides = array<i32>} : memref<2048xf32, #tpu.memory_space<vmem>>, vector<16xf32>,
        %mul3A_738 = arith.constant 16 : i32
        %mul3A_739 = arith.muli %scan3A_70, %mul3A_738 : i32
        %add3A_740 = arith.constant 4 : i32
        %add3A_741 = arith.addi %mul3A_739, %add3A_740 : i32
        %get3A_742 = arith.index_cast %add3A_741 : i32 to index
        %get3A_743 = arith.constant 112 : index
        %get3A_744 = tpu.vector_load %arg8[%get3A_742, %get3A_743] {strides = array<i32>} : memref<256x128xf32, #tpu.memory_space<vmem>>, vector<16xf32>,
        %mul3A_745 = vector.broadcast %squeeze3A_617 : f32 to vector<16xf32>
        %mul3A_746 = arith.mulf %mul3A_745, %get3A_744 : vector<16xf32>
        %add3A_747 = arith.addf %get3A_737, %mul3A_746 : vector<16xf32>
        %swap3A_748 = arith.index_cast %add3A_735 : i32 to index
        %swap3A_749 = tpu.vector_load %arg14[%swap3A_748] {strides = array<i32>} : memref<2048xf32, #tpu.memory_space<vmem>>, vector<16xf32>,
        tpu.vector_store %arg14[%swap3A_748], %add3A_747 {strides = array<i32>} : memref<2048xf32, #tpu.memory_space<vmem>>, vector<16xf32>,
        %slice3A_750 = vector.extract_strided_slice %get3A_75 {offsets = [5], sizes = [1], strides = [1]} : vector<16xf32> to vector<1xf32>
        %squeeze3A_751 = vector.extract %slice3A_750[0] : f32 from vector<1xf32>
        %slice3A_752 = vector.extract_strided_slice %get3A_79 {offsets = [5], sizes = [1], strides = [1]} : vector<16xi32> to vector<1xi32>
        %squeeze3A_753 = vector.extract %slice3A_752[0] : i32 from vector<1xi32>
        %mul3A_754 = arith.constant 128 : i32
        %mul3A_755 = arith.muli %squeeze3A_753, %mul3A_754 : i32
        %add3A_756 = arith.constant 0 : i32
        %add3A_757 = arith.addi %mul3A_755, %add3A_756 : i32
        %get3A_758 = arith.index_cast %add3A_757 : i32 to index
        %get3A_759 = tpu.vector_load %arg14[%get3A_758] {strides = array<i32>} : memref<2048xf32, #tpu.memory_space<vmem>>, vector<16xf32>,
        %mul3A_760 = arith.constant 16 : i32
        %mul3A_761 = arith.muli %scan3A_70, %mul3A_760 : i32
        %add3A_762 = arith.constant 5 : i32
        %add3A_763 = arith.addi %mul3A_761, %add3A_762 : i32
        %get3A_764 = arith.index_cast %add3A_763 : i32 to index
        %get3A_765 = arith.constant 0 : index
        %get3A_766 = tpu.vector_load %arg8[%get3A_764, %get3A_765] {strides = array<i32>} : memref<256x128xf32, #tpu.memory_space<vmem>>, vector<16xf32>,
        %mul3A_767 = vector.broadcast %squeeze3A_751 : f32 to vector<16xf32>
        %mul3A_768 = arith.mulf %mul3A_767, %get3A_766 : vector<16xf32>
        %add3A_769 = arith.addf %get3A_759, %mul3A_768 : vector<16xf32>
        %swap3A_770 = arith.index_cast %add3A_757 : i32 to index
        %swap3A_771 = tpu.vector_load %arg14[%swap3A_770] {strides = array<i32>} : memref<2048xf32, #tpu.memory_space<vmem>>, vector<16xf32>,
        tpu.vector_store %arg14[%swap3A_770], %add3A_769 {strides = array<i32>} : memref<2048xf32, #tpu.memory_space<vmem>>, vector<16xf32>,
        %add3A_772 = arith.constant 16 : i32
        %add3A_773 = arith.addi %mul3A_755, %add3A_772 : i32
        %get3A_774 = arith.index_cast %add3A_773 : i32 to index
        %get3A_775 = tpu.vector_load %arg14[%get3A_774] {strides = array<i32>} : memref<2048xf32, #tpu.memory_space<vmem>>, vector<16xf32>,
        %mul3A_776 = arith.constant 16 : i32
        %mul3A_777 = arith.muli %scan3A_70, %mul3A_776 : i32
        %add3A_778 = arith.constant 5 : i32
        %add3A_779 = arith.addi %mul3A_777, %add3A_778 : i32
        %get3A_780 = arith.index_cast %add3A_779 : i32 to index
        %get3A_781 = arith.constant 16 : index
        %get3A_782 = tpu.vector_load %arg8[%get3A_780, %get3A_781] {strides = array<i32>} : memref<256x128xf32, #tpu.memory_space<vmem>>, vector<16xf32>,
        %mul3A_783 = vector.broadcast %squeeze3A_751 : f32 to vector<16xf32>
        %mul3A_784 = arith.mulf %mul3A_783, %get3A_782 : vector<16xf32>
        %add3A_785 = arith.addf %get3A_775, %mul3A_784 : vector<16xf32>
        %swap3A_786 = arith.index_cast %add3A_773 : i32 to index
        %swap3A_787 = tpu.vector_load %arg14[%swap3A_786] {strides = array<i32>} : memref<2048xf32, #tpu.memory_space<vmem>>, vector<16xf32>,
        tpu.vector_store %arg14[%swap3A_786], %add3A_785 {strides = array<i32>} : memref<2048xf32, #tpu.memory_space<vmem>>, vector<16xf32>,
        %add3A_788 = arith.constant 32 : i32
        %add3A_789 = arith.addi %mul3A_755, %add3A_788 : i32
        %get3A_790 = arith.index_cast %add3A_789 : i32 to index
        %get3A_791 = tpu.vector_load %arg14[%get3A_790] {strides = array<i32>} : memref<2048xf32, #tpu.memory_space<vmem>>, vector<16xf32>,
        %mul3A_792 = arith.constant 16 : i32
        %mul3A_793 = arith.muli %scan3A_70, %mul3A_792 : i32
        %add3A_794 = arith.constant 5 : i32
        %add3A_795 = arith.addi %mul3A_793, %add3A_794 : i32
        %get3A_796 = arith.index_cast %add3A_795 : i32 to index
        %get3A_797 = arith.constant 32 : index
        %get3A_798 = tpu.vector_load %arg8[%get3A_796, %get3A_797] {strides = array<i32>} : memref<256x128xf32, #tpu.memory_space<vmem>>, vector<16xf32>,
        %mul3A_799 = vector.broadcast %squeeze3A_751 : f32 to vector<16xf32>
        %mul3A_800 = arith.mulf %mul3A_799, %get3A_798 : vector<16xf32>
        %add3A_801 = arith.addf %get3A_791, %mul3A_800 : vector<16xf32>
        %swap3A_802 = arith.index_cast %add3A_789 : i32 to index
        %swap3A_803 = tpu.vector_load %arg14[%swap3A_802] {strides = array<i32>} : memref<2048xf32, #tpu.memory_space<vmem>>, vector<16xf32>,
        tpu.vector_store %arg14[%swap3A_802], %add3A_801 {strides = array<i32>} : memref<2048xf32, #tpu.memory_space<vmem>>, vector<16xf32>,
        %add3A_804 = arith.constant 48 : i32
        %add3A_805 = arith.addi %mul3A_755, %add3A_804 : i32
        %get3A_806 = arith.index_cast %add3A_805 : i32 to index
        %get3A_807 = tpu.vector_load %arg14[%get3A_806] {strides = array<i32>} : memref<2048xf32, #tpu.memory_space<vmem>>, vector<16xf32>,
        %mul3A_808 = arith.constant 16 : i32
        %mul3A_809 = arith.muli %scan3A_70, %mul3A_808 : i32
        %add3A_810 = arith.constant 5 : i32
        %add3A_811 = arith.addi %mul3A_809, %add3A_810 : i32
        %get3A_812 = arith.index_cast %add3A_811 : i32 to index
        %get3A_813 = arith.constant 48 : index
        %get3A_814 = tpu.vector_load %arg8[%get3A_812, %get3A_813] {strides = array<i32>} : memref<256x128xf32, #tpu.memory_space<vmem>>, vector<16xf32>,
        %mul3A_815 = vector.broadcast %squeeze3A_751 : f32 to vector<16xf32>
        %mul3A_816 = arith.mulf %mul3A_815, %get3A_814 : vector<16xf32>
        %add3A_817 = arith.addf %get3A_807, %mul3A_816 : vector<16xf32>
        %swap3A_818 = arith.index_cast %add3A_805 : i32 to index
        %swap3A_819 = tpu.vector_load %arg14[%swap3A_818] {strides = array<i32>} : memref<2048xf32, #tpu.memory_space<vmem>>, vector<16xf32>,
        tpu.vector_store %arg14[%swap3A_818], %add3A_817 {strides = array<i32>} : memref<2048xf32, #tpu.memory_space<vmem>>, vector<16xf32>,
        %add3A_820 = arith.constant 64 : i32
        %add3A_821 = arith.addi %mul3A_755, %add3A_820 : i32
        %get3A_822 = arith.index_cast %add3A_821 : i32 to index
        %get3A_823 = tpu.vector_load %arg14[%get3A_822] {strides = array<i32>} : memref<2048xf32, #tpu.memory_space<vmem>>, vector<16xf32>,
        %mul3A_824 = arith.constant 16 : i32
        %mul3A_825 = arith.muli %scan3A_70, %mul3A_824 : i32
        %add3A_826 = arith.constant 5 : i32
        %add3A_827 = arith.addi %mul3A_825, %add3A_826 : i32
        %get3A_828 = arith.index_cast %add3A_827 : i32 to index
        %get3A_829 = arith.constant 64 : index
        %get3A_830 = tpu.vector_load %arg8[%get3A_828, %get3A_829] {strides = array<i32>} : memref<256x128xf32, #tpu.memory_space<vmem>>, vector<16xf32>,
        %mul3A_831 = vector.broadcast %squeeze3A_751 : f32 to vector<16xf32>
        %mul3A_832 = arith.mulf %mul3A_831, %get3A_830 : vector<16xf32>
        %add3A_833 = arith.addf %get3A_823, %mul3A_832 : vector<16xf32>
        %swap3A_834 = arith.index_cast %add3A_821 : i32 to index
        %swap3A_835 = tpu.vector_load %arg14[%swap3A_834] {strides = array<i32>} : memref<2048xf32, #tpu.memory_space<vmem>>, vector<16xf32>,
        tpu.vector_store %arg14[%swap3A_834], %add3A_833 {strides = array<i32>} : memref<2048xf32, #tpu.memory_space<vmem>>, vector<16xf32>,
        %add3A_836 = arith.constant 80 : i32
        %add3A_837 = arith.addi %mul3A_755, %add3A_836 : i32
        %get3A_838 = arith.index_cast %add3A_837 : i32 to index
        %get3A_839 = tpu.vector_load %arg14[%get3A_838] {strides = array<i32>} : memref<2048xf32, #tpu.memory_space<vmem>>, vector<16xf32>,
        %mul3A_840 = arith.constant 16 : i32
        %mul3A_841 = arith.muli %scan3A_70, %mul3A_840 : i32
        %add3A_842 = arith.constant 5 : i32
        %add3A_843 = arith.addi %mul3A_841, %add3A_842 : i32
        %get3A_844 = arith.index_cast %add3A_843 : i32 to index
        %get3A_845 = arith.constant 80 : index
        %get3A_846 = tpu.vector_load %arg8[%get3A_844, %get3A_845] {strides = array<i32>} : memref<256x128xf32, #tpu.memory_space<vmem>>, vector<16xf32>,
        %mul3A_847 = vector.broadcast %squeeze3A_751 : f32 to vector<16xf32>
        %mul3A_848 = arith.mulf %mul3A_847, %get3A_846 : vector<16xf32>
        %add3A_849 = arith.addf %get3A_839, %mul3A_848 : vector<16xf32>
        %swap3A_850 = arith.index_cast %add3A_837 : i32 to index
        %swap3A_851 = tpu.vector_load %arg14[%swap3A_850] {strides = array<i32>} : memref<2048xf32, #tpu.memory_space<vmem>>, vector<16xf32>,
        tpu.vector_store %arg14[%swap3A_850], %add3A_849 {strides = array<i32>} : memref<2048xf32, #tpu.memory_space<vmem>>, vector<16xf32>,
        %add3A_852 = arith.constant 96 : i32
        %add3A_853 = arith.addi %mul3A_755, %add3A_852 : i32
        %get3A_854 = arith.index_cast %add3A_853 : i32 to index
        %get3A_855 = tpu.vector_load %arg14[%get3A_854] {strides = array<i32>} : memref<2048xf32, #tpu.memory_space<vmem>>, vector<16xf32>,
        %mul3A_856 = arith.constant 16 : i32
        %mul3A_857 = arith.muli %scan3A_70, %mul3A_856 : i32
        %add3A_858 = arith.constant 5 : i32
        %add3A_859 = arith.addi %mul3A_857, %add3A_858 : i32
        %get3A_860 = arith.index_cast %add3A_859 : i32 to index
        %get3A_861 = arith.constant 96 : index
        %get3A_862 = tpu.vector_load %arg8[%get3A_860, %get3A_861] {strides = array<i32>} : memref<256x128xf32, #tpu.memory_space<vmem>>, vector<16xf32>,
        %mul3A_863 = vector.broadcast %squeeze3A_751 : f32 to vector<16xf32>
        %mul3A_864 = arith.mulf %mul3A_863, %get3A_862 : vector<16xf32>
        %add3A_865 = arith.addf %get3A_855, %mul3A_864 : vector<16xf32>
        %swap3A_866 = arith.index_cast %add3A_853 : i32 to index
        %swap3A_867 = tpu.vector_load %arg14[%swap3A_866] {strides = array<i32>} : memref<2048xf32, #tpu.memory_space<vmem>>, vector<16xf32>,
        tpu.vector_store %arg14[%swap3A_866], %add3A_865 {strides = array<i32>} : memref<2048xf32, #tpu.memory_space<vmem>>, vector<16xf32>,
        %add3A_868 = arith.constant 112 : i32
        %add3A_869 = arith.addi %mul3A_755, %add3A_868 : i32
        %get3A_870 = arith.index_cast %add3A_869 : i32 to index
        %get3A_871 = tpu.vector_load %arg14[%get3A_870] {strides = array<i32>} : memref<2048xf32, #tpu.memory_space<vmem>>, vector<16xf32>,
        %mul3A_872 = arith.constant 16 : i32
        %mul3A_873 = arith.muli %scan3A_70, %mul3A_872 : i32
        %add3A_874 = arith.constant 5 : i32
        %add3A_875 = arith.addi %mul3A_873, %add3A_874 : i32
        %get3A_876 = arith.index_cast %add3A_875 : i32 to index
        %get3A_877 = arith.constant 112 : index
        %get3A_878 = tpu.vector_load %arg8[%get3A_876, %get3A_877] {strides = array<i32>} : memref<256x128xf32, #tpu.memory_space<vmem>>, vector<16xf32>,
        %mul3A_879 = vector.broadcast %squeeze3A_751 : f32 to vector<16xf32>
        %mul3A_880 = arith.mulf %mul3A_879, %get3A_878 : vector<16xf32>
        %add3A_881 = arith.addf %get3A_871, %mul3A_880 : vector<16xf32>
        %swap3A_882 = arith.index_cast %add3A_869 : i32 to index
        %swap3A_883 = tpu.vector_load %arg14[%swap3A_882] {strides = array<i32>} : memref<2048xf32, #tpu.memory_space<vmem>>, vector<16xf32>,
        tpu.vector_store %arg14[%swap3A_882], %add3A_881 {strides = array<i32>} : memref<2048xf32, #tpu.memory_space<vmem>>, vector<16xf32>,
        %slice3A_884 = vector.extract_strided_slice %get3A_75 {offsets = [6], sizes = [1], strides = [1]} : vector<16xf32> to vector<1xf32>
        %squeeze3A_885 = vector.extract %slice3A_884[0] : f32 from vector<1xf32>
        %slice3A_886 = vector.extract_strided_slice %get3A_79 {offsets = [6], sizes = [1], strides = [1]} : vector<16xi32> to vector<1xi32>
        %squeeze3A_887 = vector.extract %slice3A_886[0] : i32 from vector<1xi32>
        %mul3A_888 = arith.constant 128 : i32
        %mul3A_889 = arith.muli %squeeze3A_887, %mul3A_888 : i32
        %add3A_890 = arith.constant 0 : i32
        %add3A_891 = arith.addi %mul3A_889, %add3A_890 : i32
        %get3A_892 = arith.index_cast %add3A_891 : i32 to index
        %get3A_893 = tpu.vector_load %arg14[%get3A_892] {strides = array<i32>} : memref<2048xf32, #tpu.memory_space<vmem>>, vector<16xf32>,
        %mul3A_894 = arith.constant 16 : i32
        %mul3A_895 = arith.muli %scan3A_70, %mul3A_894 : i32
        %add3A_896 = arith.constant 6 : i32
        %add3A_897 = arith.addi %mul3A_895, %add3A_896 : i32
        %get3A_898 = arith.index_cast %add3A_897 : i32 to index
        %get3A_899 = arith.constant 0 : index
        %get3A_900 = tpu.vector_load %arg8[%get3A_898, %get3A_899] {strides = array<i32>} : memref<256x128xf32, #tpu.memory_space<vmem>>, vector<16xf32>,
        %mul3A_901 = vector.broadcast %squeeze3A_885 : f32 to vector<16xf32>
        %mul3A_902 = arith.mulf %mul3A_901, %get3A_900 : vector<16xf32>
        %add3A_903 = arith.addf %get3A_893, %mul3A_902 : vector<16xf32>
        %swap3A_904 = arith.index_cast %add3A_891 : i32 to index
        %swap3A_905 = tpu.vector_load %arg14[%swap3A_904] {strides = array<i32>} : memref<2048xf32, #tpu.memory_space<vmem>>, vector<16xf32>,
        tpu.vector_store %arg14[%swap3A_904], %add3A_903 {strides = array<i32>} : memref<2048xf32, #tpu.memory_space<vmem>>, vector<16xf32>,
        %add3A_906 = arith.constant 16 : i32
        %add3A_907 = arith.addi %mul3A_889, %add3A_906 : i32
        %get3A_908 = arith.index_cast %add3A_907 : i32 to index
        %get3A_909 = tpu.vector_load %arg14[%get3A_908] {strides = array<i32>} : memref<2048xf32, #tpu.memory_space<vmem>>, vector<16xf32>,
        %mul3A_910 = arith.constant 16 : i32
        %mul3A_911 = arith.muli %scan3A_70, %mul3A_910 : i32
        %add3A_912 = arith.constant 6 : i32
        %add3A_913 = arith.addi %mul3A_911, %add3A_912 : i32
        %get3A_914 = arith.index_cast %add3A_913 : i32 to index
        %get3A_915 = arith.constant 16 : index
        %get3A_916 = tpu.vector_load %arg8[%get3A_914, %get3A_915] {strides = array<i32>} : memref<256x128xf32, #tpu.memory_space<vmem>>, vector<16xf32>,
        %mul3A_917 = vector.broadcast %squeeze3A_885 : f32 to vector<16xf32>
        %mul3A_918 = arith.mulf %mul3A_917, %get3A_916 : vector<16xf32>
        %add3A_919 = arith.addf %get3A_909, %mul3A_918 : vector<16xf32>
        %swap3A_920 = arith.index_cast %add3A_907 : i32 to index
        %swap3A_921 = tpu.vector_load %arg14[%swap3A_920] {strides = array<i32>} : memref<2048xf32, #tpu.memory_space<vmem>>, vector<16xf32>,
        tpu.vector_store %arg14[%swap3A_920], %add3A_919 {strides = array<i32>} : memref<2048xf32, #tpu.memory_space<vmem>>, vector<16xf32>,
        %add3A_922 = arith.constant 32 : i32
        %add3A_923 = arith.addi %mul3A_889, %add3A_922 : i32
        %get3A_924 = arith.index_cast %add3A_923 : i32 to index
        %get3A_925 = tpu.vector_load %arg14[%get3A_924] {strides = array<i32>} : memref<2048xf32, #tpu.memory_space<vmem>>, vector<16xf32>,
        %mul3A_926 = arith.constant 16 : i32
        %mul3A_927 = arith.muli %scan3A_70, %mul3A_926 : i32
        %add3A_928 = arith.constant 6 : i32
        %add3A_929 = arith.addi %mul3A_927, %add3A_928 : i32
        %get3A_930 = arith.index_cast %add3A_929 : i32 to index
        %get3A_931 = arith.constant 32 : index
        %get3A_932 = tpu.vector_load %arg8[%get3A_930, %get3A_931] {strides = array<i32>} : memref<256x128xf32, #tpu.memory_space<vmem>>, vector<16xf32>,
        %mul3A_933 = vector.broadcast %squeeze3A_885 : f32 to vector<16xf32>
        %mul3A_934 = arith.mulf %mul3A_933, %get3A_932 : vector<16xf32>
        %add3A_935 = arith.addf %get3A_925, %mul3A_934 : vector<16xf32>
        %swap3A_936 = arith.index_cast %add3A_923 : i32 to index
        %swap3A_937 = tpu.vector_load %arg14[%swap3A_936] {strides = array<i32>} : memref<2048xf32, #tpu.memory_space<vmem>>, vector<16xf32>,
        tpu.vector_store %arg14[%swap3A_936], %add3A_935 {strides = array<i32>} : memref<2048xf32, #tpu.memory_space<vmem>>, vector<16xf32>,
        %add3A_938 = arith.constant 48 : i32
        %add3A_939 = arith.addi %mul3A_889, %add3A_938 : i32
        %get3A_940 = arith.index_cast %add3A_939 : i32 to index
        %get3A_941 = tpu.vector_load %arg14[%get3A_940] {strides = array<i32>} : memref<2048xf32, #tpu.memory_space<vmem>>, vector<16xf32>,
        %mul3A_942 = arith.constant 16 : i32
        %mul3A_943 = arith.muli %scan3A_70, %mul3A_942 : i32
        %add3A_944 = arith.constant 6 : i32
        %add3A_945 = arith.addi %mul3A_943, %add3A_944 : i32
        %get3A_946 = arith.index_cast %add3A_945 : i32 to index
        %get3A_947 = arith.constant 48 : index
        %get3A_948 = tpu.vector_load %arg8[%get3A_946, %get3A_947] {strides = array<i32>} : memref<256x128xf32, #tpu.memory_space<vmem>>, vector<16xf32>,
        %mul3A_949 = vector.broadcast %squeeze3A_885 : f32 to vector<16xf32>
        %mul3A_950 = arith.mulf %mul3A_949, %get3A_948 : vector<16xf32>
        %add3A_951 = arith.addf %get3A_941, %mul3A_950 : vector<16xf32>
        %swap3A_952 = arith.index_cast %add3A_939 : i32 to index
        %swap3A_953 = tpu.vector_load %arg14[%swap3A_952] {strides = array<i32>} : memref<2048xf32, #tpu.memory_space<vmem>>, vector<16xf32>,
        tpu.vector_store %arg14[%swap3A_952], %add3A_951 {strides = array<i32>} : memref<2048xf32, #tpu.memory_space<vmem>>, vector<16xf32>,
        %add3A_954 = arith.constant 64 : i32
        %add3A_955 = arith.addi %mul3A_889, %add3A_954 : i32
        %get3A_956 = arith.index_cast %add3A_955 : i32 to index
        %get3A_957 = tpu.vector_load %arg14[%get3A_956] {strides = array<i32>} : memref<2048xf32, #tpu.memory_space<vmem>>, vector<16xf32>,
        %mul3A_958 = arith.constant 16 : i32
        %mul3A_959 = arith.muli %scan3A_70, %mul3A_958 : i32
        %add3A_960 = arith.constant 6 : i32
        %add3A_961 = arith.addi %mul3A_959, %add3A_960 : i32
        %get3A_962 = arith.index_cast %add3A_961 : i32 to index
        %get3A_963 = arith.constant 64 : index
        %get3A_964 = tpu.vector_load %arg8[%get3A_962, %get3A_963] {strides = array<i32>} : memref<256x128xf32, #tpu.memory_space<vmem>>, vector<16xf32>,
        %mul3A_965 = vector.broadcast %squeeze3A_885 : f32 to vector<16xf32>
        %mul3A_966 = arith.mulf %mul3A_965, %get3A_964 : vector<16xf32>
        %add3A_967 = arith.addf %get3A_957, %mul3A_966 : vector<16xf32>
        %swap3A_968 = arith.index_cast %add3A_955 : i32 to index
        %swap3A_969 = tpu.vector_load %arg14[%swap3A_968] {strides = array<i32>} : memref<2048xf32, #tpu.memory_space<vmem>>, vector<16xf32>,
        tpu.vector_store %arg14[%swap3A_968], %add3A_967 {strides = array<i32>} : memref<2048xf32, #tpu.memory_space<vmem>>, vector<16xf32>,
        %add3A_970 = arith.constant 80 : i32
        %add3A_971 = arith.addi %mul3A_889, %add3A_970 : i32
        %get3A_972 = arith.index_cast %add3A_971 : i32 to index
        %get3A_973 = tpu.vector_load %arg14[%get3A_972] {strides = array<i32>} : memref<2048xf32, #tpu.memory_space<vmem>>, vector<16xf32>,
        %mul3A_974 = arith.constant 16 : i32
        %mul3A_975 = arith.muli %scan3A_70, %mul3A_974 : i32
        %add3A_976 = arith.constant 6 : i32
        %add3A_977 = arith.addi %mul3A_975, %add3A_976 : i32
        %get3A_978 = arith.index_cast %add3A_977 : i32 to index
        %get3A_979 = arith.constant 80 : index
        %get3A_980 = tpu.vector_load %arg8[%get3A_978, %get3A_979] {strides = array<i32>} : memref<256x128xf32, #tpu.memory_space<vmem>>, vector<16xf32>,
        %mul3A_981 = vector.broadcast %squeeze3A_885 : f32 to vector<16xf32>
        %mul3A_982 = arith.mulf %mul3A_981, %get3A_980 : vector<16xf32>
        %add3A_983 = arith.addf %get3A_973, %mul3A_982 : vector<16xf32>
        %swap3A_984 = arith.index_cast %add3A_971 : i32 to index
        %swap3A_985 = tpu.vector_load %arg14[%swap3A_984] {strides = array<i32>} : memref<2048xf32, #tpu.memory_space<vmem>>, vector<16xf32>,
        tpu.vector_store %arg14[%swap3A_984], %add3A_983 {strides = array<i32>} : memref<2048xf32, #tpu.memory_space<vmem>>, vector<16xf32>,
        %add3A_986 = arith.constant 96 : i32
        %add3A_987 = arith.addi %mul3A_889, %add3A_986 : i32
        %get3A_988 = arith.index_cast %add3A_987 : i32 to index
        %get3A_989 = tpu.vector_load %arg14[%get3A_988] {strides = array<i32>} : memref<2048xf32, #tpu.memory_space<vmem>>, vector<16xf32>,
        %mul3A_990 = arith.constant 16 : i32
        %mul3A_991 = arith.muli %scan3A_70, %mul3A_990 : i32
        %add3A_992 = arith.constant 6 : i32
        %add3A_993 = arith.addi %mul3A_991, %add3A_992 : i32
        %get3A_994 = arith.index_cast %add3A_993 : i32 to index
        %get3A_995 = arith.constant 96 : index
        %get3A_996 = tpu.vector_load %arg8[%get3A_994, %get3A_995] {strides = array<i32>} : memref<256x128xf32, #tpu.memory_space<vmem>>, vector<16xf32>,
        %mul3A_997 = vector.broadcast %squeeze3A_885 : f32 to vector<16xf32>
        %mul3A_998 = arith.mulf %mul3A_997, %get3A_996 : vector<16xf32>
        %add3A_999 = arith.addf %get3A_989, %mul3A_998 : vector<16xf32>
        %swap3A_1000 = arith.index_cast %add3A_987 : i32 to index
        %swap3A_1001 = tpu.vector_load %arg14[%swap3A_1000] {strides = array<i32>} : memref<2048xf32, #tpu.memory_space<vmem>>, vector<16xf32>,
        tpu.vector_store %arg14[%swap3A_1000], %add3A_999 {strides = array<i32>} : memref<2048xf32, #tpu.memory_space<vmem>>, vector<16xf32>,
        %add3A_1002 = arith.constant 112 : i32
        %add3A_1003 = arith.addi %mul3A_889, %add3A_1002 : i32
        %get3A_1004 = arith.index_cast %add3A_1003 : i32 to index
        %get3A_1005 = tpu.vector_load %arg14[%get3A_1004] {strides = array<i32>} : memref<2048xf32, #tpu.memory_space<vmem>>, vector<16xf32>,
        %mul3A_1006 = arith.constant 16 : i32
        %mul3A_1007 = arith.muli %scan3A_70, %mul3A_1006 : i32
        %add3A_1008 = arith.constant 6 : i32
        %add3A_1009 = arith.addi %mul3A_1007, %add3A_1008 : i32
        %get3A_1010 = arith.index_cast %add3A_1009 : i32 to index
        %get3A_1011 = arith.constant 112 : index
        %get3A_1012 = tpu.vector_load %arg8[%get3A_1010, %get3A_1011] {strides = array<i32>} : memref<256x128xf32, #tpu.memory_space<vmem>>, vector<16xf32>,
        %mul3A_1013 = vector.broadcast %squeeze3A_885 : f32 to vector<16xf32>
        %mul3A_1014 = arith.mulf %mul3A_1013, %get3A_1012 : vector<16xf32>
        %add3A_1015 = arith.addf %get3A_1005, %mul3A_1014 : vector<16xf32>
        %swap3A_1016 = arith.index_cast %add3A_1003 : i32 to index
        %swap3A_1017 = tpu.vector_load %arg14[%swap3A_1016] {strides = array<i32>} : memref<2048xf32, #tpu.memory_space<vmem>>, vector<16xf32>,
        tpu.vector_store %arg14[%swap3A_1016], %add3A_1015 {strides = array<i32>} : memref<2048xf32, #tpu.memory_space<vmem>>, vector<16xf32>,
        %slice3A_1018 = vector.extract_strided_slice %get3A_75 {offsets = [7], sizes = [1], strides = [1]} : vector<16xf32> to vector<1xf32>
        %squeeze3A_1019 = vector.extract %slice3A_1018[0] : f32 from vector<1xf32>
        %slice3A_1020 = vector.extract_strided_slice %get3A_79 {offsets = [7], sizes = [1], strides = [1]} : vector<16xi32> to vector<1xi32>
        %squeeze3A_1021 = vector.extract %slice3A_1020[0] : i32 from vector<1xi32>
        %mul3A_1022 = arith.constant 128 : i32
        %mul3A_1023 = arith.muli %squeeze3A_1021, %mul3A_1022 : i32
        %add3A_1024 = arith.constant 0 : i32
        %add3A_1025 = arith.addi %mul3A_1023, %add3A_1024 : i32
        %get3A_1026 = arith.index_cast %add3A_1025 : i32 to index
        %get3A_1027 = tpu.vector_load %arg14[%get3A_1026] {strides = array<i32>} : memref<2048xf32, #tpu.memory_space<vmem>>, vector<16xf32>,
        %mul3A_1028 = arith.constant 16 : i32
        %mul3A_1029 = arith.muli %scan3A_70, %mul3A_1028 : i32
        %add3A_1030 = arith.constant 7 : i32
        %add3A_1031 = arith.addi %mul3A_1029, %add3A_1030 : i32
        %get3A_1032 = arith.index_cast %add3A_1031 : i32 to index
        %get3A_1033 = arith.constant 0 : index
        %get3A_1034 = tpu.vector_load %arg8[%get3A_1032, %get3A_1033] {strides = array<i32>} : memref<256x128xf32, #tpu.memory_space<vmem>>, vector<16xf32>,
        %mul3A_1035 = vector.broadcast %squeeze3A_1019 : f32 to vector<16xf32>
        %mul3A_1036 = arith.mulf %mul3A_1035, %get3A_1034 : vector<16xf32>
        %add3A_1037 = arith.addf %get3A_1027, %mul3A_1036 : vector<16xf32>
        %swap3A_1038 = arith.index_cast %add3A_1025 : i32 to index
        %swap3A_1039 = tpu.vector_load %arg14[%swap3A_1038] {strides = array<i32>} : memref<2048xf32, #tpu.memory_space<vmem>>, vector<16xf32>,
        tpu.vector_store %arg14[%swap3A_1038], %add3A_1037 {strides = array<i32>} : memref<2048xf32, #tpu.memory_space<vmem>>, vector<16xf32>,
        %add3A_1040 = arith.constant 16 : i32
        %add3A_1041 = arith.addi %mul3A_1023, %add3A_1040 : i32
        %get3A_1042 = arith.index_cast %add3A_1041 : i32 to index
        %get3A_1043 = tpu.vector_load %arg14[%get3A_1042] {strides = array<i32>} : memref<2048xf32, #tpu.memory_space<vmem>>, vector<16xf32>,
        %mul3A_1044 = arith.constant 16 : i32
        %mul3A_1045 = arith.muli %scan3A_70, %mul3A_1044 : i32
        %add3A_1046 = arith.constant 7 : i32
        %add3A_1047 = arith.addi %mul3A_1045, %add3A_1046 : i32
        %get3A_1048 = arith.index_cast %add3A_1047 : i32 to index
        %get3A_1049 = arith.constant 16 : index
        %get3A_1050 = tpu.vector_load %arg8[%get3A_1048, %get3A_1049] {strides = array<i32>} : memref<256x128xf32, #tpu.memory_space<vmem>>, vector<16xf32>,
        %mul3A_1051 = vector.broadcast %squeeze3A_1019 : f32 to vector<16xf32>
        %mul3A_1052 = arith.mulf %mul3A_1051, %get3A_1050 : vector<16xf32>
        %add3A_1053 = arith.addf %get3A_1043, %mul3A_1052 : vector<16xf32>
        %swap3A_1054 = arith.index_cast %add3A_1041 : i32 to index
        %swap3A_1055 = tpu.vector_load %arg14[%swap3A_1054] {strides = array<i32>} : memref<2048xf32, #tpu.memory_space<vmem>>, vector<16xf32>,
        tpu.vector_store %arg14[%swap3A_1054], %add3A_1053 {strides = array<i32>} : memref<2048xf32, #tpu.memory_space<vmem>>, vector<16xf32>,
        %add3A_1056 = arith.constant 32 : i32
        %add3A_1057 = arith.addi %mul3A_1023, %add3A_1056 : i32
        %get3A_1058 = arith.index_cast %add3A_1057 : i32 to index
        %get3A_1059 = tpu.vector_load %arg14[%get3A_1058] {strides = array<i32>} : memref<2048xf32, #tpu.memory_space<vmem>>, vector<16xf32>,
        %mul3A_1060 = arith.constant 16 : i32
        %mul3A_1061 = arith.muli %scan3A_70, %mul3A_1060 : i32
        %add3A_1062 = arith.constant 7 : i32
        %add3A_1063 = arith.addi %mul3A_1061, %add3A_1062 : i32
        %get3A_1064 = arith.index_cast %add3A_1063 : i32 to index
        %get3A_1065 = arith.constant 32 : index
        %get3A_1066 = tpu.vector_load %arg8[%get3A_1064, %get3A_1065] {strides = array<i32>} : memref<256x128xf32, #tpu.memory_space<vmem>>, vector<16xf32>,
        %mul3A_1067 = vector.broadcast %squeeze3A_1019 : f32 to vector<16xf32>
        %mul3A_1068 = arith.mulf %mul3A_1067, %get3A_1066 : vector<16xf32>
        %add3A_1069 = arith.addf %get3A_1059, %mul3A_1068 : vector<16xf32>
        %swap3A_1070 = arith.index_cast %add3A_1057 : i32 to index
        %swap3A_1071 = tpu.vector_load %arg14[%swap3A_1070] {strides = array<i32>} : memref<2048xf32, #tpu.memory_space<vmem>>, vector<16xf32>,
        tpu.vector_store %arg14[%swap3A_1070], %add3A_1069 {strides = array<i32>} : memref<2048xf32, #tpu.memory_space<vmem>>, vector<16xf32>,
        %add3A_1072 = arith.constant 48 : i32
        %add3A_1073 = arith.addi %mul3A_1023, %add3A_1072 : i32
        %get3A_1074 = arith.index_cast %add3A_1073 : i32 to index
        %get3A_1075 = tpu.vector_load %arg14[%get3A_1074] {strides = array<i32>} : memref<2048xf32, #tpu.memory_space<vmem>>, vector<16xf32>,
        %mul3A_1076 = arith.constant 16 : i32
        %mul3A_1077 = arith.muli %scan3A_70, %mul3A_1076 : i32
        %add3A_1078 = arith.constant 7 : i32
        %add3A_1079 = arith.addi %mul3A_1077, %add3A_1078 : i32
        %get3A_1080 = arith.index_cast %add3A_1079 : i32 to index
        %get3A_1081 = arith.constant 48 : index
        %get3A_1082 = tpu.vector_load %arg8[%get3A_1080, %get3A_1081] {strides = array<i32>} : memref<256x128xf32, #tpu.memory_space<vmem>>, vector<16xf32>,
        %mul3A_1083 = vector.broadcast %squeeze3A_1019 : f32 to vector<16xf32>
        %mul3A_1084 = arith.mulf %mul3A_1083, %get3A_1082 : vector<16xf32>
        %add3A_1085 = arith.addf %get3A_1075, %mul3A_1084 : vector<16xf32>
        %swap3A_1086 = arith.index_cast %add3A_1073 : i32 to index
        %swap3A_1087 = tpu.vector_load %arg14[%swap3A_1086] {strides = array<i32>} : memref<2048xf32, #tpu.memory_space<vmem>>, vector<16xf32>,
        tpu.vector_store %arg14[%swap3A_1086], %add3A_1085 {strides = array<i32>} : memref<2048xf32, #tpu.memory_space<vmem>>, vector<16xf32>,
        %add3A_1088 = arith.constant 64 : i32
        %add3A_1089 = arith.addi %mul3A_1023, %add3A_1088 : i32
        %get3A_1090 = arith.index_cast %add3A_1089 : i32 to index
        %get3A_1091 = tpu.vector_load %arg14[%get3A_1090] {strides = array<i32>} : memref<2048xf32, #tpu.memory_space<vmem>>, vector<16xf32>,
        %mul3A_1092 = arith.constant 16 : i32
        %mul3A_1093 = arith.muli %scan3A_70, %mul3A_1092 : i32
        %add3A_1094 = arith.constant 7 : i32
        %add3A_1095 = arith.addi %mul3A_1093, %add3A_1094 : i32
        %get3A_1096 = arith.index_cast %add3A_1095 : i32 to index
        %get3A_1097 = arith.constant 64 : index
        %get3A_1098 = tpu.vector_load %arg8[%get3A_1096, %get3A_1097] {strides = array<i32>} : memref<256x128xf32, #tpu.memory_space<vmem>>, vector<16xf32>,
        %mul3A_1099 = vector.broadcast %squeeze3A_1019 : f32 to vector<16xf32>
        %mul3A_1100 = arith.mulf %mul3A_1099, %get3A_1098 : vector<16xf32>
        %add3A_1101 = arith.addf %get3A_1091, %mul3A_1100 : vector<16xf32>
        %swap3A_1102 = arith.index_cast %add3A_1089 : i32 to index
        %swap3A_1103 = tpu.vector_load %arg14[%swap3A_1102] {strides = array<i32>} : memref<2048xf32, #tpu.memory_space<vmem>>, vector<16xf32>,
        tpu.vector_store %arg14[%swap3A_1102], %add3A_1101 {strides = array<i32>} : memref<2048xf32, #tpu.memory_space<vmem>>, vector<16xf32>,
        %add3A_1104 = arith.constant 80 : i32
        %add3A_1105 = arith.addi %mul3A_1023, %add3A_1104 : i32
        %get3A_1106 = arith.index_cast %add3A_1105 : i32 to index
        %get3A_1107 = tpu.vector_load %arg14[%get3A_1106] {strides = array<i32>} : memref<2048xf32, #tpu.memory_space<vmem>>, vector<16xf32>,
        %mul3A_1108 = arith.constant 16 : i32
        %mul3A_1109 = arith.muli %scan3A_70, %mul3A_1108 : i32
        %add3A_1110 = arith.constant 7 : i32
        %add3A_1111 = arith.addi %mul3A_1109, %add3A_1110 : i32
        %get3A_1112 = arith.index_cast %add3A_1111 : i32 to index
        %get3A_1113 = arith.constant 80 : index
        %get3A_1114 = tpu.vector_load %arg8[%get3A_1112, %get3A_1113] {strides = array<i32>} : memref<256x128xf32, #tpu.memory_space<vmem>>, vector<16xf32>,
        %mul3A_1115 = vector.broadcast %squeeze3A_1019 : f32 to vector<16xf32>
        %mul3A_1116 = arith.mulf %mul3A_1115, %get3A_1114 : vector<16xf32>
        %add3A_1117 = arith.addf %get3A_1107, %mul3A_1116 : vector<16xf32>
        %swap3A_1118 = arith.index_cast %add3A_1105 : i32 to index
        %swap3A_1119 = tpu.vector_load %arg14[%swap3A_1118] {strides = array<i32>} : memref<2048xf32, #tpu.memory_space<vmem>>, vector<16xf32>,
        tpu.vector_store %arg14[%swap3A_1118], %add3A_1117 {strides = array<i32>} : memref<2048xf32, #tpu.memory_space<vmem>>, vector<16xf32>,
        %add3A_1120 = arith.constant 96 : i32
        %add3A_1121 = arith.addi %mul3A_1023, %add3A_1120 : i32
        %get3A_1122 = arith.index_cast %add3A_1121 : i32 to index
        %get3A_1123 = tpu.vector_load %arg14[%get3A_1122] {strides = array<i32>} : memref<2048xf32, #tpu.memory_space<vmem>>, vector<16xf32>,
        %mul3A_1124 = arith.constant 16 : i32
        %mul3A_1125 = arith.muli %scan3A_70, %mul3A_1124 : i32
        %add3A_1126 = arith.constant 7 : i32
        %add3A_1127 = arith.addi %mul3A_1125, %add3A_1126 : i32
        %get3A_1128 = arith.index_cast %add3A_1127 : i32 to index
        %get3A_1129 = arith.constant 96 : index
        %get3A_1130 = tpu.vector_load %arg8[%get3A_1128, %get3A_1129] {strides = array<i32>} : memref<256x128xf32, #tpu.memory_space<vmem>>, vector<16xf32>,
        %mul3A_1131 = vector.broadcast %squeeze3A_1019 : f32 to vector<16xf32>
        %mul3A_1132 = arith.mulf %mul3A_1131, %get3A_1130 : vector<16xf32>
        %add3A_1133 = arith.addf %get3A_1123, %mul3A_1132 : vector<16xf32>
        %swap3A_1134 = arith.index_cast %add3A_1121 : i32 to index
        %swap3A_1135 = tpu.vector_load %arg14[%swap3A_1134] {strides = array<i32>} : memref<2048xf32, #tpu.memory_space<vmem>>, vector<16xf32>,
        tpu.vector_store %arg14[%swap3A_1134], %add3A_1133 {strides = array<i32>} : memref<2048xf32, #tpu.memory_space<vmem>>, vector<16xf32>,
        %add3A_1136 = arith.constant 112 : i32
        %add3A_1137 = arith.addi %mul3A_1023, %add3A_1136 : i32
        %get3A_1138 = arith.index_cast %add3A_1137 : i32 to index
        %get3A_1139 = tpu.vector_load %arg14[%get3A_1138] {strides = array<i32>} : memref<2048xf32, #tpu.memory_space<vmem>>, vector<16xf32>,
        %mul3A_1140 = arith.constant 16 : i32
        %mul3A_1141 = arith.muli %scan3A_70, %mul3A_1140 : i32
        %add3A_1142 = arith.constant 7 : i32
        %add3A_1143 = arith.addi %mul3A_1141, %add3A_1142 : i32
        %get3A_1144 = arith.index_cast %add3A_1143 : i32 to index
        %get3A_1145 = arith.constant 112 : index
        %get3A_1146 = tpu.vector_load %arg8[%get3A_1144, %get3A_1145] {strides = array<i32>} : memref<256x128xf32, #tpu.memory_space<vmem>>, vector<16xf32>,
        %mul3A_1147 = vector.broadcast %squeeze3A_1019 : f32 to vector<16xf32>
        %mul3A_1148 = arith.mulf %mul3A_1147, %get3A_1146 : vector<16xf32>
        %add3A_1149 = arith.addf %get3A_1139, %mul3A_1148 : vector<16xf32>
        %swap3A_1150 = arith.index_cast %add3A_1137 : i32 to index
        %swap3A_1151 = tpu.vector_load %arg14[%swap3A_1150] {strides = array<i32>} : memref<2048xf32, #tpu.memory_space<vmem>>, vector<16xf32>,
        tpu.vector_store %arg14[%swap3A_1150], %add3A_1149 {strides = array<i32>} : memref<2048xf32, #tpu.memory_space<vmem>>, vector<16xf32>,
        %slice3A_1152 = vector.extract_strided_slice %get3A_75 {offsets = [8], sizes = [1], strides = [1]} : vector<16xf32> to vector<1xf32>
        %squeeze3A_1153 = vector.extract %slice3A_1152[0] : f32 from vector<1xf32>
        %slice3A_1154 = vector.extract_strided_slice %get3A_79 {offsets = [8], sizes = [1], strides = [1]} : vector<16xi32> to vector<1xi32>
        %squeeze3A_1155 = vector.extract %slice3A_1154[0] : i32 from vector<1xi32>
        %mul3A_1156 = arith.constant 128 : i32
        %mul3A_1157 = arith.muli %squeeze3A_1155, %mul3A_1156 : i32
        %add3A_1158 = arith.constant 0 : i32
        %add3A_1159 = arith.addi %mul3A_1157, %add3A_1158 : i32
        %get3A_1160 = arith.index_cast %add3A_1159 : i32 to index
        %get3A_1161 = tpu.vector_load %arg14[%get3A_1160] {strides = array<i32>} : memref<2048xf32, #tpu.memory_space<vmem>>, vector<16xf32>,
        %mul3A_1162 = arith.constant 16 : i32
        %mul3A_1163 = arith.muli %scan3A_70, %mul3A_1162 : i32
        %add3A_1164 = arith.constant 8 : i32
        %add3A_1165 = arith.addi %mul3A_1163, %add3A_1164 : i32
        %get3A_1166 = arith.index_cast %add3A_1165 : i32 to index
        %get3A_1167 = arith.constant 0 : index
        %get3A_1168 = tpu.vector_load %arg8[%get3A_1166, %get3A_1167] {strides = array<i32>} : memref<256x128xf32, #tpu.memory_space<vmem>>, vector<16xf32>,
        %mul3A_1169 = vector.broadcast %squeeze3A_1153 : f32 to vector<16xf32>
        %mul3A_1170 = arith.mulf %mul3A_1169, %get3A_1168 : vector<16xf32>
        %add3A_1171 = arith.addf %get3A_1161, %mul3A_1170 : vector<16xf32>
        %swap3A_1172 = arith.index_cast %add3A_1159 : i32 to index
        %swap3A_1173 = tpu.vector_load %arg14[%swap3A_1172] {strides = array<i32>} : memref<2048xf32, #tpu.memory_space<vmem>>, vector<16xf32>,
        tpu.vector_store %arg14[%swap3A_1172], %add3A_1171 {strides = array<i32>} : memref<2048xf32, #tpu.memory_space<vmem>>, vector<16xf32>,
        %add3A_1174 = arith.constant 16 : i32
        %add3A_1175 = arith.addi %mul3A_1157, %add3A_1174 : i32
        %get3A_1176 = arith.index_cast %add3A_1175 : i32 to index
        %get3A_1177 = tpu.vector_load %arg14[%get3A_1176] {strides = array<i32>} : memref<2048xf32, #tpu.memory_space<vmem>>, vector<16xf32>,
        %mul3A_1178 = arith.constant 16 : i32
        %mul3A_1179 = arith.muli %scan3A_70, %mul3A_1178 : i32
        %add3A_1180 = arith.constant 8 : i32
        %add3A_1181 = arith.addi %mul3A_1179, %add3A_1180 : i32
        %get3A_1182 = arith.index_cast %add3A_1181 : i32 to index
        %get3A_1183 = arith.constant 16 : index
        %get3A_1184 = tpu.vector_load %arg8[%get3A_1182, %get3A_1183] {strides = array<i32>} : memref<256x128xf32, #tpu.memory_space<vmem>>, vector<16xf32>,
        %mul3A_1185 = vector.broadcast %squeeze3A_1153 : f32 to vector<16xf32>
        %mul3A_1186 = arith.mulf %mul3A_1185, %get3A_1184 : vector<16xf32>
        %add3A_1187 = arith.addf %get3A_1177, %mul3A_1186 : vector<16xf32>
        %swap3A_1188 = arith.index_cast %add3A_1175 : i32 to index
        %swap3A_1189 = tpu.vector_load %arg14[%swap3A_1188] {strides = array<i32>} : memref<2048xf32, #tpu.memory_space<vmem>>, vector<16xf32>,
        tpu.vector_store %arg14[%swap3A_1188], %add3A_1187 {strides = array<i32>} : memref<2048xf32, #tpu.memory_space<vmem>>, vector<16xf32>,
        %add3A_1190 = arith.constant 32 : i32
        %add3A_1191 = arith.addi %mul3A_1157, %add3A_1190 : i32
        %get3A_1192 = arith.index_cast %add3A_1191 : i32 to index
        %get3A_1193 = tpu.vector_load %arg14[%get3A_1192] {strides = array<i32>} : memref<2048xf32, #tpu.memory_space<vmem>>, vector<16xf32>,
        %mul3A_1194 = arith.constant 16 : i32
        %mul3A_1195 = arith.muli %scan3A_70, %mul3A_1194 : i32
        %add3A_1196 = arith.constant 8 : i32
        %add3A_1197 = arith.addi %mul3A_1195, %add3A_1196 : i32
        %get3A_1198 = arith.index_cast %add3A_1197 : i32 to index
        %get3A_1199 = arith.constant 32 : index
        %get3A_1200 = tpu.vector_load %arg8[%get3A_1198, %get3A_1199] {strides = array<i32>} : memref<256x128xf32, #tpu.memory_space<vmem>>, vector<16xf32>,
        %mul3A_1201 = vector.broadcast %squeeze3A_1153 : f32 to vector<16xf32>
        %mul3A_1202 = arith.mulf %mul3A_1201, %get3A_1200 : vector<16xf32>
        %add3A_1203 = arith.addf %get3A_1193, %mul3A_1202 : vector<16xf32>
        %swap3A_1204 = arith.index_cast %add3A_1191 : i32 to index
        %swap3A_1205 = tpu.vector_load %arg14[%swap3A_1204] {strides = array<i32>} : memref<2048xf32, #tpu.memory_space<vmem>>, vector<16xf32>,
        tpu.vector_store %arg14[%swap3A_1204], %add3A_1203 {strides = array<i32>} : memref<2048xf32, #tpu.memory_space<vmem>>, vector<16xf32>,
        %add3A_1206 = arith.constant 48 : i32
        %add3A_1207 = arith.addi %mul3A_1157, %add3A_1206 : i32
        %get3A_1208 = arith.index_cast %add3A_1207 : i32 to index
        %get3A_1209 = tpu.vector_load %arg14[%get3A_1208] {strides = array<i32>} : memref<2048xf32, #tpu.memory_space<vmem>>, vector<16xf32>,
        %mul3A_1210 = arith.constant 16 : i32
        %mul3A_1211 = arith.muli %scan3A_70, %mul3A_1210 : i32
        %add3A_1212 = arith.constant 8 : i32
        %add3A_1213 = arith.addi %mul3A_1211, %add3A_1212 : i32
        %get3A_1214 = arith.index_cast %add3A_1213 : i32 to index
        %get3A_1215 = arith.constant 48 : index
        %get3A_1216 = tpu.vector_load %arg8[%get3A_1214, %get3A_1215] {strides = array<i32>} : memref<256x128xf32, #tpu.memory_space<vmem>>, vector<16xf32>,
        %mul3A_1217 = vector.broadcast %squeeze3A_1153 : f32 to vector<16xf32>
        %mul3A_1218 = arith.mulf %mul3A_1217, %get3A_1216 : vector<16xf32>
        %add3A_1219 = arith.addf %get3A_1209, %mul3A_1218 : vector<16xf32>
        %swap3A_1220 = arith.index_cast %add3A_1207 : i32 to index
        %swap3A_1221 = tpu.vector_load %arg14[%swap3A_1220] {strides = array<i32>} : memref<2048xf32, #tpu.memory_space<vmem>>, vector<16xf32>,
        tpu.vector_store %arg14[%swap3A_1220], %add3A_1219 {strides = array<i32>} : memref<2048xf32, #tpu.memory_space<vmem>>, vector<16xf32>,
        %add3A_1222 = arith.constant 64 : i32
        %add3A_1223 = arith.addi %mul3A_1157, %add3A_1222 : i32
        %get3A_1224 = arith.index_cast %add3A_1223 : i32 to index
        %get3A_1225 = tpu.vector_load %arg14[%get3A_1224] {strides = array<i32>} : memref<2048xf32, #tpu.memory_space<vmem>>, vector<16xf32>,
        %mul3A_1226 = arith.constant 16 : i32
        %mul3A_1227 = arith.muli %scan3A_70, %mul3A_1226 : i32
        %add3A_1228 = arith.constant 8 : i32
        %add3A_1229 = arith.addi %mul3A_1227, %add3A_1228 : i32
        %get3A_1230 = arith.index_cast %add3A_1229 : i32 to index
        %get3A_1231 = arith.constant 64 : index
        %get3A_1232 = tpu.vector_load %arg8[%get3A_1230, %get3A_1231] {strides = array<i32>} : memref<256x128xf32, #tpu.memory_space<vmem>>, vector<16xf32>,
        %mul3A_1233 = vector.broadcast %squeeze3A_1153 : f32 to vector<16xf32>
        %mul3A_1234 = arith.mulf %mul3A_1233, %get3A_1232 : vector<16xf32>
        %add3A_1235 = arith.addf %get3A_1225, %mul3A_1234 : vector<16xf32>
        %swap3A_1236 = arith.index_cast %add3A_1223 : i32 to index
        %swap3A_1237 = tpu.vector_load %arg14[%swap3A_1236] {strides = array<i32>} : memref<2048xf32, #tpu.memory_space<vmem>>, vector<16xf32>,
        tpu.vector_store %arg14[%swap3A_1236], %add3A_1235 {strides = array<i32>} : memref<2048xf32, #tpu.memory_space<vmem>>, vector<16xf32>,
        %add3A_1238 = arith.constant 80 : i32
        %add3A_1239 = arith.addi %mul3A_1157, %add3A_1238 : i32
        %get3A_1240 = arith.index_cast %add3A_1239 : i32 to index
        %get3A_1241 = tpu.vector_load %arg14[%get3A_1240] {strides = array<i32>} : memref<2048xf32, #tpu.memory_space<vmem>>, vector<16xf32>,
        %mul3A_1242 = arith.constant 16 : i32
        %mul3A_1243 = arith.muli %scan3A_70, %mul3A_1242 : i32
        %add3A_1244 = arith.constant 8 : i32
        %add3A_1245 = arith.addi %mul3A_1243, %add3A_1244 : i32
        %get3A_1246 = arith.index_cast %add3A_1245 : i32 to index
        %get3A_1247 = arith.constant 80 : index
        %get3A_1248 = tpu.vector_load %arg8[%get3A_1246, %get3A_1247] {strides = array<i32>} : memref<256x128xf32, #tpu.memory_space<vmem>>, vector<16xf32>,
        %mul3A_1249 = vector.broadcast %squeeze3A_1153 : f32 to vector<16xf32>
        %mul3A_1250 = arith.mulf %mul3A_1249, %get3A_1248 : vector<16xf32>
        %add3A_1251 = arith.addf %get3A_1241, %mul3A_1250 : vector<16xf32>
        %swap3A_1252 = arith.index_cast %add3A_1239 : i32 to index
        %swap3A_1253 = tpu.vector_load %arg14[%swap3A_1252] {strides = array<i32>} : memref<2048xf32, #tpu.memory_space<vmem>>, vector<16xf32>,
        tpu.vector_store %arg14[%swap3A_1252], %add3A_1251 {strides = array<i32>} : memref<2048xf32, #tpu.memory_space<vmem>>, vector<16xf32>,
        %add3A_1254 = arith.constant 96 : i32
        %add3A_1255 = arith.addi %mul3A_1157, %add3A_1254 : i32
        %get3A_1256 = arith.index_cast %add3A_1255 : i32 to index
        %get3A_1257 = tpu.vector_load %arg14[%get3A_1256] {strides = array<i32>} : memref<2048xf32, #tpu.memory_space<vmem>>, vector<16xf32>,
        %mul3A_1258 = arith.constant 16 : i32
        %mul3A_1259 = arith.muli %scan3A_70, %mul3A_1258 : i32
        %add3A_1260 = arith.constant 8 : i32
        %add3A_1261 = arith.addi %mul3A_1259, %add3A_1260 : i32
        %get3A_1262 = arith.index_cast %add3A_1261 : i32 to index
        %get3A_1263 = arith.constant 96 : index
        %get3A_1264 = tpu.vector_load %arg8[%get3A_1262, %get3A_1263] {strides = array<i32>} : memref<256x128xf32, #tpu.memory_space<vmem>>, vector<16xf32>,
        %mul3A_1265 = vector.broadcast %squeeze3A_1153 : f32 to vector<16xf32>
        %mul3A_1266 = arith.mulf %mul3A_1265, %get3A_1264 : vector<16xf32>
        %add3A_1267 = arith.addf %get3A_1257, %mul3A_1266 : vector<16xf32>
        %swap3A_1268 = arith.index_cast %add3A_1255 : i32 to index
        %swap3A_1269 = tpu.vector_load %arg14[%swap3A_1268] {strides = array<i32>} : memref<2048xf32, #tpu.memory_space<vmem>>, vector<16xf32>,
        tpu.vector_store %arg14[%swap3A_1268], %add3A_1267 {strides = array<i32>} : memref<2048xf32, #tpu.memory_space<vmem>>, vector<16xf32>,
        %add3A_1270 = arith.constant 112 : i32
        %add3A_1271 = arith.addi %mul3A_1157, %add3A_1270 : i32
        %get3A_1272 = arith.index_cast %add3A_1271 : i32 to index
        %get3A_1273 = tpu.vector_load %arg14[%get3A_1272] {strides = array<i32>} : memref<2048xf32, #tpu.memory_space<vmem>>, vector<16xf32>,
        %mul3A_1274 = arith.constant 16 : i32
        %mul3A_1275 = arith.muli %scan3A_70, %mul3A_1274 : i32
        %add3A_1276 = arith.constant 8 : i32
        %add3A_1277 = arith.addi %mul3A_1275, %add3A_1276 : i32
        %get3A_1278 = arith.index_cast %add3A_1277 : i32 to index
        %get3A_1279 = arith.constant 112 : index
        %get3A_1280 = tpu.vector_load %arg8[%get3A_1278, %get3A_1279] {strides = array<i32>} : memref<256x128xf32, #tpu.memory_space<vmem>>, vector<16xf32>,
        %mul3A_1281 = vector.broadcast %squeeze3A_1153 : f32 to vector<16xf32>
        %mul3A_1282 = arith.mulf %mul3A_1281, %get3A_1280 : vector<16xf32>
        %add3A_1283 = arith.addf %get3A_1273, %mul3A_1282 : vector<16xf32>
        %swap3A_1284 = arith.index_cast %add3A_1271 : i32 to index
        %swap3A_1285 = tpu.vector_load %arg14[%swap3A_1284] {strides = array<i32>} : memref<2048xf32, #tpu.memory_space<vmem>>, vector<16xf32>,
        tpu.vector_store %arg14[%swap3A_1284], %add3A_1283 {strides = array<i32>} : memref<2048xf32, #tpu.memory_space<vmem>>, vector<16xf32>,
        %slice3A_1286 = vector.extract_strided_slice %get3A_75 {offsets = [9], sizes = [1], strides = [1]} : vector<16xf32> to vector<1xf32>
        %squeeze3A_1287 = vector.extract %slice3A_1286[0] : f32 from vector<1xf32>
        %slice3A_1288 = vector.extract_strided_slice %get3A_79 {offsets = [9], sizes = [1], strides = [1]} : vector<16xi32> to vector<1xi32>
        %squeeze3A_1289 = vector.extract %slice3A_1288[0] : i32 from vector<1xi32>
        %mul3A_1290 = arith.constant 128 : i32
        %mul3A_1291 = arith.muli %squeeze3A_1289, %mul3A_1290 : i32
        %add3A_1292 = arith.constant 0 : i32
        %add3A_1293 = arith.addi %mul3A_1291, %add3A_1292 : i32
        %get3A_1294 = arith.index_cast %add3A_1293 : i32 to index
        %get3A_1295 = tpu.vector_load %arg14[%get3A_1294] {strides = array<i32>} : memref<2048xf32, #tpu.memory_space<vmem>>, vector<16xf32>,
        %mul3A_1296 = arith.constant 16 : i32
        %mul3A_1297 = arith.muli %scan3A_70, %mul3A_1296 : i32
        %add3A_1298 = arith.constant 9 : i32
        %add3A_1299 = arith.addi %mul3A_1297, %add3A_1298 : i32
        %get3A_1300 = arith.index_cast %add3A_1299 : i32 to index
        %get3A_1301 = arith.constant 0 : index
        %get3A_1302 = tpu.vector_load %arg8[%get3A_1300, %get3A_1301] {strides = array<i32>} : memref<256x128xf32, #tpu.memory_space<vmem>>, vector<16xf32>,
        %mul3A_1303 = vector.broadcast %squeeze3A_1287 : f32 to vector<16xf32>
        %mul3A_1304 = arith.mulf %mul3A_1303, %get3A_1302 : vector<16xf32>
        %add3A_1305 = arith.addf %get3A_1295, %mul3A_1304 : vector<16xf32>
        %swap3A_1306 = arith.index_cast %add3A_1293 : i32 to index
        %swap3A_1307 = tpu.vector_load %arg14[%swap3A_1306] {strides = array<i32>} : memref<2048xf32, #tpu.memory_space<vmem>>, vector<16xf32>,
        tpu.vector_store %arg14[%swap3A_1306], %add3A_1305 {strides = array<i32>} : memref<2048xf32, #tpu.memory_space<vmem>>, vector<16xf32>,
        %add3A_1308 = arith.constant 16 : i32
        %add3A_1309 = arith.addi %mul3A_1291, %add3A_1308 : i32
        %get3A_1310 = arith.index_cast %add3A_1309 : i32 to index
        %get3A_1311 = tpu.vector_load %arg14[%get3A_1310] {strides = array<i32>} : memref<2048xf32, #tpu.memory_space<vmem>>, vector<16xf32>,
        %mul3A_1312 = arith.constant 16 : i32
        %mul3A_1313 = arith.muli %scan3A_70, %mul3A_1312 : i32
        %add3A_1314 = arith.constant 9 : i32
        %add3A_1315 = arith.addi %mul3A_1313, %add3A_1314 : i32
        %get3A_1316 = arith.index_cast %add3A_1315 : i32 to index
        %get3A_1317 = arith.constant 16 : index
        %get3A_1318 = tpu.vector_load %arg8[%get3A_1316, %get3A_1317] {strides = array<i32>} : memref<256x128xf32, #tpu.memory_space<vmem>>, vector<16xf32>,
        %mul3A_1319 = vector.broadcast %squeeze3A_1287 : f32 to vector<16xf32>
        %mul3A_1320 = arith.mulf %mul3A_1319, %get3A_1318 : vector<16xf32>
        %add3A_1321 = arith.addf %get3A_1311, %mul3A_1320 : vector<16xf32>
        %swap3A_1322 = arith.index_cast %add3A_1309 : i32 to index
        %swap3A_1323 = tpu.vector_load %arg14[%swap3A_1322] {strides = array<i32>} : memref<2048xf32, #tpu.memory_space<vmem>>, vector<16xf32>,
        tpu.vector_store %arg14[%swap3A_1322], %add3A_1321 {strides = array<i32>} : memref<2048xf32, #tpu.memory_space<vmem>>, vector<16xf32>,
        %add3A_1324 = arith.constant 32 : i32
        %add3A_1325 = arith.addi %mul3A_1291, %add3A_1324 : i32
        %get3A_1326 = arith.index_cast %add3A_1325 : i32 to index
        %get3A_1327 = tpu.vector_load %arg14[%get3A_1326] {strides = array<i32>} : memref<2048xf32, #tpu.memory_space<vmem>>, vector<16xf32>,
        %mul3A_1328 = arith.constant 16 : i32
        %mul3A_1329 = arith.muli %scan3A_70, %mul3A_1328 : i32
        %add3A_1330 = arith.constant 9 : i32
        %add3A_1331 = arith.addi %mul3A_1329, %add3A_1330 : i32
        %get3A_1332 = arith.index_cast %add3A_1331 : i32 to index
        %get3A_1333 = arith.constant 32 : index
        %get3A_1334 = tpu.vector_load %arg8[%get3A_1332, %get3A_1333] {strides = array<i32>} : memref<256x128xf32, #tpu.memory_space<vmem>>, vector<16xf32>,
        %mul3A_1335 = vector.broadcast %squeeze3A_1287 : f32 to vector<16xf32>
        %mul3A_1336 = arith.mulf %mul3A_1335, %get3A_1334 : vector<16xf32>
        %add3A_1337 = arith.addf %get3A_1327, %mul3A_1336 : vector<16xf32>
        %swap3A_1338 = arith.index_cast %add3A_1325 : i32 to index
        %swap3A_1339 = tpu.vector_load %arg14[%swap3A_1338] {strides = array<i32>} : memref<2048xf32, #tpu.memory_space<vmem>>, vector<16xf32>,
        tpu.vector_store %arg14[%swap3A_1338], %add3A_1337 {strides = array<i32>} : memref<2048xf32, #tpu.memory_space<vmem>>, vector<16xf32>,
        %add3A_1340 = arith.constant 48 : i32
        %add3A_1341 = arith.addi %mul3A_1291, %add3A_1340 : i32
        %get3A_1342 = arith.index_cast %add3A_1341 : i32 to index
        %get3A_1343 = tpu.vector_load %arg14[%get3A_1342] {strides = array<i32>} : memref<2048xf32, #tpu.memory_space<vmem>>, vector<16xf32>,
        %mul3A_1344 = arith.constant 16 : i32
        %mul3A_1345 = arith.muli %scan3A_70, %mul3A_1344 : i32
        %add3A_1346 = arith.constant 9 : i32
        %add3A_1347 = arith.addi %mul3A_1345, %add3A_1346 : i32
        %get3A_1348 = arith.index_cast %add3A_1347 : i32 to index
        %get3A_1349 = arith.constant 48 : index
        %get3A_1350 = tpu.vector_load %arg8[%get3A_1348, %get3A_1349] {strides = array<i32>} : memref<256x128xf32, #tpu.memory_space<vmem>>, vector<16xf32>,
        %mul3A_1351 = vector.broadcast %squeeze3A_1287 : f32 to vector<16xf32>
        %mul3A_1352 = arith.mulf %mul3A_1351, %get3A_1350 : vector<16xf32>
        %add3A_1353 = arith.addf %get3A_1343, %mul3A_1352 : vector<16xf32>
        %swap3A_1354 = arith.index_cast %add3A_1341 : i32 to index
        %swap3A_1355 = tpu.vector_load %arg14[%swap3A_1354] {strides = array<i32>} : memref<2048xf32, #tpu.memory_space<vmem>>, vector<16xf32>,
        tpu.vector_store %arg14[%swap3A_1354], %add3A_1353 {strides = array<i32>} : memref<2048xf32, #tpu.memory_space<vmem>>, vector<16xf32>,
        %add3A_1356 = arith.constant 64 : i32
        %add3A_1357 = arith.addi %mul3A_1291, %add3A_1356 : i32
        %get3A_1358 = arith.index_cast %add3A_1357 : i32 to index
        %get3A_1359 = tpu.vector_load %arg14[%get3A_1358] {strides = array<i32>} : memref<2048xf32, #tpu.memory_space<vmem>>, vector<16xf32>,
        %mul3A_1360 = arith.constant 16 : i32
        %mul3A_1361 = arith.muli %scan3A_70, %mul3A_1360 : i32
        %add3A_1362 = arith.constant 9 : i32
        %add3A_1363 = arith.addi %mul3A_1361, %add3A_1362 : i32
        %get3A_1364 = arith.index_cast %add3A_1363 : i32 to index
        %get3A_1365 = arith.constant 64 : index
        %get3A_1366 = tpu.vector_load %arg8[%get3A_1364, %get3A_1365] {strides = array<i32>} : memref<256x128xf32, #tpu.memory_space<vmem>>, vector<16xf32>,
        %mul3A_1367 = vector.broadcast %squeeze3A_1287 : f32 to vector<16xf32>
        %mul3A_1368 = arith.mulf %mul3A_1367, %get3A_1366 : vector<16xf32>
        %add3A_1369 = arith.addf %get3A_1359, %mul3A_1368 : vector<16xf32>
        %swap3A_1370 = arith.index_cast %add3A_1357 : i32 to index
        %swap3A_1371 = tpu.vector_load %arg14[%swap3A_1370] {strides = array<i32>} : memref<2048xf32, #tpu.memory_space<vmem>>, vector<16xf32>,
        tpu.vector_store %arg14[%swap3A_1370], %add3A_1369 {strides = array<i32>} : memref<2048xf32, #tpu.memory_space<vmem>>, vector<16xf32>,
        %add3A_1372 = arith.constant 80 : i32
        %add3A_1373 = arith.addi %mul3A_1291, %add3A_1372 : i32
        %get3A_1374 = arith.index_cast %add3A_1373 : i32 to index
        %get3A_1375 = tpu.vector_load %arg14[%get3A_1374] {strides = array<i32>} : memref<2048xf32, #tpu.memory_space<vmem>>, vector<16xf32>,
        %mul3A_1376 = arith.constant 16 : i32
        %mul3A_1377 = arith.muli %scan3A_70, %mul3A_1376 : i32
        %add3A_1378 = arith.constant 9 : i32
        %add3A_1379 = arith.addi %mul3A_1377, %add3A_1378 : i32
        %get3A_1380 = arith.index_cast %add3A_1379 : i32 to index
        %get3A_1381 = arith.constant 80 : index
        %get3A_1382 = tpu.vector_load %arg8[%get3A_1380, %get3A_1381] {strides = array<i32>} : memref<256x128xf32, #tpu.memory_space<vmem>>, vector<16xf32>,
        %mul3A_1383 = vector.broadcast %squeeze3A_1287 : f32 to vector<16xf32>
        %mul3A_1384 = arith.mulf %mul3A_1383, %get3A_1382 : vector<16xf32>
        %add3A_1385 = arith.addf %get3A_1375, %mul3A_1384 : vector<16xf32>
        %swap3A_1386 = arith.index_cast %add3A_1373 : i32 to index
        %swap3A_1387 = tpu.vector_load %arg14[%swap3A_1386] {strides = array<i32>} : memref<2048xf32, #tpu.memory_space<vmem>>, vector<16xf32>,
        tpu.vector_store %arg14[%swap3A_1386], %add3A_1385 {strides = array<i32>} : memref<2048xf32, #tpu.memory_space<vmem>>, vector<16xf32>,
        %add3A_1388 = arith.constant 96 : i32
        %add3A_1389 = arith.addi %mul3A_1291, %add3A_1388 : i32
        %get3A_1390 = arith.index_cast %add3A_1389 : i32 to index
        %get3A_1391 = tpu.vector_load %arg14[%get3A_1390] {strides = array<i32>} : memref<2048xf32, #tpu.memory_space<vmem>>, vector<16xf32>,
        %mul3A_1392 = arith.constant 16 : i32
        %mul3A_1393 = arith.muli %scan3A_70, %mul3A_1392 : i32
        %add3A_1394 = arith.constant 9 : i32
        %add3A_1395 = arith.addi %mul3A_1393, %add3A_1394 : i32
        %get3A_1396 = arith.index_cast %add3A_1395 : i32 to index
        %get3A_1397 = arith.constant 96 : index
        %get3A_1398 = tpu.vector_load %arg8[%get3A_1396, %get3A_1397] {strides = array<i32>} : memref<256x128xf32, #tpu.memory_space<vmem>>, vector<16xf32>,
        %mul3A_1399 = vector.broadcast %squeeze3A_1287 : f32 to vector<16xf32>
        %mul3A_1400 = arith.mulf %mul3A_1399, %get3A_1398 : vector<16xf32>
        %add3A_1401 = arith.addf %get3A_1391, %mul3A_1400 : vector<16xf32>
        %swap3A_1402 = arith.index_cast %add3A_1389 : i32 to index
        %swap3A_1403 = tpu.vector_load %arg14[%swap3A_1402] {strides = array<i32>} : memref<2048xf32, #tpu.memory_space<vmem>>, vector<16xf32>,
        tpu.vector_store %arg14[%swap3A_1402], %add3A_1401 {strides = array<i32>} : memref<2048xf32, #tpu.memory_space<vmem>>, vector<16xf32>,
        %add3A_1404 = arith.constant 112 : i32
        %add3A_1405 = arith.addi %mul3A_1291, %add3A_1404 : i32
        %get3A_1406 = arith.index_cast %add3A_1405 : i32 to index
        %get3A_1407 = tpu.vector_load %arg14[%get3A_1406] {strides = array<i32>} : memref<2048xf32, #tpu.memory_space<vmem>>, vector<16xf32>,
        %mul3A_1408 = arith.constant 16 : i32
        %mul3A_1409 = arith.muli %scan3A_70, %mul3A_1408 : i32
        %add3A_1410 = arith.constant 9 : i32
        %add3A_1411 = arith.addi %mul3A_1409, %add3A_1410 : i32
        %get3A_1412 = arith.index_cast %add3A_1411 : i32 to index
        %get3A_1413 = arith.constant 112 : index
        %get3A_1414 = tpu.vector_load %arg8[%get3A_1412, %get3A_1413] {strides = array<i32>} : memref<256x128xf32, #tpu.memory_space<vmem>>, vector<16xf32>,
        %mul3A_1415 = vector.broadcast %squeeze3A_1287 : f32 to vector<16xf32>
        %mul3A_1416 = arith.mulf %mul3A_1415, %get3A_1414 : vector<16xf32>
        %add3A_1417 = arith.addf %get3A_1407, %mul3A_1416 : vector<16xf32>
        %swap3A_1418 = arith.index_cast %add3A_1405 : i32 to index
        %swap3A_1419 = tpu.vector_load %arg14[%swap3A_1418] {strides = array<i32>} : memref<2048xf32, #tpu.memory_space<vmem>>, vector<16xf32>,
        tpu.vector_store %arg14[%swap3A_1418], %add3A_1417 {strides = array<i32>} : memref<2048xf32, #tpu.memory_space<vmem>>, vector<16xf32>,
        %slice3A_1420 = vector.extract_strided_slice %get3A_75 {offsets = [10], sizes = [1], strides = [1]} : vector<16xf32> to vector<1xf32>
        %squeeze3A_1421 = vector.extract %slice3A_1420[0] : f32 from vector<1xf32>
        %slice3A_1422 = vector.extract_strided_slice %get3A_79 {offsets = [10], sizes = [1], strides = [1]} : vector<16xi32> to vector<1xi32>
        %squeeze3A_1423 = vector.extract %slice3A_1422[0] : i32 from vector<1xi32>
        %mul3A_1424 = arith.constant 128 : i32
        %mul3A_1425 = arith.muli %squeeze3A_1423, %mul3A_1424 : i32
        %add3A_1426 = arith.constant 0 : i32
        %add3A_1427 = arith.addi %mul3A_1425, %add3A_1426 : i32
        %get3A_1428 = arith.index_cast %add3A_1427 : i32 to index
        %get3A_1429 = tpu.vector_load %arg14[%get3A_1428] {strides = array<i32>} : memref<2048xf32, #tpu.memory_space<vmem>>, vector<16xf32>,
        %mul3A_1430 = arith.constant 16 : i32
        %mul3A_1431 = arith.muli %scan3A_70, %mul3A_1430 : i32
        %add3A_1432 = arith.constant 10 : i32
        %add3A_1433 = arith.addi %mul3A_1431, %add3A_1432 : i32
        %get3A_1434 = arith.index_cast %add3A_1433 : i32 to index
        %get3A_1435 = arith.constant 0 : index
        %get3A_1436 = tpu.vector_load %arg8[%get3A_1434, %get3A_1435] {strides = array<i32>} : memref<256x128xf32, #tpu.memory_space<vmem>>, vector<16xf32>,
        %mul3A_1437 = vector.broadcast %squeeze3A_1421 : f32 to vector<16xf32>
        %mul3A_1438 = arith.mulf %mul3A_1437, %get3A_1436 : vector<16xf32>
        %add3A_1439 = arith.addf %get3A_1429, %mul3A_1438 : vector<16xf32>
        %swap3A_1440 = arith.index_cast %add3A_1427 : i32 to index
        %swap3A_1441 = tpu.vector_load %arg14[%swap3A_1440] {strides = array<i32>} : memref<2048xf32, #tpu.memory_space<vmem>>, vector<16xf32>,
        tpu.vector_store %arg14[%swap3A_1440], %add3A_1439 {strides = array<i32>} : memref<2048xf32, #tpu.memory_space<vmem>>, vector<16xf32>,
        %add3A_1442 = arith.constant 16 : i32
        %add3A_1443 = arith.addi %mul3A_1425, %add3A_1442 : i32
        %get3A_1444 = arith.index_cast %add3A_1443 : i32 to index
        %get3A_1445 = tpu.vector_load %arg14[%get3A_1444] {strides = array<i32>} : memref<2048xf32, #tpu.memory_space<vmem>>, vector<16xf32>,
        %mul3A_1446 = arith.constant 16 : i32
        %mul3A_1447 = arith.muli %scan3A_70, %mul3A_1446 : i32
        %add3A_1448 = arith.constant 10 : i32
        %add3A_1449 = arith.addi %mul3A_1447, %add3A_1448 : i32
        %get3A_1450 = arith.index_cast %add3A_1449 : i32 to index
        %get3A_1451 = arith.constant 16 : index
        %get3A_1452 = tpu.vector_load %arg8[%get3A_1450, %get3A_1451] {strides = array<i32>} : memref<256x128xf32, #tpu.memory_space<vmem>>, vector<16xf32>,
        %mul3A_1453 = vector.broadcast %squeeze3A_1421 : f32 to vector<16xf32>
        %mul3A_1454 = arith.mulf %mul3A_1453, %get3A_1452 : vector<16xf32>
        %add3A_1455 = arith.addf %get3A_1445, %mul3A_1454 : vector<16xf32>
        %swap3A_1456 = arith.index_cast %add3A_1443 : i32 to index
        %swap3A_1457 = tpu.vector_load %arg14[%swap3A_1456] {strides = array<i32>} : memref<2048xf32, #tpu.memory_space<vmem>>, vector<16xf32>,
        tpu.vector_store %arg14[%swap3A_1456], %add3A_1455 {strides = array<i32>} : memref<2048xf32, #tpu.memory_space<vmem>>, vector<16xf32>,
        %add3A_1458 = arith.constant 32 : i32
        %add3A_1459 = arith.addi %mul3A_1425, %add3A_1458 : i32
        %get3A_1460 = arith.index_cast %add3A_1459 : i32 to index
        %get3A_1461 = tpu.vector_load %arg14[%get3A_1460] {strides = array<i32>} : memref<2048xf32, #tpu.memory_space<vmem>>, vector<16xf32>,
        %mul3A_1462 = arith.constant 16 : i32
        %mul3A_1463 = arith.muli %scan3A_70, %mul3A_1462 : i32
        %add3A_1464 = arith.constant 10 : i32
        %add3A_1465 = arith.addi %mul3A_1463, %add3A_1464 : i32
        %get3A_1466 = arith.index_cast %add3A_1465 : i32 to index
        %get3A_1467 = arith.constant 32 : index
        %get3A_1468 = tpu.vector_load %arg8[%get3A_1466, %get3A_1467] {strides = array<i32>} : memref<256x128xf32, #tpu.memory_space<vmem>>, vector<16xf32>,
        %mul3A_1469 = vector.broadcast %squeeze3A_1421 : f32 to vector<16xf32>
        %mul3A_1470 = arith.mulf %mul3A_1469, %get3A_1468 : vector<16xf32>
        %add3A_1471 = arith.addf %get3A_1461, %mul3A_1470 : vector<16xf32>
        %swap3A_1472 = arith.index_cast %add3A_1459 : i32 to index
        %swap3A_1473 = tpu.vector_load %arg14[%swap3A_1472] {strides = array<i32>} : memref<2048xf32, #tpu.memory_space<vmem>>, vector<16xf32>,
        tpu.vector_store %arg14[%swap3A_1472], %add3A_1471 {strides = array<i32>} : memref<2048xf32, #tpu.memory_space<vmem>>, vector<16xf32>,
        %add3A_1474 = arith.constant 48 : i32
        %add3A_1475 = arith.addi %mul3A_1425, %add3A_1474 : i32
        %get3A_1476 = arith.index_cast %add3A_1475 : i32 to index
        %get3A_1477 = tpu.vector_load %arg14[%get3A_1476] {strides = array<i32>} : memref<2048xf32, #tpu.memory_space<vmem>>, vector<16xf32>,
        %mul3A_1478 = arith.constant 16 : i32
        %mul3A_1479 = arith.muli %scan3A_70, %mul3A_1478 : i32
        %add3A_1480 = arith.constant 10 : i32
        %add3A_1481 = arith.addi %mul3A_1479, %add3A_1480 : i32
        %get3A_1482 = arith.index_cast %add3A_1481 : i32 to index
        %get3A_1483 = arith.constant 48 : index
        %get3A_1484 = tpu.vector_load %arg8[%get3A_1482, %get3A_1483] {strides = array<i32>} : memref<256x128xf32, #tpu.memory_space<vmem>>, vector<16xf32>,
        %mul3A_1485 = vector.broadcast %squeeze3A_1421 : f32 to vector<16xf32>
        %mul3A_1486 = arith.mulf %mul3A_1485, %get3A_1484 : vector<16xf32>
        %add3A_1487 = arith.addf %get3A_1477, %mul3A_1486 : vector<16xf32>
        %swap3A_1488 = arith.index_cast %add3A_1475 : i32 to index
        %swap3A_1489 = tpu.vector_load %arg14[%swap3A_1488] {strides = array<i32>} : memref<2048xf32, #tpu.memory_space<vmem>>, vector<16xf32>,
        tpu.vector_store %arg14[%swap3A_1488], %add3A_1487 {strides = array<i32>} : memref<2048xf32, #tpu.memory_space<vmem>>, vector<16xf32>,
        %add3A_1490 = arith.constant 64 : i32
        %add3A_1491 = arith.addi %mul3A_1425, %add3A_1490 : i32
        %get3A_1492 = arith.index_cast %add3A_1491 : i32 to index
        %get3A_1493 = tpu.vector_load %arg14[%get3A_1492] {strides = array<i32>} : memref<2048xf32, #tpu.memory_space<vmem>>, vector<16xf32>,
        %mul3A_1494 = arith.constant 16 : i32
        %mul3A_1495 = arith.muli %scan3A_70, %mul3A_1494 : i32
        %add3A_1496 = arith.constant 10 : i32
        %add3A_1497 = arith.addi %mul3A_1495, %add3A_1496 : i32
        %get3A_1498 = arith.index_cast %add3A_1497 : i32 to index
        %get3A_1499 = arith.constant 64 : index
        %get3A_1500 = tpu.vector_load %arg8[%get3A_1498, %get3A_1499] {strides = array<i32>} : memref<256x128xf32, #tpu.memory_space<vmem>>, vector<16xf32>,
        %mul3A_1501 = vector.broadcast %squeeze3A_1421 : f32 to vector<16xf32>
        %mul3A_1502 = arith.mulf %mul3A_1501, %get3A_1500 : vector<16xf32>
        %add3A_1503 = arith.addf %get3A_1493, %mul3A_1502 : vector<16xf32>
        %swap3A_1504 = arith.index_cast %add3A_1491 : i32 to index
        %swap3A_1505 = tpu.vector_load %arg14[%swap3A_1504] {strides = array<i32>} : memref<2048xf32, #tpu.memory_space<vmem>>, vector<16xf32>,
        tpu.vector_store %arg14[%swap3A_1504], %add3A_1503 {strides = array<i32>} : memref<2048xf32, #tpu.memory_space<vmem>>, vector<16xf32>,
        %add3A_1506 = arith.constant 80 : i32
        %add3A_1507 = arith.addi %mul3A_1425, %add3A_1506 : i32
        %get3A_1508 = arith.index_cast %add3A_1507 : i32 to index
        %get3A_1509 = tpu.vector_load %arg14[%get3A_1508] {strides = array<i32>} : memref<2048xf32, #tpu.memory_space<vmem>>, vector<16xf32>,
        %mul3A_1510 = arith.constant 16 : i32
        %mul3A_1511 = arith.muli %scan3A_70, %mul3A_1510 : i32
        %add3A_1512 = arith.constant 10 : i32
        %add3A_1513 = arith.addi %mul3A_1511, %add3A_1512 : i32
        %get3A_1514 = arith.index_cast %add3A_1513 : i32 to index
        %get3A_1515 = arith.constant 80 : index
        %get3A_1516 = tpu.vector_load %arg8[%get3A_1514, %get3A_1515] {strides = array<i32>} : memref<256x128xf32, #tpu.memory_space<vmem>>, vector<16xf32>,
        %mul3A_1517 = vector.broadcast %squeeze3A_1421 : f32 to vector<16xf32>
        %mul3A_1518 = arith.mulf %mul3A_1517, %get3A_1516 : vector<16xf32>
        %add3A_1519 = arith.addf %get3A_1509, %mul3A_1518 : vector<16xf32>
        %swap3A_1520 = arith.index_cast %add3A_1507 : i32 to index
        %swap3A_1521 = tpu.vector_load %arg14[%swap3A_1520] {strides = array<i32>} : memref<2048xf32, #tpu.memory_space<vmem>>, vector<16xf32>,
        tpu.vector_store %arg14[%swap3A_1520], %add3A_1519 {strides = array<i32>} : memref<2048xf32, #tpu.memory_space<vmem>>, vector<16xf32>,
        %add3A_1522 = arith.constant 96 : i32
        %add3A_1523 = arith.addi %mul3A_1425, %add3A_1522 : i32
        %get3A_1524 = arith.index_cast %add3A_1523 : i32 to index
        %get3A_1525 = tpu.vector_load %arg14[%get3A_1524] {strides = array<i32>} : memref<2048xf32, #tpu.memory_space<vmem>>, vector<16xf32>,
        %mul3A_1526 = arith.constant 16 : i32
        %mul3A_1527 = arith.muli %scan3A_70, %mul3A_1526 : i32
        %add3A_1528 = arith.constant 10 : i32
        %add3A_1529 = arith.addi %mul3A_1527, %add3A_1528 : i32
        %get3A_1530 = arith.index_cast %add3A_1529 : i32 to index
        %get3A_1531 = arith.constant 96 : index
        %get3A_1532 = tpu.vector_load %arg8[%get3A_1530, %get3A_1531] {strides = array<i32>} : memref<256x128xf32, #tpu.memory_space<vmem>>, vector<16xf32>,
        %mul3A_1533 = vector.broadcast %squeeze3A_1421 : f32 to vector<16xf32>
        %mul3A_1534 = arith.mulf %mul3A_1533, %get3A_1532 : vector<16xf32>
        %add3A_1535 = arith.addf %get3A_1525, %mul3A_1534 : vector<16xf32>
        %swap3A_1536 = arith.index_cast %add3A_1523 : i32 to index
        %swap3A_1537 = tpu.vector_load %arg14[%swap3A_1536] {strides = array<i32>} : memref<2048xf32, #tpu.memory_space<vmem>>, vector<16xf32>,
        tpu.vector_store %arg14[%swap3A_1536], %add3A_1535 {strides = array<i32>} : memref<2048xf32, #tpu.memory_space<vmem>>, vector<16xf32>,
        %add3A_1538 = arith.constant 112 : i32
        %add3A_1539 = arith.addi %mul3A_1425, %add3A_1538 : i32
        %get3A_1540 = arith.index_cast %add3A_1539 : i32 to index
        %get3A_1541 = tpu.vector_load %arg14[%get3A_1540] {strides = array<i32>} : memref<2048xf32, #tpu.memory_space<vmem>>, vector<16xf32>,
        %mul3A_1542 = arith.constant 16 : i32
        %mul3A_1543 = arith.muli %scan3A_70, %mul3A_1542 : i32
        %add3A_1544 = arith.constant 10 : i32
        %add3A_1545 = arith.addi %mul3A_1543, %add3A_1544 : i32
        %get3A_1546 = arith.index_cast %add3A_1545 : i32 to index
        %get3A_1547 = arith.constant 112 : index
        %get3A_1548 = tpu.vector_load %arg8[%get3A_1546, %get3A_1547] {strides = array<i32>} : memref<256x128xf32, #tpu.memory_space<vmem>>, vector<16xf32>,
        %mul3A_1549 = vector.broadcast %squeeze3A_1421 : f32 to vector<16xf32>
        %mul3A_1550 = arith.mulf %mul3A_1549, %get3A_1548 : vector<16xf32>
        %add3A_1551 = arith.addf %get3A_1541, %mul3A_1550 : vector<16xf32>
        %swap3A_1552 = arith.index_cast %add3A_1539 : i32 to index
        %swap3A_1553 = tpu.vector_load %arg14[%swap3A_1552] {strides = array<i32>} : memref<2048xf32, #tpu.memory_space<vmem>>, vector<16xf32>,
        tpu.vector_store %arg14[%swap3A_1552], %add3A_1551 {strides = array<i32>} : memref<2048xf32, #tpu.memory_space<vmem>>, vector<16xf32>,
        %slice3A_1554 = vector.extract_strided_slice %get3A_75 {offsets = [11], sizes = [1], strides = [1]} : vector<16xf32> to vector<1xf32>
        %squeeze3A_1555 = vector.extract %slice3A_1554[0] : f32 from vector<1xf32>
        %slice3A_1556 = vector.extract_strided_slice %get3A_79 {offsets = [11], sizes = [1], strides = [1]} : vector<16xi32> to vector<1xi32>
        %squeeze3A_1557 = vector.extract %slice3A_1556[0] : i32 from vector<1xi32>
        %mul3A_1558 = arith.constant 128 : i32
        %mul3A_1559 = arith.muli %squeeze3A_1557, %mul3A_1558 : i32
        %add3A_1560 = arith.constant 0 : i32
        %add3A_1561 = arith.addi %mul3A_1559, %add3A_1560 : i32
        %get3A_1562 = arith.index_cast %add3A_1561 : i32 to index
        %get3A_1563 = tpu.vector_load %arg14[%get3A_1562] {strides = array<i32>} : memref<2048xf32, #tpu.memory_space<vmem>>, vector<16xf32>,
        %mul3A_1564 = arith.constant 16 : i32
        %mul3A_1565 = arith.muli %scan3A_70, %mul3A_1564 : i32
        %add3A_1566 = arith.constant 11 : i32
        %add3A_1567 = arith.addi %mul3A_1565, %add3A_1566 : i32
        %get3A_1568 = arith.index_cast %add3A_1567 : i32 to index
        %get3A_1569 = arith.constant 0 : index
        %get3A_1570 = tpu.vector_load %arg8[%get3A_1568, %get3A_1569] {strides = array<i32>} : memref<256x128xf32, #tpu.memory_space<vmem>>, vector<16xf32>,
        %mul3A_1571 = vector.broadcast %squeeze3A_1555 : f32 to vector<16xf32>
        %mul3A_1572 = arith.mulf %mul3A_1571, %get3A_1570 : vector<16xf32>
        %add3A_1573 = arith.addf %get3A_1563, %mul3A_1572 : vector<16xf32>
        %swap3A_1574 = arith.index_cast %add3A_1561 : i32 to index
        %swap3A_1575 = tpu.vector_load %arg14[%swap3A_1574] {strides = array<i32>} : memref<2048xf32, #tpu.memory_space<vmem>>, vector<16xf32>,
        tpu.vector_store %arg14[%swap3A_1574], %add3A_1573 {strides = array<i32>} : memref<2048xf32, #tpu.memory_space<vmem>>, vector<16xf32>,
        %add3A_1576 = arith.constant 16 : i32
        %add3A_1577 = arith.addi %mul3A_1559, %add3A_1576 : i32
        %get3A_1578 = arith.index_cast %add3A_1577 : i32 to index
        %get3A_1579 = tpu.vector_load %arg14[%get3A_1578] {strides = array<i32>} : memref<2048xf32, #tpu.memory_space<vmem>>, vector<16xf32>,
        %mul3A_1580 = arith.constant 16 : i32
        %mul3A_1581 = arith.muli %scan3A_70, %mul3A_1580 : i32
        %add3A_1582 = arith.constant 11 : i32
        %add3A_1583 = arith.addi %mul3A_1581, %add3A_1582 : i32
        %get3A_1584 = arith.index_cast %add3A_1583 : i32 to index
        %get3A_1585 = arith.constant 16 : index
        %get3A_1586 = tpu.vector_load %arg8[%get3A_1584, %get3A_1585] {strides = array<i32>} : memref<256x128xf32, #tpu.memory_space<vmem>>, vector<16xf32>,
        %mul3A_1587 = vector.broadcast %squeeze3A_1555 : f32 to vector<16xf32>
        %mul3A_1588 = arith.mulf %mul3A_1587, %get3A_1586 : vector<16xf32>
        %add3A_1589 = arith.addf %get3A_1579, %mul3A_1588 : vector<16xf32>
        %swap3A_1590 = arith.index_cast %add3A_1577 : i32 to index
        %swap3A_1591 = tpu.vector_load %arg14[%swap3A_1590] {strides = array<i32>} : memref<2048xf32, #tpu.memory_space<vmem>>, vector<16xf32>,
        tpu.vector_store %arg14[%swap3A_1590], %add3A_1589 {strides = array<i32>} : memref<2048xf32, #tpu.memory_space<vmem>>, vector<16xf32>,
        %add3A_1592 = arith.constant 32 : i32
        %add3A_1593 = arith.addi %mul3A_1559, %add3A_1592 : i32
        %get3A_1594 = arith.index_cast %add3A_1593 : i32 to index
        %get3A_1595 = tpu.vector_load %arg14[%get3A_1594] {strides = array<i32>} : memref<2048xf32, #tpu.memory_space<vmem>>, vector<16xf32>,
        %mul3A_1596 = arith.constant 16 : i32
        %mul3A_1597 = arith.muli %scan3A_70, %mul3A_1596 : i32
        %add3A_1598 = arith.constant 11 : i32
        %add3A_1599 = arith.addi %mul3A_1597, %add3A_1598 : i32
        %get3A_1600 = arith.index_cast %add3A_1599 : i32 to index
        %get3A_1601 = arith.constant 32 : index
        %get3A_1602 = tpu.vector_load %arg8[%get3A_1600, %get3A_1601] {strides = array<i32>} : memref<256x128xf32, #tpu.memory_space<vmem>>, vector<16xf32>,
        %mul3A_1603 = vector.broadcast %squeeze3A_1555 : f32 to vector<16xf32>
        %mul3A_1604 = arith.mulf %mul3A_1603, %get3A_1602 : vector<16xf32>
        %add3A_1605 = arith.addf %get3A_1595, %mul3A_1604 : vector<16xf32>
        %swap3A_1606 = arith.index_cast %add3A_1593 : i32 to index
        %swap3A_1607 = tpu.vector_load %arg14[%swap3A_1606] {strides = array<i32>} : memref<2048xf32, #tpu.memory_space<vmem>>, vector<16xf32>,
        tpu.vector_store %arg14[%swap3A_1606], %add3A_1605 {strides = array<i32>} : memref<2048xf32, #tpu.memory_space<vmem>>, vector<16xf32>,
        %add3A_1608 = arith.constant 48 : i32
        %add3A_1609 = arith.addi %mul3A_1559, %add3A_1608 : i32
        %get3A_1610 = arith.index_cast %add3A_1609 : i32 to index
        %get3A_1611 = tpu.vector_load %arg14[%get3A_1610] {strides = array<i32>} : memref<2048xf32, #tpu.memory_space<vmem>>, vector<16xf32>,
        %mul3A_1612 = arith.constant 16 : i32
        %mul3A_1613 = arith.muli %scan3A_70, %mul3A_1612 : i32
        %add3A_1614 = arith.constant 11 : i32
        %add3A_1615 = arith.addi %mul3A_1613, %add3A_1614 : i32
        %get3A_1616 = arith.index_cast %add3A_1615 : i32 to index
        %get3A_1617 = arith.constant 48 : index
        %get3A_1618 = tpu.vector_load %arg8[%get3A_1616, %get3A_1617] {strides = array<i32>} : memref<256x128xf32, #tpu.memory_space<vmem>>, vector<16xf32>,
        %mul3A_1619 = vector.broadcast %squeeze3A_1555 : f32 to vector<16xf32>
        %mul3A_1620 = arith.mulf %mul3A_1619, %get3A_1618 : vector<16xf32>
        %add3A_1621 = arith.addf %get3A_1611, %mul3A_1620 : vector<16xf32>
        %swap3A_1622 = arith.index_cast %add3A_1609 : i32 to index
        %swap3A_1623 = tpu.vector_load %arg14[%swap3A_1622] {strides = array<i32>} : memref<2048xf32, #tpu.memory_space<vmem>>, vector<16xf32>,
        tpu.vector_store %arg14[%swap3A_1622], %add3A_1621 {strides = array<i32>} : memref<2048xf32, #tpu.memory_space<vmem>>, vector<16xf32>,
        %add3A_1624 = arith.constant 64 : i32
        %add3A_1625 = arith.addi %mul3A_1559, %add3A_1624 : i32
        %get3A_1626 = arith.index_cast %add3A_1625 : i32 to index
        %get3A_1627 = tpu.vector_load %arg14[%get3A_1626] {strides = array<i32>} : memref<2048xf32, #tpu.memory_space<vmem>>, vector<16xf32>,
        %mul3A_1628 = arith.constant 16 : i32
        %mul3A_1629 = arith.muli %scan3A_70, %mul3A_1628 : i32
        %add3A_1630 = arith.constant 11 : i32
        %add3A_1631 = arith.addi %mul3A_1629, %add3A_1630 : i32
        %get3A_1632 = arith.index_cast %add3A_1631 : i32 to index
        %get3A_1633 = arith.constant 64 : index
        %get3A_1634 = tpu.vector_load %arg8[%get3A_1632, %get3A_1633] {strides = array<i32>} : memref<256x128xf32, #tpu.memory_space<vmem>>, vector<16xf32>,
        %mul3A_1635 = vector.broadcast %squeeze3A_1555 : f32 to vector<16xf32>
        %mul3A_1636 = arith.mulf %mul3A_1635, %get3A_1634 : vector<16xf32>
        %add3A_1637 = arith.addf %get3A_1627, %mul3A_1636 : vector<16xf32>
        %swap3A_1638 = arith.index_cast %add3A_1625 : i32 to index
        %swap3A_1639 = tpu.vector_load %arg14[%swap3A_1638] {strides = array<i32>} : memref<2048xf32, #tpu.memory_space<vmem>>, vector<16xf32>,
        tpu.vector_store %arg14[%swap3A_1638], %add3A_1637 {strides = array<i32>} : memref<2048xf32, #tpu.memory_space<vmem>>, vector<16xf32>,
        %add3A_1640 = arith.constant 80 : i32
        %add3A_1641 = arith.addi %mul3A_1559, %add3A_1640 : i32
        %get3A_1642 = arith.index_cast %add3A_1641 : i32 to index
        %get3A_1643 = tpu.vector_load %arg14[%get3A_1642] {strides = array<i32>} : memref<2048xf32, #tpu.memory_space<vmem>>, vector<16xf32>,
        %mul3A_1644 = arith.constant 16 : i32
        %mul3A_1645 = arith.muli %scan3A_70, %mul3A_1644 : i32
        %add3A_1646 = arith.constant 11 : i32
        %add3A_1647 = arith.addi %mul3A_1645, %add3A_1646 : i32
        %get3A_1648 = arith.index_cast %add3A_1647 : i32 to index
        %get3A_1649 = arith.constant 80 : index
        %get3A_1650 = tpu.vector_load %arg8[%get3A_1648, %get3A_1649] {strides = array<i32>} : memref<256x128xf32, #tpu.memory_space<vmem>>, vector<16xf32>,
        %mul3A_1651 = vector.broadcast %squeeze3A_1555 : f32 to vector<16xf32>
        %mul3A_1652 = arith.mulf %mul3A_1651, %get3A_1650 : vector<16xf32>
        %add3A_1653 = arith.addf %get3A_1643, %mul3A_1652 : vector<16xf32>
        %swap3A_1654 = arith.index_cast %add3A_1641 : i32 to index
        %swap3A_1655 = tpu.vector_load %arg14[%swap3A_1654] {strides = array<i32>} : memref<2048xf32, #tpu.memory_space<vmem>>, vector<16xf32>,
        tpu.vector_store %arg14[%swap3A_1654], %add3A_1653 {strides = array<i32>} : memref<2048xf32, #tpu.memory_space<vmem>>, vector<16xf32>,
        %add3A_1656 = arith.constant 96 : i32
        %add3A_1657 = arith.addi %mul3A_1559, %add3A_1656 : i32
        %get3A_1658 = arith.index_cast %add3A_1657 : i32 to index
        %get3A_1659 = tpu.vector_load %arg14[%get3A_1658] {strides = array<i32>} : memref<2048xf32, #tpu.memory_space<vmem>>, vector<16xf32>,
        %mul3A_1660 = arith.constant 16 : i32
        %mul3A_1661 = arith.muli %scan3A_70, %mul3A_1660 : i32
        %add3A_1662 = arith.constant 11 : i32
        %add3A_1663 = arith.addi %mul3A_1661, %add3A_1662 : i32
        %get3A_1664 = arith.index_cast %add3A_1663 : i32 to index
        %get3A_1665 = arith.constant 96 : index
        %get3A_1666 = tpu.vector_load %arg8[%get3A_1664, %get3A_1665] {strides = array<i32>} : memref<256x128xf32, #tpu.memory_space<vmem>>, vector<16xf32>,
        %mul3A_1667 = vector.broadcast %squeeze3A_1555 : f32 to vector<16xf32>
        %mul3A_1668 = arith.mulf %mul3A_1667, %get3A_1666 : vector<16xf32>
        %add3A_1669 = arith.addf %get3A_1659, %mul3A_1668 : vector<16xf32>
        %swap3A_1670 = arith.index_cast %add3A_1657 : i32 to index
        %swap3A_1671 = tpu.vector_load %arg14[%swap3A_1670] {strides = array<i32>} : memref<2048xf32, #tpu.memory_space<vmem>>, vector<16xf32>,
        tpu.vector_store %arg14[%swap3A_1670], %add3A_1669 {strides = array<i32>} : memref<2048xf32, #tpu.memory_space<vmem>>, vector<16xf32>,
        %add3A_1672 = arith.constant 112 : i32
        %add3A_1673 = arith.addi %mul3A_1559, %add3A_1672 : i32
        %get3A_1674 = arith.index_cast %add3A_1673 : i32 to index
        %get3A_1675 = tpu.vector_load %arg14[%get3A_1674] {strides = array<i32>} : memref<2048xf32, #tpu.memory_space<vmem>>, vector<16xf32>,
        %mul3A_1676 = arith.constant 16 : i32
        %mul3A_1677 = arith.muli %scan3A_70, %mul3A_1676 : i32
        %add3A_1678 = arith.constant 11 : i32
        %add3A_1679 = arith.addi %mul3A_1677, %add3A_1678 : i32
        %get3A_1680 = arith.index_cast %add3A_1679 : i32 to index
        %get3A_1681 = arith.constant 112 : index
        %get3A_1682 = tpu.vector_load %arg8[%get3A_1680, %get3A_1681] {strides = array<i32>} : memref<256x128xf32, #tpu.memory_space<vmem>>, vector<16xf32>,
        %mul3A_1683 = vector.broadcast %squeeze3A_1555 : f32 to vector<16xf32>
        %mul3A_1684 = arith.mulf %mul3A_1683, %get3A_1682 : vector<16xf32>
        %add3A_1685 = arith.addf %get3A_1675, %mul3A_1684 : vector<16xf32>
        %swap3A_1686 = arith.index_cast %add3A_1673 : i32 to index
        %swap3A_1687 = tpu.vector_load %arg14[%swap3A_1686] {strides = array<i32>} : memref<2048xf32, #tpu.memory_space<vmem>>, vector<16xf32>,
        tpu.vector_store %arg14[%swap3A_1686], %add3A_1685 {strides = array<i32>} : memref<2048xf32, #tpu.memory_space<vmem>>, vector<16xf32>,
        %slice3A_1688 = vector.extract_strided_slice %get3A_75 {offsets = [12], sizes = [1], strides = [1]} : vector<16xf32> to vector<1xf32>
        %squeeze3A_1689 = vector.extract %slice3A_1688[0] : f32 from vector<1xf32>
        %slice3A_1690 = vector.extract_strided_slice %get3A_79 {offsets = [12], sizes = [1], strides = [1]} : vector<16xi32> to vector<1xi32>
        %squeeze3A_1691 = vector.extract %slice3A_1690[0] : i32 from vector<1xi32>
        %mul3A_1692 = arith.constant 128 : i32
        %mul3A_1693 = arith.muli %squeeze3A_1691, %mul3A_1692 : i32
        %add3A_1694 = arith.constant 0 : i32
        %add3A_1695 = arith.addi %mul3A_1693, %add3A_1694 : i32
        %get3A_1696 = arith.index_cast %add3A_1695 : i32 to index
        %get3A_1697 = tpu.vector_load %arg14[%get3A_1696] {strides = array<i32>} : memref<2048xf32, #tpu.memory_space<vmem>>, vector<16xf32>,
        %mul3A_1698 = arith.constant 16 : i32
        %mul3A_1699 = arith.muli %scan3A_70, %mul3A_1698 : i32
        %add3A_1700 = arith.constant 12 : i32
        %add3A_1701 = arith.addi %mul3A_1699, %add3A_1700 : i32
        %get3A_1702 = arith.index_cast %add3A_1701 : i32 to index
        %get3A_1703 = arith.constant 0 : index
        %get3A_1704 = tpu.vector_load %arg8[%get3A_1702, %get3A_1703] {strides = array<i32>} : memref<256x128xf32, #tpu.memory_space<vmem>>, vector<16xf32>,
        %mul3A_1705 = vector.broadcast %squeeze3A_1689 : f32 to vector<16xf32>
        %mul3A_1706 = arith.mulf %mul3A_1705, %get3A_1704 : vector<16xf32>
        %add3A_1707 = arith.addf %get3A_1697, %mul3A_1706 : vector<16xf32>
        %swap3A_1708 = arith.index_cast %add3A_1695 : i32 to index
        %swap3A_1709 = tpu.vector_load %arg14[%swap3A_1708] {strides = array<i32>} : memref<2048xf32, #tpu.memory_space<vmem>>, vector<16xf32>,
        tpu.vector_store %arg14[%swap3A_1708], %add3A_1707 {strides = array<i32>} : memref<2048xf32, #tpu.memory_space<vmem>>, vector<16xf32>,
        %add3A_1710 = arith.constant 16 : i32
        %add3A_1711 = arith.addi %mul3A_1693, %add3A_1710 : i32
        %get3A_1712 = arith.index_cast %add3A_1711 : i32 to index
        %get3A_1713 = tpu.vector_load %arg14[%get3A_1712] {strides = array<i32>} : memref<2048xf32, #tpu.memory_space<vmem>>, vector<16xf32>,
        %mul3A_1714 = arith.constant 16 : i32
        %mul3A_1715 = arith.muli %scan3A_70, %mul3A_1714 : i32
        %add3A_1716 = arith.constant 12 : i32
        %add3A_1717 = arith.addi %mul3A_1715, %add3A_1716 : i32
        %get3A_1718 = arith.index_cast %add3A_1717 : i32 to index
        %get3A_1719 = arith.constant 16 : index
        %get3A_1720 = tpu.vector_load %arg8[%get3A_1718, %get3A_1719] {strides = array<i32>} : memref<256x128xf32, #tpu.memory_space<vmem>>, vector<16xf32>,
        %mul3A_1721 = vector.broadcast %squeeze3A_1689 : f32 to vector<16xf32>
        %mul3A_1722 = arith.mulf %mul3A_1721, %get3A_1720 : vector<16xf32>
        %add3A_1723 = arith.addf %get3A_1713, %mul3A_1722 : vector<16xf32>
        %swap3A_1724 = arith.index_cast %add3A_1711 : i32 to index
        %swap3A_1725 = tpu.vector_load %arg14[%swap3A_1724] {strides = array<i32>} : memref<2048xf32, #tpu.memory_space<vmem>>, vector<16xf32>,
        tpu.vector_store %arg14[%swap3A_1724], %add3A_1723 {strides = array<i32>} : memref<2048xf32, #tpu.memory_space<vmem>>, vector<16xf32>,
        %add3A_1726 = arith.constant 32 : i32
        %add3A_1727 = arith.addi %mul3A_1693, %add3A_1726 : i32
        %get3A_1728 = arith.index_cast %add3A_1727 : i32 to index
        %get3A_1729 = tpu.vector_load %arg14[%get3A_1728] {strides = array<i32>} : memref<2048xf32, #tpu.memory_space<vmem>>, vector<16xf32>,
        %mul3A_1730 = arith.constant 16 : i32
        %mul3A_1731 = arith.muli %scan3A_70, %mul3A_1730 : i32
        %add3A_1732 = arith.constant 12 : i32
        %add3A_1733 = arith.addi %mul3A_1731, %add3A_1732 : i32
        %get3A_1734 = arith.index_cast %add3A_1733 : i32 to index
        %get3A_1735 = arith.constant 32 : index
        %get3A_1736 = tpu.vector_load %arg8[%get3A_1734, %get3A_1735] {strides = array<i32>} : memref<256x128xf32, #tpu.memory_space<vmem>>, vector<16xf32>,
        %mul3A_1737 = vector.broadcast %squeeze3A_1689 : f32 to vector<16xf32>
        %mul3A_1738 = arith.mulf %mul3A_1737, %get3A_1736 : vector<16xf32>
        %add3A_1739 = arith.addf %get3A_1729, %mul3A_1738 : vector<16xf32>
        %swap3A_1740 = arith.index_cast %add3A_1727 : i32 to index
        %swap3A_1741 = tpu.vector_load %arg14[%swap3A_1740] {strides = array<i32>} : memref<2048xf32, #tpu.memory_space<vmem>>, vector<16xf32>,
        tpu.vector_store %arg14[%swap3A_1740], %add3A_1739 {strides = array<i32>} : memref<2048xf32, #tpu.memory_space<vmem>>, vector<16xf32>,
        %add3A_1742 = arith.constant 48 : i32
        %add3A_1743 = arith.addi %mul3A_1693, %add3A_1742 : i32
        %get3A_1744 = arith.index_cast %add3A_1743 : i32 to index
        %get3A_1745 = tpu.vector_load %arg14[%get3A_1744] {strides = array<i32>} : memref<2048xf32, #tpu.memory_space<vmem>>, vector<16xf32>,
        %mul3A_1746 = arith.constant 16 : i32
        %mul3A_1747 = arith.muli %scan3A_70, %mul3A_1746 : i32
        %add3A_1748 = arith.constant 12 : i32
        %add3A_1749 = arith.addi %mul3A_1747, %add3A_1748 : i32
        %get3A_1750 = arith.index_cast %add3A_1749 : i32 to index
        %get3A_1751 = arith.constant 48 : index
        %get3A_1752 = tpu.vector_load %arg8[%get3A_1750, %get3A_1751] {strides = array<i32>} : memref<256x128xf32, #tpu.memory_space<vmem>>, vector<16xf32>,
        %mul3A_1753 = vector.broadcast %squeeze3A_1689 : f32 to vector<16xf32>
        %mul3A_1754 = arith.mulf %mul3A_1753, %get3A_1752 : vector<16xf32>
        %add3A_1755 = arith.addf %get3A_1745, %mul3A_1754 : vector<16xf32>
        %swap3A_1756 = arith.index_cast %add3A_1743 : i32 to index
        %swap3A_1757 = tpu.vector_load %arg14[%swap3A_1756] {strides = array<i32>} : memref<2048xf32, #tpu.memory_space<vmem>>, vector<16xf32>,
        tpu.vector_store %arg14[%swap3A_1756], %add3A_1755 {strides = array<i32>} : memref<2048xf32, #tpu.memory_space<vmem>>, vector<16xf32>,
        %add3A_1758 = arith.constant 64 : i32
        %add3A_1759 = arith.addi %mul3A_1693, %add3A_1758 : i32
        %get3A_1760 = arith.index_cast %add3A_1759 : i32 to index
        %get3A_1761 = tpu.vector_load %arg14[%get3A_1760] {strides = array<i32>} : memref<2048xf32, #tpu.memory_space<vmem>>, vector<16xf32>,
        %mul3A_1762 = arith.constant 16 : i32
        %mul3A_1763 = arith.muli %scan3A_70, %mul3A_1762 : i32
        %add3A_1764 = arith.constant 12 : i32
        %add3A_1765 = arith.addi %mul3A_1763, %add3A_1764 : i32
        %get3A_1766 = arith.index_cast %add3A_1765 : i32 to index
        %get3A_1767 = arith.constant 64 : index
        %get3A_1768 = tpu.vector_load %arg8[%get3A_1766, %get3A_1767] {strides = array<i32>} : memref<256x128xf32, #tpu.memory_space<vmem>>, vector<16xf32>,
        %mul3A_1769 = vector.broadcast %squeeze3A_1689 : f32 to vector<16xf32>
        %mul3A_1770 = arith.mulf %mul3A_1769, %get3A_1768 : vector<16xf32>
        %add3A_1771 = arith.addf %get3A_1761, %mul3A_1770 : vector<16xf32>
        %swap3A_1772 = arith.index_cast %add3A_1759 : i32 to index
        %swap3A_1773 = tpu.vector_load %arg14[%swap3A_1772] {strides = array<i32>} : memref<2048xf32, #tpu.memory_space<vmem>>, vector<16xf32>,
        tpu.vector_store %arg14[%swap3A_1772], %add3A_1771 {strides = array<i32>} : memref<2048xf32, #tpu.memory_space<vmem>>, vector<16xf32>,
        %add3A_1774 = arith.constant 80 : i32
        %add3A_1775 = arith.addi %mul3A_1693, %add3A_1774 : i32
        %get3A_1776 = arith.index_cast %add3A_1775 : i32 to index
        %get3A_1777 = tpu.vector_load %arg14[%get3A_1776] {strides = array<i32>} : memref<2048xf32, #tpu.memory_space<vmem>>, vector<16xf32>,
        %mul3A_1778 = arith.constant 16 : i32
        %mul3A_1779 = arith.muli %scan3A_70, %mul3A_1778 : i32
        %add3A_1780 = arith.constant 12 : i32
        %add3A_1781 = arith.addi %mul3A_1779, %add3A_1780 : i32
        %get3A_1782 = arith.index_cast %add3A_1781 : i32 to index
        %get3A_1783 = arith.constant 80 : index
        %get3A_1784 = tpu.vector_load %arg8[%get3A_1782, %get3A_1783] {strides = array<i32>} : memref<256x128xf32, #tpu.memory_space<vmem>>, vector<16xf32>,
        %mul3A_1785 = vector.broadcast %squeeze3A_1689 : f32 to vector<16xf32>
        %mul3A_1786 = arith.mulf %mul3A_1785, %get3A_1784 : vector<16xf32>
        %add3A_1787 = arith.addf %get3A_1777, %mul3A_1786 : vector<16xf32>
        %swap3A_1788 = arith.index_cast %add3A_1775 : i32 to index
        %swap3A_1789 = tpu.vector_load %arg14[%swap3A_1788] {strides = array<i32>} : memref<2048xf32, #tpu.memory_space<vmem>>, vector<16xf32>,
        tpu.vector_store %arg14[%swap3A_1788], %add3A_1787 {strides = array<i32>} : memref<2048xf32, #tpu.memory_space<vmem>>, vector<16xf32>,
        %add3A_1790 = arith.constant 96 : i32
        %add3A_1791 = arith.addi %mul3A_1693, %add3A_1790 : i32
        %get3A_1792 = arith.index_cast %add3A_1791 : i32 to index
        %get3A_1793 = tpu.vector_load %arg14[%get3A_1792] {strides = array<i32>} : memref<2048xf32, #tpu.memory_space<vmem>>, vector<16xf32>,
        %mul3A_1794 = arith.constant 16 : i32
        %mul3A_1795 = arith.muli %scan3A_70, %mul3A_1794 : i32
        %add3A_1796 = arith.constant 12 : i32
        %add3A_1797 = arith.addi %mul3A_1795, %add3A_1796 : i32
        %get3A_1798 = arith.index_cast %add3A_1797 : i32 to index
        %get3A_1799 = arith.constant 96 : index
        %get3A_1800 = tpu.vector_load %arg8[%get3A_1798, %get3A_1799] {strides = array<i32>} : memref<256x128xf32, #tpu.memory_space<vmem>>, vector<16xf32>,
        %mul3A_1801 = vector.broadcast %squeeze3A_1689 : f32 to vector<16xf32>
        %mul3A_1802 = arith.mulf %mul3A_1801, %get3A_1800 : vector<16xf32>
        %add3A_1803 = arith.addf %get3A_1793, %mul3A_1802 : vector<16xf32>
        %swap3A_1804 = arith.index_cast %add3A_1791 : i32 to index
        %swap3A_1805 = tpu.vector_load %arg14[%swap3A_1804] {strides = array<i32>} : memref<2048xf32, #tpu.memory_space<vmem>>, vector<16xf32>,
        tpu.vector_store %arg14[%swap3A_1804], %add3A_1803 {strides = array<i32>} : memref<2048xf32, #tpu.memory_space<vmem>>, vector<16xf32>,
        %add3A_1806 = arith.constant 112 : i32
        %add3A_1807 = arith.addi %mul3A_1693, %add3A_1806 : i32
        %get3A_1808 = arith.index_cast %add3A_1807 : i32 to index
        %get3A_1809 = tpu.vector_load %arg14[%get3A_1808] {strides = array<i32>} : memref<2048xf32, #tpu.memory_space<vmem>>, vector<16xf32>,
        %mul3A_1810 = arith.constant 16 : i32
        %mul3A_1811 = arith.muli %scan3A_70, %mul3A_1810 : i32
        %add3A_1812 = arith.constant 12 : i32
        %add3A_1813 = arith.addi %mul3A_1811, %add3A_1812 : i32
        %get3A_1814 = arith.index_cast %add3A_1813 : i32 to index
        %get3A_1815 = arith.constant 112 : index
        %get3A_1816 = tpu.vector_load %arg8[%get3A_1814, %get3A_1815] {strides = array<i32>} : memref<256x128xf32, #tpu.memory_space<vmem>>, vector<16xf32>,
        %mul3A_1817 = vector.broadcast %squeeze3A_1689 : f32 to vector<16xf32>
        %mul3A_1818 = arith.mulf %mul3A_1817, %get3A_1816 : vector<16xf32>
        %add3A_1819 = arith.addf %get3A_1809, %mul3A_1818 : vector<16xf32>
        %swap3A_1820 = arith.index_cast %add3A_1807 : i32 to index
        %swap3A_1821 = tpu.vector_load %arg14[%swap3A_1820] {strides = array<i32>} : memref<2048xf32, #tpu.memory_space<vmem>>, vector<16xf32>,
        tpu.vector_store %arg14[%swap3A_1820], %add3A_1819 {strides = array<i32>} : memref<2048xf32, #tpu.memory_space<vmem>>, vector<16xf32>,
        %slice3A_1822 = vector.extract_strided_slice %get3A_75 {offsets = [13], sizes = [1], strides = [1]} : vector<16xf32> to vector<1xf32>
        %squeeze3A_1823 = vector.extract %slice3A_1822[0] : f32 from vector<1xf32>
        %slice3A_1824 = vector.extract_strided_slice %get3A_79 {offsets = [13], sizes = [1], strides = [1]} : vector<16xi32> to vector<1xi32>
        %squeeze3A_1825 = vector.extract %slice3A_1824[0] : i32 from vector<1xi32>
        %mul3A_1826 = arith.constant 128 : i32
        %mul3A_1827 = arith.muli %squeeze3A_1825, %mul3A_1826 : i32
        %add3A_1828 = arith.constant 0 : i32
        %add3A_1829 = arith.addi %mul3A_1827, %add3A_1828 : i32
        %get3A_1830 = arith.index_cast %add3A_1829 : i32 to index
        %get3A_1831 = tpu.vector_load %arg14[%get3A_1830] {strides = array<i32>} : memref<2048xf32, #tpu.memory_space<vmem>>, vector<16xf32>,
        %mul3A_1832 = arith.constant 16 : i32
        %mul3A_1833 = arith.muli %scan3A_70, %mul3A_1832 : i32
        %add3A_1834 = arith.constant 13 : i32
        %add3A_1835 = arith.addi %mul3A_1833, %add3A_1834 : i32
        %get3A_1836 = arith.index_cast %add3A_1835 : i32 to index
        %get3A_1837 = arith.constant 0 : index
        %get3A_1838 = tpu.vector_load %arg8[%get3A_1836, %get3A_1837] {strides = array<i32>} : memref<256x128xf32, #tpu.memory_space<vmem>>, vector<16xf32>,
        %mul3A_1839 = vector.broadcast %squeeze3A_1823 : f32 to vector<16xf32>
        %mul3A_1840 = arith.mulf %mul3A_1839, %get3A_1838 : vector<16xf32>
        %add3A_1841 = arith.addf %get3A_1831, %mul3A_1840 : vector<16xf32>
        %swap3A_1842 = arith.index_cast %add3A_1829 : i32 to index
        %swap3A_1843 = tpu.vector_load %arg14[%swap3A_1842] {strides = array<i32>} : memref<2048xf32, #tpu.memory_space<vmem>>, vector<16xf32>,
        tpu.vector_store %arg14[%swap3A_1842], %add3A_1841 {strides = array<i32>} : memref<2048xf32, #tpu.memory_space<vmem>>, vector<16xf32>,
        %add3A_1844 = arith.constant 16 : i32
        %add3A_1845 = arith.addi %mul3A_1827, %add3A_1844 : i32
        %get3A_1846 = arith.index_cast %add3A_1845 : i32 to index
        %get3A_1847 = tpu.vector_load %arg14[%get3A_1846] {strides = array<i32>} : memref<2048xf32, #tpu.memory_space<vmem>>, vector<16xf32>,
        %mul3A_1848 = arith.constant 16 : i32
        %mul3A_1849 = arith.muli %scan3A_70, %mul3A_1848 : i32
        %add3A_1850 = arith.constant 13 : i32
        %add3A_1851 = arith.addi %mul3A_1849, %add3A_1850 : i32
        %get3A_1852 = arith.index_cast %add3A_1851 : i32 to index
        %get3A_1853 = arith.constant 16 : index
        %get3A_1854 = tpu.vector_load %arg8[%get3A_1852, %get3A_1853] {strides = array<i32>} : memref<256x128xf32, #tpu.memory_space<vmem>>, vector<16xf32>,
        %mul3A_1855 = vector.broadcast %squeeze3A_1823 : f32 to vector<16xf32>
        %mul3A_1856 = arith.mulf %mul3A_1855, %get3A_1854 : vector<16xf32>
        %add3A_1857 = arith.addf %get3A_1847, %mul3A_1856 : vector<16xf32>
        %swap3A_1858 = arith.index_cast %add3A_1845 : i32 to index
        %swap3A_1859 = tpu.vector_load %arg14[%swap3A_1858] {strides = array<i32>} : memref<2048xf32, #tpu.memory_space<vmem>>, vector<16xf32>,
        tpu.vector_store %arg14[%swap3A_1858], %add3A_1857 {strides = array<i32>} : memref<2048xf32, #tpu.memory_space<vmem>>, vector<16xf32>,
        %add3A_1860 = arith.constant 32 : i32
        %add3A_1861 = arith.addi %mul3A_1827, %add3A_1860 : i32
        %get3A_1862 = arith.index_cast %add3A_1861 : i32 to index
        %get3A_1863 = tpu.vector_load %arg14[%get3A_1862] {strides = array<i32>} : memref<2048xf32, #tpu.memory_space<vmem>>, vector<16xf32>,
        %mul3A_1864 = arith.constant 16 : i32
        %mul3A_1865 = arith.muli %scan3A_70, %mul3A_1864 : i32
        %add3A_1866 = arith.constant 13 : i32
        %add3A_1867 = arith.addi %mul3A_1865, %add3A_1866 : i32
        %get3A_1868 = arith.index_cast %add3A_1867 : i32 to index
        %get3A_1869 = arith.constant 32 : index
        %get3A_1870 = tpu.vector_load %arg8[%get3A_1868, %get3A_1869] {strides = array<i32>} : memref<256x128xf32, #tpu.memory_space<vmem>>, vector<16xf32>,
        %mul3A_1871 = vector.broadcast %squeeze3A_1823 : f32 to vector<16xf32>
        %mul3A_1872 = arith.mulf %mul3A_1871, %get3A_1870 : vector<16xf32>
        %add3A_1873 = arith.addf %get3A_1863, %mul3A_1872 : vector<16xf32>
        %swap3A_1874 = arith.index_cast %add3A_1861 : i32 to index
        %swap3A_1875 = tpu.vector_load %arg14[%swap3A_1874] {strides = array<i32>} : memref<2048xf32, #tpu.memory_space<vmem>>, vector<16xf32>,
        tpu.vector_store %arg14[%swap3A_1874], %add3A_1873 {strides = array<i32>} : memref<2048xf32, #tpu.memory_space<vmem>>, vector<16xf32>,
        %add3A_1876 = arith.constant 48 : i32
        %add3A_1877 = arith.addi %mul3A_1827, %add3A_1876 : i32
        %get3A_1878 = arith.index_cast %add3A_1877 : i32 to index
        %get3A_1879 = tpu.vector_load %arg14[%get3A_1878] {strides = array<i32>} : memref<2048xf32, #tpu.memory_space<vmem>>, vector<16xf32>,
        %mul3A_1880 = arith.constant 16 : i32
        %mul3A_1881 = arith.muli %scan3A_70, %mul3A_1880 : i32
        %add3A_1882 = arith.constant 13 : i32
        %add3A_1883 = arith.addi %mul3A_1881, %add3A_1882 : i32
        %get3A_1884 = arith.index_cast %add3A_1883 : i32 to index
        %get3A_1885 = arith.constant 48 : index
        %get3A_1886 = tpu.vector_load %arg8[%get3A_1884, %get3A_1885] {strides = array<i32>} : memref<256x128xf32, #tpu.memory_space<vmem>>, vector<16xf32>,
        %mul3A_1887 = vector.broadcast %squeeze3A_1823 : f32 to vector<16xf32>
        %mul3A_1888 = arith.mulf %mul3A_1887, %get3A_1886 : vector<16xf32>
        %add3A_1889 = arith.addf %get3A_1879, %mul3A_1888 : vector<16xf32>
        %swap3A_1890 = arith.index_cast %add3A_1877 : i32 to index
        %swap3A_1891 = tpu.vector_load %arg14[%swap3A_1890] {strides = array<i32>} : memref<2048xf32, #tpu.memory_space<vmem>>, vector<16xf32>,
        tpu.vector_store %arg14[%swap3A_1890], %add3A_1889 {strides = array<i32>} : memref<2048xf32, #tpu.memory_space<vmem>>, vector<16xf32>,
        %add3A_1892 = arith.constant 64 : i32
        %add3A_1893 = arith.addi %mul3A_1827, %add3A_1892 : i32
        %get3A_1894 = arith.index_cast %add3A_1893 : i32 to index
        %get3A_1895 = tpu.vector_load %arg14[%get3A_1894] {strides = array<i32>} : memref<2048xf32, #tpu.memory_space<vmem>>, vector<16xf32>,
        %mul3A_1896 = arith.constant 16 : i32
        %mul3A_1897 = arith.muli %scan3A_70, %mul3A_1896 : i32
        %add3A_1898 = arith.constant 13 : i32
        %add3A_1899 = arith.addi %mul3A_1897, %add3A_1898 : i32
        %get3A_1900 = arith.index_cast %add3A_1899 : i32 to index
        %get3A_1901 = arith.constant 64 : index
        %get3A_1902 = tpu.vector_load %arg8[%get3A_1900, %get3A_1901] {strides = array<i32>} : memref<256x128xf32, #tpu.memory_space<vmem>>, vector<16xf32>,
        %mul3A_1903 = vector.broadcast %squeeze3A_1823 : f32 to vector<16xf32>
        %mul3A_1904 = arith.mulf %mul3A_1903, %get3A_1902 : vector<16xf32>
        %add3A_1905 = arith.addf %get3A_1895, %mul3A_1904 : vector<16xf32>
        %swap3A_1906 = arith.index_cast %add3A_1893 : i32 to index
        %swap3A_1907 = tpu.vector_load %arg14[%swap3A_1906] {strides = array<i32>} : memref<2048xf32, #tpu.memory_space<vmem>>, vector<16xf32>,
        tpu.vector_store %arg14[%swap3A_1906], %add3A_1905 {strides = array<i32>} : memref<2048xf32, #tpu.memory_space<vmem>>, vector<16xf32>,
        %add3A_1908 = arith.constant 80 : i32
        %add3A_1909 = arith.addi %mul3A_1827, %add3A_1908 : i32
        %get3A_1910 = arith.index_cast %add3A_1909 : i32 to index
        %get3A_1911 = tpu.vector_load %arg14[%get3A_1910] {strides = array<i32>} : memref<2048xf32, #tpu.memory_space<vmem>>, vector<16xf32>,
        %mul3A_1912 = arith.constant 16 : i32
        %mul3A_1913 = arith.muli %scan3A_70, %mul3A_1912 : i32
        %add3A_1914 = arith.constant 13 : i32
        %add3A_1915 = arith.addi %mul3A_1913, %add3A_1914 : i32
        %get3A_1916 = arith.index_cast %add3A_1915 : i32 to index
        %get3A_1917 = arith.constant 80 : index
        %get3A_1918 = tpu.vector_load %arg8[%get3A_1916, %get3A_1917] {strides = array<i32>} : memref<256x128xf32, #tpu.memory_space<vmem>>, vector<16xf32>,
        %mul3A_1919 = vector.broadcast %squeeze3A_1823 : f32 to vector<16xf32>
        %mul3A_1920 = arith.mulf %mul3A_1919, %get3A_1918 : vector<16xf32>
        %add3A_1921 = arith.addf %get3A_1911, %mul3A_1920 : vector<16xf32>
        %swap3A_1922 = arith.index_cast %add3A_1909 : i32 to index
        %swap3A_1923 = tpu.vector_load %arg14[%swap3A_1922] {strides = array<i32>} : memref<2048xf32, #tpu.memory_space<vmem>>, vector<16xf32>,
        tpu.vector_store %arg14[%swap3A_1922], %add3A_1921 {strides = array<i32>} : memref<2048xf32, #tpu.memory_space<vmem>>, vector<16xf32>,
        %add3A_1924 = arith.constant 96 : i32
        %add3A_1925 = arith.addi %mul3A_1827, %add3A_1924 : i32
        %get3A_1926 = arith.index_cast %add3A_1925 : i32 to index
        %get3A_1927 = tpu.vector_load %arg14[%get3A_1926] {strides = array<i32>} : memref<2048xf32, #tpu.memory_space<vmem>>, vector<16xf32>,
        %mul3A_1928 = arith.constant 16 : i32
        %mul3A_1929 = arith.muli %scan3A_70, %mul3A_1928 : i32
        %add3A_1930 = arith.constant 13 : i32
        %add3A_1931 = arith.addi %mul3A_1929, %add3A_1930 : i32
        %get3A_1932 = arith.index_cast %add3A_1931 : i32 to index
        %get3A_1933 = arith.constant 96 : index
        %get3A_1934 = tpu.vector_load %arg8[%get3A_1932, %get3A_1933] {strides = array<i32>} : memref<256x128xf32, #tpu.memory_space<vmem>>, vector<16xf32>,
        %mul3A_1935 = vector.broadcast %squeeze3A_1823 : f32 to vector<16xf32>
        %mul3A_1936 = arith.mulf %mul3A_1935, %get3A_1934 : vector<16xf32>
        %add3A_1937 = arith.addf %get3A_1927, %mul3A_1936 : vector<16xf32>
        %swap3A_1938 = arith.index_cast %add3A_1925 : i32 to index
        %swap3A_1939 = tpu.vector_load %arg14[%swap3A_1938] {strides = array<i32>} : memref<2048xf32, #tpu.memory_space<vmem>>, vector<16xf32>,
        tpu.vector_store %arg14[%swap3A_1938], %add3A_1937 {strides = array<i32>} : memref<2048xf32, #tpu.memory_space<vmem>>, vector<16xf32>,
        %add3A_1940 = arith.constant 112 : i32
        %add3A_1941 = arith.addi %mul3A_1827, %add3A_1940 : i32
        %get3A_1942 = arith.index_cast %add3A_1941 : i32 to index
        %get3A_1943 = tpu.vector_load %arg14[%get3A_1942] {strides = array<i32>} : memref<2048xf32, #tpu.memory_space<vmem>>, vector<16xf32>,
        %mul3A_1944 = arith.constant 16 : i32
        %mul3A_1945 = arith.muli %scan3A_70, %mul3A_1944 : i32
        %add3A_1946 = arith.constant 13 : i32
        %add3A_1947 = arith.addi %mul3A_1945, %add3A_1946 : i32
        %get3A_1948 = arith.index_cast %add3A_1947 : i32 to index
        %get3A_1949 = arith.constant 112 : index
        %get3A_1950 = tpu.vector_load %arg8[%get3A_1948, %get3A_1949] {strides = array<i32>} : memref<256x128xf32, #tpu.memory_space<vmem>>, vector<16xf32>,
        %mul3A_1951 = vector.broadcast %squeeze3A_1823 : f32 to vector<16xf32>
        %mul3A_1952 = arith.mulf %mul3A_1951, %get3A_1950 : vector<16xf32>
        %add3A_1953 = arith.addf %get3A_1943, %mul3A_1952 : vector<16xf32>
        %swap3A_1954 = arith.index_cast %add3A_1941 : i32 to index
        %swap3A_1955 = tpu.vector_load %arg14[%swap3A_1954] {strides = array<i32>} : memref<2048xf32, #tpu.memory_space<vmem>>, vector<16xf32>,
        tpu.vector_store %arg14[%swap3A_1954], %add3A_1953 {strides = array<i32>} : memref<2048xf32, #tpu.memory_space<vmem>>, vector<16xf32>,
        %slice3A_1956 = vector.extract_strided_slice %get3A_75 {offsets = [14], sizes = [1], strides = [1]} : vector<16xf32> to vector<1xf32>
        %squeeze3A_1957 = vector.extract %slice3A_1956[0] : f32 from vector<1xf32>
        %slice3A_1958 = vector.extract_strided_slice %get3A_79 {offsets = [14], sizes = [1], strides = [1]} : vector<16xi32> to vector<1xi32>
        %squeeze3A_1959 = vector.extract %slice3A_1958[0] : i32 from vector<1xi32>
        %mul3A_1960 = arith.constant 128 : i32
        %mul3A_1961 = arith.muli %squeeze3A_1959, %mul3A_1960 : i32
        %add3A_1962 = arith.constant 0 : i32
        %add3A_1963 = arith.addi %mul3A_1961, %add3A_1962 : i32
        %get3A_1964 = arith.index_cast %add3A_1963 : i32 to index
        %get3A_1965 = tpu.vector_load %arg14[%get3A_1964] {strides = array<i32>} : memref<2048xf32, #tpu.memory_space<vmem>>, vector<16xf32>,
        %mul3A_1966 = arith.constant 16 : i32
        %mul3A_1967 = arith.muli %scan3A_70, %mul3A_1966 : i32
        %add3A_1968 = arith.constant 14 : i32
        %add3A_1969 = arith.addi %mul3A_1967, %add3A_1968 : i32
        %get3A_1970 = arith.index_cast %add3A_1969 : i32 to index
        %get3A_1971 = arith.constant 0 : index
        %get3A_1972 = tpu.vector_load %arg8[%get3A_1970, %get3A_1971] {strides = array<i32>} : memref<256x128xf32, #tpu.memory_space<vmem>>, vector<16xf32>,
        %mul3A_1973 = vector.broadcast %squeeze3A_1957 : f32 to vector<16xf32>
        %mul3A_1974 = arith.mulf %mul3A_1973, %get3A_1972 : vector<16xf32>
        %add3A_1975 = arith.addf %get3A_1965, %mul3A_1974 : vector<16xf32>
        %swap3A_1976 = arith.index_cast %add3A_1963 : i32 to index
        %swap3A_1977 = tpu.vector_load %arg14[%swap3A_1976] {strides = array<i32>} : memref<2048xf32, #tpu.memory_space<vmem>>, vector<16xf32>,
        tpu.vector_store %arg14[%swap3A_1976], %add3A_1975 {strides = array<i32>} : memref<2048xf32, #tpu.memory_space<vmem>>, vector<16xf32>,
        %add3A_1978 = arith.constant 16 : i32
        %add3A_1979 = arith.addi %mul3A_1961, %add3A_1978 : i32
        %get3A_1980 = arith.index_cast %add3A_1979 : i32 to index
        %get3A_1981 = tpu.vector_load %arg14[%get3A_1980] {strides = array<i32>} : memref<2048xf32, #tpu.memory_space<vmem>>, vector<16xf32>,
        %mul3A_1982 = arith.constant 16 : i32
        %mul3A_1983 = arith.muli %scan3A_70, %mul3A_1982 : i32
        %add3A_1984 = arith.constant 14 : i32
        %add3A_1985 = arith.addi %mul3A_1983, %add3A_1984 : i32
        %get3A_1986 = arith.index_cast %add3A_1985 : i32 to index
        %get3A_1987 = arith.constant 16 : index
        %get3A_1988 = tpu.vector_load %arg8[%get3A_1986, %get3A_1987] {strides = array<i32>} : memref<256x128xf32, #tpu.memory_space<vmem>>, vector<16xf32>,
        %mul3A_1989 = vector.broadcast %squeeze3A_1957 : f32 to vector<16xf32>
        %mul3A_1990 = arith.mulf %mul3A_1989, %get3A_1988 : vector<16xf32>
        %add3A_1991 = arith.addf %get3A_1981, %mul3A_1990 : vector<16xf32>
        %swap3A_1992 = arith.index_cast %add3A_1979 : i32 to index
        %swap3A_1993 = tpu.vector_load %arg14[%swap3A_1992] {strides = array<i32>} : memref<2048xf32, #tpu.memory_space<vmem>>, vector<16xf32>,
        tpu.vector_store %arg14[%swap3A_1992], %add3A_1991 {strides = array<i32>} : memref<2048xf32, #tpu.memory_space<vmem>>, vector<16xf32>,
        %add3A_1994 = arith.constant 32 : i32
        %add3A_1995 = arith.addi %mul3A_1961, %add3A_1994 : i32
        %get3A_1996 = arith.index_cast %add3A_1995 : i32 to index
        %get3A_1997 = tpu.vector_load %arg14[%get3A_1996] {strides = array<i32>} : memref<2048xf32, #tpu.memory_space<vmem>>, vector<16xf32>,
        %mul3A_1998 = arith.constant 16 : i32
        %mul3A_1999 = arith.muli %scan3A_70, %mul3A_1998 : i32
        %add3A_2000 = arith.constant 14 : i32
        %add3A_2001 = arith.addi %mul3A_1999, %add3A_2000 : i32
        %get3A_2002 = arith.index_cast %add3A_2001 : i32 to index
        %get3A_2003 = arith.constant 32 : index
        %get3A_2004 = tpu.vector_load %arg8[%get3A_2002, %get3A_2003] {strides = array<i32>} : memref<256x128xf32, #tpu.memory_space<vmem>>, vector<16xf32>,
        %mul3A_2005 = vector.broadcast %squeeze3A_1957 : f32 to vector<16xf32>
        %mul3A_2006 = arith.mulf %mul3A_2005, %get3A_2004 : vector<16xf32>
        %add3A_2007 = arith.addf %get3A_1997, %mul3A_2006 : vector<16xf32>
        %swap3A_2008 = arith.index_cast %add3A_1995 : i32 to index
        %swap3A_2009 = tpu.vector_load %arg14[%swap3A_2008] {strides = array<i32>} : memref<2048xf32, #tpu.memory_space<vmem>>, vector<16xf32>,
        tpu.vector_store %arg14[%swap3A_2008], %add3A_2007 {strides = array<i32>} : memref<2048xf32, #tpu.memory_space<vmem>>, vector<16xf32>,
        %add3A_2010 = arith.constant 48 : i32
        %add3A_2011 = arith.addi %mul3A_1961, %add3A_2010 : i32
        %get3A_2012 = arith.index_cast %add3A_2011 : i32 to index
        %get3A_2013 = tpu.vector_load %arg14[%get3A_2012] {strides = array<i32>} : memref<2048xf32, #tpu.memory_space<vmem>>, vector<16xf32>,
        %mul3A_2014 = arith.constant 16 : i32
        %mul3A_2015 = arith.muli %scan3A_70, %mul3A_2014 : i32
        %add3A_2016 = arith.constant 14 : i32
        %add3A_2017 = arith.addi %mul3A_2015, %add3A_2016 : i32
        %get3A_2018 = arith.index_cast %add3A_2017 : i32 to index
        %get3A_2019 = arith.constant 48 : index
        %get3A_2020 = tpu.vector_load %arg8[%get3A_2018, %get3A_2019] {strides = array<i32>} : memref<256x128xf32, #tpu.memory_space<vmem>>, vector<16xf32>,
        %mul3A_2021 = vector.broadcast %squeeze3A_1957 : f32 to vector<16xf32>
        %mul3A_2022 = arith.mulf %mul3A_2021, %get3A_2020 : vector<16xf32>
        %add3A_2023 = arith.addf %get3A_2013, %mul3A_2022 : vector<16xf32>
        %swap3A_2024 = arith.index_cast %add3A_2011 : i32 to index
        %swap3A_2025 = tpu.vector_load %arg14[%swap3A_2024] {strides = array<i32>} : memref<2048xf32, #tpu.memory_space<vmem>>, vector<16xf32>,
        tpu.vector_store %arg14[%swap3A_2024], %add3A_2023 {strides = array<i32>} : memref<2048xf32, #tpu.memory_space<vmem>>, vector<16xf32>,
        %add3A_2026 = arith.constant 64 : i32
        %add3A_2027 = arith.addi %mul3A_1961, %add3A_2026 : i32
        %get3A_2028 = arith.index_cast %add3A_2027 : i32 to index
        %get3A_2029 = tpu.vector_load %arg14[%get3A_2028] {strides = array<i32>} : memref<2048xf32, #tpu.memory_space<vmem>>, vector<16xf32>,
        %mul3A_2030 = arith.constant 16 : i32
        %mul3A_2031 = arith.muli %scan3A_70, %mul3A_2030 : i32
        %add3A_2032 = arith.constant 14 : i32
        %add3A_2033 = arith.addi %mul3A_2031, %add3A_2032 : i32
        %get3A_2034 = arith.index_cast %add3A_2033 : i32 to index
        %get3A_2035 = arith.constant 64 : index
        %get3A_2036 = tpu.vector_load %arg8[%get3A_2034, %get3A_2035] {strides = array<i32>} : memref<256x128xf32, #tpu.memory_space<vmem>>, vector<16xf32>,
        %mul3A_2037 = vector.broadcast %squeeze3A_1957 : f32 to vector<16xf32>
        %mul3A_2038 = arith.mulf %mul3A_2037, %get3A_2036 : vector<16xf32>
        %add3A_2039 = arith.addf %get3A_2029, %mul3A_2038 : vector<16xf32>
        %swap3A_2040 = arith.index_cast %add3A_2027 : i32 to index
        %swap3A_2041 = tpu.vector_load %arg14[%swap3A_2040] {strides = array<i32>} : memref<2048xf32, #tpu.memory_space<vmem>>, vector<16xf32>,
        tpu.vector_store %arg14[%swap3A_2040], %add3A_2039 {strides = array<i32>} : memref<2048xf32, #tpu.memory_space<vmem>>, vector<16xf32>,
        %add3A_2042 = arith.constant 80 : i32
        %add3A_2043 = arith.addi %mul3A_1961, %add3A_2042 : i32
        %get3A_2044 = arith.index_cast %add3A_2043 : i32 to index
        %get3A_2045 = tpu.vector_load %arg14[%get3A_2044] {strides = array<i32>} : memref<2048xf32, #tpu.memory_space<vmem>>, vector<16xf32>,
        %mul3A_2046 = arith.constant 16 : i32
        %mul3A_2047 = arith.muli %scan3A_70, %mul3A_2046 : i32
        %add3A_2048 = arith.constant 14 : i32
        %add3A_2049 = arith.addi %mul3A_2047, %add3A_2048 : i32
        %get3A_2050 = arith.index_cast %add3A_2049 : i32 to index
        %get3A_2051 = arith.constant 80 : index
        %get3A_2052 = tpu.vector_load %arg8[%get3A_2050, %get3A_2051] {strides = array<i32>} : memref<256x128xf32, #tpu.memory_space<vmem>>, vector<16xf32>,
        %mul3A_2053 = vector.broadcast %squeeze3A_1957 : f32 to vector<16xf32>
        %mul3A_2054 = arith.mulf %mul3A_2053, %get3A_2052 : vector<16xf32>
        %add3A_2055 = arith.addf %get3A_2045, %mul3A_2054 : vector<16xf32>
        %swap3A_2056 = arith.index_cast %add3A_2043 : i32 to index
        %swap3A_2057 = tpu.vector_load %arg14[%swap3A_2056] {strides = array<i32>} : memref<2048xf32, #tpu.memory_space<vmem>>, vector<16xf32>,
        tpu.vector_store %arg14[%swap3A_2056], %add3A_2055 {strides = array<i32>} : memref<2048xf32, #tpu.memory_space<vmem>>, vector<16xf32>,
        %add3A_2058 = arith.constant 96 : i32
        %add3A_2059 = arith.addi %mul3A_1961, %add3A_2058 : i32
        %get3A_2060 = arith.index_cast %add3A_2059 : i32 to index
        %get3A_2061 = tpu.vector_load %arg14[%get3A_2060] {strides = array<i32>} : memref<2048xf32, #tpu.memory_space<vmem>>, vector<16xf32>,
        %mul3A_2062 = arith.constant 16 : i32
        %mul3A_2063 = arith.muli %scan3A_70, %mul3A_2062 : i32
        %add3A_2064 = arith.constant 14 : i32
        %add3A_2065 = arith.addi %mul3A_2063, %add3A_2064 : i32
        %get3A_2066 = arith.index_cast %add3A_2065 : i32 to index
        %get3A_2067 = arith.constant 96 : index
        %get3A_2068 = tpu.vector_load %arg8[%get3A_2066, %get3A_2067] {strides = array<i32>} : memref<256x128xf32, #tpu.memory_space<vmem>>, vector<16xf32>,
        %mul3A_2069 = vector.broadcast %squeeze3A_1957 : f32 to vector<16xf32>
        %mul3A_2070 = arith.mulf %mul3A_2069, %get3A_2068 : vector<16xf32>
        %add3A_2071 = arith.addf %get3A_2061, %mul3A_2070 : vector<16xf32>
        %swap3A_2072 = arith.index_cast %add3A_2059 : i32 to index
        %swap3A_2073 = tpu.vector_load %arg14[%swap3A_2072] {strides = array<i32>} : memref<2048xf32, #tpu.memory_space<vmem>>, vector<16xf32>,
        tpu.vector_store %arg14[%swap3A_2072], %add3A_2071 {strides = array<i32>} : memref<2048xf32, #tpu.memory_space<vmem>>, vector<16xf32>,
        %add3A_2074 = arith.constant 112 : i32
        %add3A_2075 = arith.addi %mul3A_1961, %add3A_2074 : i32
        %get3A_2076 = arith.index_cast %add3A_2075 : i32 to index
        %get3A_2077 = tpu.vector_load %arg14[%get3A_2076] {strides = array<i32>} : memref<2048xf32, #tpu.memory_space<vmem>>, vector<16xf32>,
        %mul3A_2078 = arith.constant 16 : i32
        %mul3A_2079 = arith.muli %scan3A_70, %mul3A_2078 : i32
        %add3A_2080 = arith.constant 14 : i32
        %add3A_2081 = arith.addi %mul3A_2079, %add3A_2080 : i32
        %get3A_2082 = arith.index_cast %add3A_2081 : i32 to index
        %get3A_2083 = arith.constant 112 : index
        %get3A_2084 = tpu.vector_load %arg8[%get3A_2082, %get3A_2083] {strides = array<i32>} : memref<256x128xf32, #tpu.memory_space<vmem>>, vector<16xf32>,
        %mul3A_2085 = vector.broadcast %squeeze3A_1957 : f32 to vector<16xf32>
        %mul3A_2086 = arith.mulf %mul3A_2085, %get3A_2084 : vector<16xf32>
        %add3A_2087 = arith.addf %get3A_2077, %mul3A_2086 : vector<16xf32>
        %swap3A_2088 = arith.index_cast %add3A_2075 : i32 to index
        %swap3A_2089 = tpu.vector_load %arg14[%swap3A_2088] {strides = array<i32>} : memref<2048xf32, #tpu.memory_space<vmem>>, vector<16xf32>,
        tpu.vector_store %arg14[%swap3A_2088], %add3A_2087 {strides = array<i32>} : memref<2048xf32, #tpu.memory_space<vmem>>, vector<16xf32>,
        %slice3A_2090 = vector.extract_strided_slice %get3A_75 {offsets = [15], sizes = [1], strides = [1]} : vector<16xf32> to vector<1xf32>
        %squeeze3A_2091 = vector.extract %slice3A_2090[0] : f32 from vector<1xf32>
        %slice3A_2092 = vector.extract_strided_slice %get3A_79 {offsets = [15], sizes = [1], strides = [1]} : vector<16xi32> to vector<1xi32>
        %squeeze3A_2093 = vector.extract %slice3A_2092[0] : i32 from vector<1xi32>
        %mul3A_2094 = arith.constant 128 : i32
        %mul3A_2095 = arith.muli %squeeze3A_2093, %mul3A_2094 : i32
        %add3A_2096 = arith.constant 0 : i32
        %add3A_2097 = arith.addi %mul3A_2095, %add3A_2096 : i32
        %get3A_2098 = arith.index_cast %add3A_2097 : i32 to index
        %get3A_2099 = tpu.vector_load %arg14[%get3A_2098] {strides = array<i32>} : memref<2048xf32, #tpu.memory_space<vmem>>, vector<16xf32>,
        %mul3A_2100 = arith.constant 16 : i32
        %mul3A_2101 = arith.muli %scan3A_70, %mul3A_2100 : i32
        %add3A_2102 = arith.constant 15 : i32
        %add3A_2103 = arith.addi %mul3A_2101, %add3A_2102 : i32
        %get3A_2104 = arith.index_cast %add3A_2103 : i32 to index
        %get3A_2105 = arith.constant 0 : index
        %get3A_2106 = tpu.vector_load %arg8[%get3A_2104, %get3A_2105] {strides = array<i32>} : memref<256x128xf32, #tpu.memory_space<vmem>>, vector<16xf32>,
        %mul3A_2107 = vector.broadcast %squeeze3A_2091 : f32 to vector<16xf32>
        %mul3A_2108 = arith.mulf %mul3A_2107, %get3A_2106 : vector<16xf32>
        %add3A_2109 = arith.addf %get3A_2099, %mul3A_2108 : vector<16xf32>
        %swap3A_2110 = arith.index_cast %add3A_2097 : i32 to index
        %swap3A_2111 = tpu.vector_load %arg14[%swap3A_2110] {strides = array<i32>} : memref<2048xf32, #tpu.memory_space<vmem>>, vector<16xf32>,
        tpu.vector_store %arg14[%swap3A_2110], %add3A_2109 {strides = array<i32>} : memref<2048xf32, #tpu.memory_space<vmem>>, vector<16xf32>,
        %add3A_2112 = arith.constant 16 : i32
        %add3A_2113 = arith.addi %mul3A_2095, %add3A_2112 : i32
        %get3A_2114 = arith.index_cast %add3A_2113 : i32 to index
        %get3A_2115 = tpu.vector_load %arg14[%get3A_2114] {strides = array<i32>} : memref<2048xf32, #tpu.memory_space<vmem>>, vector<16xf32>,
        %mul3A_2116 = arith.constant 16 : i32
        %mul3A_2117 = arith.muli %scan3A_70, %mul3A_2116 : i32
        %add3A_2118 = arith.constant 15 : i32
        %add3A_2119 = arith.addi %mul3A_2117, %add3A_2118 : i32
        %get3A_2120 = arith.index_cast %add3A_2119 : i32 to index
        %get3A_2121 = arith.constant 16 : index
        %get3A_2122 = tpu.vector_load %arg8[%get3A_2120, %get3A_2121] {strides = array<i32>} : memref<256x128xf32, #tpu.memory_space<vmem>>, vector<16xf32>,
        %mul3A_2123 = vector.broadcast %squeeze3A_2091 : f32 to vector<16xf32>
        %mul3A_2124 = arith.mulf %mul3A_2123, %get3A_2122 : vector<16xf32>
        %add3A_2125 = arith.addf %get3A_2115, %mul3A_2124 : vector<16xf32>
        %swap3A_2126 = arith.index_cast %add3A_2113 : i32 to index
        %swap3A_2127 = tpu.vector_load %arg14[%swap3A_2126] {strides = array<i32>} : memref<2048xf32, #tpu.memory_space<vmem>>, vector<16xf32>,
        tpu.vector_store %arg14[%swap3A_2126], %add3A_2125 {strides = array<i32>} : memref<2048xf32, #tpu.memory_space<vmem>>, vector<16xf32>,
        %add3A_2128 = arith.constant 32 : i32
        %add3A_2129 = arith.addi %mul3A_2095, %add3A_2128 : i32
        %get3A_2130 = arith.index_cast %add3A_2129 : i32 to index
        %get3A_2131 = tpu.vector_load %arg14[%get3A_2130] {strides = array<i32>} : memref<2048xf32, #tpu.memory_space<vmem>>, vector<16xf32>,
        %mul3A_2132 = arith.constant 16 : i32
        %mul3A_2133 = arith.muli %scan3A_70, %mul3A_2132 : i32
        %add3A_2134 = arith.constant 15 : i32
        %add3A_2135 = arith.addi %mul3A_2133, %add3A_2134 : i32
        %get3A_2136 = arith.index_cast %add3A_2135 : i32 to index
        %get3A_2137 = arith.constant 32 : index
        %get3A_2138 = tpu.vector_load %arg8[%get3A_2136, %get3A_2137] {strides = array<i32>} : memref<256x128xf32, #tpu.memory_space<vmem>>, vector<16xf32>,
        %mul3A_2139 = vector.broadcast %squeeze3A_2091 : f32 to vector<16xf32>
        %mul3A_2140 = arith.mulf %mul3A_2139, %get3A_2138 : vector<16xf32>
        %add3A_2141 = arith.addf %get3A_2131, %mul3A_2140 : vector<16xf32>
        %swap3A_2142 = arith.index_cast %add3A_2129 : i32 to index
        %swap3A_2143 = tpu.vector_load %arg14[%swap3A_2142] {strides = array<i32>} : memref<2048xf32, #tpu.memory_space<vmem>>, vector<16xf32>,
        tpu.vector_store %arg14[%swap3A_2142], %add3A_2141 {strides = array<i32>} : memref<2048xf32, #tpu.memory_space<vmem>>, vector<16xf32>,
        %add3A_2144 = arith.constant 48 : i32
        %add3A_2145 = arith.addi %mul3A_2095, %add3A_2144 : i32
        %get3A_2146 = arith.index_cast %add3A_2145 : i32 to index
        %get3A_2147 = tpu.vector_load %arg14[%get3A_2146] {strides = array<i32>} : memref<2048xf32, #tpu.memory_space<vmem>>, vector<16xf32>,
        %mul3A_2148 = arith.constant 16 : i32
        %mul3A_2149 = arith.muli %scan3A_70, %mul3A_2148 : i32
        %add3A_2150 = arith.constant 15 : i32
        %add3A_2151 = arith.addi %mul3A_2149, %add3A_2150 : i32
        %get3A_2152 = arith.index_cast %add3A_2151 : i32 to index
        %get3A_2153 = arith.constant 48 : index
        %get3A_2154 = tpu.vector_load %arg8[%get3A_2152, %get3A_2153] {strides = array<i32>} : memref<256x128xf32, #tpu.memory_space<vmem>>, vector<16xf32>,
        %mul3A_2155 = vector.broadcast %squeeze3A_2091 : f32 to vector<16xf32>
        %mul3A_2156 = arith.mulf %mul3A_2155, %get3A_2154 : vector<16xf32>
        %add3A_2157 = arith.addf %get3A_2147, %mul3A_2156 : vector<16xf32>
        %swap3A_2158 = arith.index_cast %add3A_2145 : i32 to index
        %swap3A_2159 = tpu.vector_load %arg14[%swap3A_2158] {strides = array<i32>} : memref<2048xf32, #tpu.memory_space<vmem>>, vector<16xf32>,
        tpu.vector_store %arg14[%swap3A_2158], %add3A_2157 {strides = array<i32>} : memref<2048xf32, #tpu.memory_space<vmem>>, vector<16xf32>,
        %add3A_2160 = arith.constant 64 : i32
        %add3A_2161 = arith.addi %mul3A_2095, %add3A_2160 : i32
        %get3A_2162 = arith.index_cast %add3A_2161 : i32 to index
        %get3A_2163 = tpu.vector_load %arg14[%get3A_2162] {strides = array<i32>} : memref<2048xf32, #tpu.memory_space<vmem>>, vector<16xf32>,
        %mul3A_2164 = arith.constant 16 : i32
        %mul3A_2165 = arith.muli %scan3A_70, %mul3A_2164 : i32
        %add3A_2166 = arith.constant 15 : i32
        %add3A_2167 = arith.addi %mul3A_2165, %add3A_2166 : i32
        %get3A_2168 = arith.index_cast %add3A_2167 : i32 to index
        %get3A_2169 = arith.constant 64 : index
        %get3A_2170 = tpu.vector_load %arg8[%get3A_2168, %get3A_2169] {strides = array<i32>} : memref<256x128xf32, #tpu.memory_space<vmem>>, vector<16xf32>,
        %mul3A_2171 = vector.broadcast %squeeze3A_2091 : f32 to vector<16xf32>
        %mul3A_2172 = arith.mulf %mul3A_2171, %get3A_2170 : vector<16xf32>
        %add3A_2173 = arith.addf %get3A_2163, %mul3A_2172 : vector<16xf32>
        %swap3A_2174 = arith.index_cast %add3A_2161 : i32 to index
        %swap3A_2175 = tpu.vector_load %arg14[%swap3A_2174] {strides = array<i32>} : memref<2048xf32, #tpu.memory_space<vmem>>, vector<16xf32>,
        tpu.vector_store %arg14[%swap3A_2174], %add3A_2173 {strides = array<i32>} : memref<2048xf32, #tpu.memory_space<vmem>>, vector<16xf32>,
        %add3A_2176 = arith.constant 80 : i32
        %add3A_2177 = arith.addi %mul3A_2095, %add3A_2176 : i32
        %get3A_2178 = arith.index_cast %add3A_2177 : i32 to index
        %get3A_2179 = tpu.vector_load %arg14[%get3A_2178] {strides = array<i32>} : memref<2048xf32, #tpu.memory_space<vmem>>, vector<16xf32>,
        %mul3A_2180 = arith.constant 16 : i32
        %mul3A_2181 = arith.muli %scan3A_70, %mul3A_2180 : i32
        %add3A_2182 = arith.constant 15 : i32
        %add3A_2183 = arith.addi %mul3A_2181, %add3A_2182 : i32
        %get3A_2184 = arith.index_cast %add3A_2183 : i32 to index
        %get3A_2185 = arith.constant 80 : index
        %get3A_2186 = tpu.vector_load %arg8[%get3A_2184, %get3A_2185] {strides = array<i32>} : memref<256x128xf32, #tpu.memory_space<vmem>>, vector<16xf32>,
        %mul3A_2187 = vector.broadcast %squeeze3A_2091 : f32 to vector<16xf32>
        %mul3A_2188 = arith.mulf %mul3A_2187, %get3A_2186 : vector<16xf32>
        %add3A_2189 = arith.addf %get3A_2179, %mul3A_2188 : vector<16xf32>
        %swap3A_2190 = arith.index_cast %add3A_2177 : i32 to index
        %swap3A_2191 = tpu.vector_load %arg14[%swap3A_2190] {strides = array<i32>} : memref<2048xf32, #tpu.memory_space<vmem>>, vector<16xf32>,
        tpu.vector_store %arg14[%swap3A_2190], %add3A_2189 {strides = array<i32>} : memref<2048xf32, #tpu.memory_space<vmem>>, vector<16xf32>,
        %add3A_2192 = arith.constant 96 : i32
        %add3A_2193 = arith.addi %mul3A_2095, %add3A_2192 : i32
        %get3A_2194 = arith.index_cast %add3A_2193 : i32 to index
        %get3A_2195 = tpu.vector_load %arg14[%get3A_2194] {strides = array<i32>} : memref<2048xf32, #tpu.memory_space<vmem>>, vector<16xf32>,
        %mul3A_2196 = arith.constant 16 : i32
        %mul3A_2197 = arith.muli %scan3A_70, %mul3A_2196 : i32
        %add3A_2198 = arith.constant 15 : i32
        %add3A_2199 = arith.addi %mul3A_2197, %add3A_2198 : i32
        %get3A_2200 = arith.index_cast %add3A_2199 : i32 to index
        %get3A_2201 = arith.constant 96 : index
        %get3A_2202 = tpu.vector_load %arg8[%get3A_2200, %get3A_2201] {strides = array<i32>} : memref<256x128xf32, #tpu.memory_space<vmem>>, vector<16xf32>,
        %mul3A_2203 = vector.broadcast %squeeze3A_2091 : f32 to vector<16xf32>
        %mul3A_2204 = arith.mulf %mul3A_2203, %get3A_2202 : vector<16xf32>
        %add3A_2205 = arith.addf %get3A_2195, %mul3A_2204 : vector<16xf32>
        %swap3A_2206 = arith.index_cast %add3A_2193 : i32 to index
        %swap3A_2207 = tpu.vector_load %arg14[%swap3A_2206] {strides = array<i32>} : memref<2048xf32, #tpu.memory_space<vmem>>, vector<16xf32>,
        tpu.vector_store %arg14[%swap3A_2206], %add3A_2205 {strides = array<i32>} : memref<2048xf32, #tpu.memory_space<vmem>>, vector<16xf32>,
        %add3A_2208 = arith.constant 112 : i32
        %add3A_2209 = arith.addi %mul3A_2095, %add3A_2208 : i32
        %get3A_2210 = arith.index_cast %add3A_2209 : i32 to index
        %get3A_2211 = tpu.vector_load %arg14[%get3A_2210] {strides = array<i32>} : memref<2048xf32, #tpu.memory_space<vmem>>, vector<16xf32>,
        %mul3A_2212 = arith.constant 16 : i32
        %mul3A_2213 = arith.muli %scan3A_70, %mul3A_2212 : i32
        %add3A_2214 = arith.constant 15 : i32
        %add3A_2215 = arith.addi %mul3A_2213, %add3A_2214 : i32
        %get3A_2216 = arith.index_cast %add3A_2215 : i32 to index
        %get3A_2217 = arith.constant 112 : index
        %get3A_2218 = tpu.vector_load %arg8[%get3A_2216, %get3A_2217] {strides = array<i32>} : memref<256x128xf32, #tpu.memory_space<vmem>>, vector<16xf32>,
        %mul3A_2219 = vector.broadcast %squeeze3A_2091 : f32 to vector<16xf32>
        %mul3A_2220 = arith.mulf %mul3A_2219, %get3A_2218 : vector<16xf32>
        %add3A_2221 = arith.addf %get3A_2211, %mul3A_2220 : vector<16xf32>
        %swap3A_2222 = arith.index_cast %add3A_2209 : i32 to index
        %swap3A_2223 = tpu.vector_load %arg14[%swap3A_2222] {strides = array<i32>} : memref<2048xf32, #tpu.memory_space<vmem>>, vector<16xf32>,
        tpu.vector_store %arg14[%swap3A_2222], %add3A_2221 {strides = array<i32>} : memref<2048xf32, #tpu.memory_space<vmem>>, vector<16xf32>,
        %scan3A_2224 = arith.constant 0 : i32
        scf.yield %scan3A_2224 : i32
      }
      %scan3A_68 = arith.constant 16 : i32
      "tpu.region"() ({
        %run_scoped3A = tpu.sem_alloc : memref<!tpu.dma_semaphore, #tpu.memory_space<semaphore_mem>>
        %dma_start3A = arith.constant 0 : i32
        %dma_start3A_70 = tpu.memref_slice %arg5[%add3A_11, %dma_start3A] : memref<128x16xf32, #tpu.memory_space<hbm>> -> memref<1x16xf32, #tpu.memory_space<hbm>>
        %dma_start3A_71 = tpu.memref_squeeze %dma_start3A_70 : memref<1x16xf32, #tpu.memory_space<hbm>> -> memref<16xf32, #tpu.memory_space<hbm>>
        %dma_start3A_72 = arith.constant 0 : i32
        %dma_start3A_73 = tpu.memref_slice %arg5[%add3A_11, %dma_start3A_72] : memref<128x16xf32, #tpu.memory_space<hbm>> -> memref<1x16xf32, #tpu.memory_space<hbm>>
        %dma_start3A_74 = tpu.memref_squeeze %dma_start3A_73 : memref<1x16xf32, #tpu.memory_space<hbm>> -> memref<16xf32, #tpu.memory_space<hbm>>
        tpu.enqueue_dma source(%arg12 : memref<16xf32, #tpu.memory_space<vmem>>) target(%dma_start3A_74 : memref<16xf32, #tpu.memory_space<hbm>>) target_semaphore(%run_scoped3A : memref<!tpu.dma_semaphore, #tpu.memory_space<semaphore_mem>>)
        %dma_wait3A = arith.constant 0 : i32
        %dma_wait3A_75 = tpu.memref_slice %arg5[%add3A_11, %dma_wait3A] : memref<128x16xf32, #tpu.memory_space<hbm>> -> memref<1x16xf32, #tpu.memory_space<hbm>>
        %dma_wait3A_76 = tpu.memref_squeeze %dma_wait3A_75 : memref<1x16xf32, #tpu.memory_space<hbm>> -> memref<16xf32, #tpu.memory_space<hbm>>
        %dma_wait3A_77 = arith.constant 0 : i32
        %dma_wait3A_78 = tpu.memref_slice %arg5[%add3A_11, %dma_wait3A_77] : memref<128x16xf32, #tpu.memory_space<hbm>> -> memref<1x16xf32, #tpu.memory_space<hbm>>
        %dma_wait3A_79 = tpu.memref_squeeze %dma_wait3A_78 : memref<1x16xf32, #tpu.memory_space<hbm>> -> memref<16xf32, #tpu.memory_space<hbm>>
        tpu.wait_dma2 semaphore(%run_scoped3A : memref<!tpu.dma_semaphore, #tpu.memory_space<semaphore_mem>>) src(%arg12 : memref<16xf32, #tpu.memory_space<vmem>>) dst(%dma_wait3A_79 : memref<16xf32, #tpu.memory_space<hbm>>)
        tpu.yield
      }) : () -> ()
      "tpu.region"() ({
        %run_scoped3A = tpu.sem_alloc : memref<!tpu.dma_semaphore, #tpu.memory_space<semaphore_mem>>
        %dma_start3A = arith.constant 0 : i32
        %dma_start3A_70 = tpu.memref_slice %arg6[%add3A_11, %dma_start3A] : memref<128x16xf32, #tpu.memory_space<hbm>> -> memref<1x16xf32, #tpu.memory_space<hbm>>
        %dma_start3A_71 = tpu.memref_squeeze %dma_start3A_70 : memref<1x16xf32, #tpu.memory_space<hbm>> -> memref<16xf32, #tpu.memory_space<hbm>>
        %dma_start3A_72 = arith.constant 0 : i32
        %dma_start3A_73 = tpu.memref_slice %arg6[%add3A_11, %dma_start3A_72] : memref<128x16xf32, #tpu.memory_space<hbm>> -> memref<1x16xf32, #tpu.memory_space<hbm>>
        %dma_start3A_74 = tpu.memref_squeeze %dma_start3A_73 : memref<1x16xf32, #tpu.memory_space<hbm>> -> memref<16xf32, #tpu.memory_space<hbm>>
        tpu.enqueue_dma source(%arg13 : memref<16xf32, #tpu.memory_space<vmem>>) target(%dma_start3A_74 : memref<16xf32, #tpu.memory_space<hbm>>) target_semaphore(%run_scoped3A : memref<!tpu.dma_semaphore, #tpu.memory_space<semaphore_mem>>)
        %dma_wait3A = arith.constant 0 : i32
        %dma_wait3A_75 = tpu.memref_slice %arg6[%add3A_11, %dma_wait3A] : memref<128x16xf32, #tpu.memory_space<hbm>> -> memref<1x16xf32, #tpu.memory_space<hbm>>
        %dma_wait3A_76 = tpu.memref_squeeze %dma_wait3A_75 : memref<1x16xf32, #tpu.memory_space<hbm>> -> memref<16xf32, #tpu.memory_space<hbm>>
        %dma_wait3A_77 = arith.constant 0 : i32
        %dma_wait3A_78 = tpu.memref_slice %arg6[%add3A_11, %dma_wait3A_77] : memref<128x16xf32, #tpu.memory_space<hbm>> -> memref<1x16xf32, #tpu.memory_space<hbm>>
        %dma_wait3A_79 = tpu.memref_squeeze %dma_wait3A_78 : memref<1x16xf32, #tpu.memory_space<hbm>> -> memref<16xf32, #tpu.memory_space<hbm>>
        tpu.wait_dma2 semaphore(%run_scoped3A : memref<!tpu.dma_semaphore, #tpu.memory_space<semaphore_mem>>) src(%arg13 : memref<16xf32, #tpu.memory_space<vmem>>) dst(%dma_wait3A_79 : memref<16xf32, #tpu.memory_space<hbm>>)
        tpu.yield
      }) : () -> ()
      "tpu.region"() ({
        %run_scoped3A = tpu.sem_alloc : memref<!tpu.dma_semaphore, #tpu.memory_space<semaphore_mem>>
        %dma_start3A = arith.constant 0 : i32
        %dma_start3A_70 = tpu.memref_slice %arg7[%add3A_11, %dma_start3A] : memref<128x2048xf32, #tpu.memory_space<hbm>> -> memref<1x2048xf32, #tpu.memory_space<hbm>>
        %dma_start3A_71 = tpu.memref_squeeze %dma_start3A_70 : memref<1x2048xf32, #tpu.memory_space<hbm>> -> memref<2048xf32, #tpu.memory_space<hbm>>
        %dma_start3A_72 = arith.constant 0 : i32
        %dma_start3A_73 = tpu.memref_slice %arg7[%add3A_11, %dma_start3A_72] : memref<128x2048xf32, #tpu.memory_space<hbm>> -> memref<1x2048xf32, #tpu.memory_space<hbm>>
        %dma_start3A_74 = tpu.memref_squeeze %dma_start3A_73 : memref<1x2048xf32, #tpu.memory_space<hbm>> -> memref<2048xf32, #tpu.memory_space<hbm>>
        tpu.enqueue_dma source(%arg14 : memref<2048xf32, #tpu.memory_space<vmem>>) target(%dma_start3A_74 : memref<2048xf32, #tpu.memory_space<hbm>>) target_semaphore(%run_scoped3A : memref<!tpu.dma_semaphore, #tpu.memory_space<semaphore_mem>>)
        %dma_wait3A = arith.constant 0 : i32
        %dma_wait3A_75 = tpu.memref_slice %arg7[%add3A_11, %dma_wait3A] : memref<128x2048xf32, #tpu.memory_space<hbm>> -> memref<1x2048xf32, #tpu.memory_space<hbm>>
        %dma_wait3A_76 = tpu.memref_squeeze %dma_wait3A_75 : memref<1x2048xf32, #tpu.memory_space<hbm>> -> memref<2048xf32, #tpu.memory_space<hbm>>
        %dma_wait3A_77 = arith.constant 0 : i32
        %dma_wait3A_78 = tpu.memref_slice %arg7[%add3A_11, %dma_wait3A_77] : memref<128x2048xf32, #tpu.memory_space<hbm>> -> memref<1x2048xf32, #tpu.memory_space<hbm>>
        %dma_wait3A_79 = tpu.memref_squeeze %dma_wait3A_78 : memref<1x2048xf32, #tpu.memory_space<hbm>> -> memref<2048xf32, #tpu.memory_space<hbm>>
        tpu.wait_dma2 semaphore(%run_scoped3A : memref<!tpu.dma_semaphore, #tpu.memory_space<semaphore_mem>>) src(%arg14 : memref<2048xf32, #tpu.memory_space<vmem>>) dst(%dma_wait3A_79 : memref<2048xf32, #tpu.memory_space<hbm>>)
        tpu.yield
      }) : () -> ()
      %scan3A_69 = arith.constant 0 : i32
      scf.yield %scan3A_69 : i32
    }
    %scan3A_6 = arith.constant 4 : i32
    return
  }
}

module attributes {stable_mosaic.version = 14 : i64} {
  func.func @_scores_body(%arg0: i32, %arg1: memref<16x128xf32, #tpu.memory_space<vmem>>, %arg2: memref<128x128xf32, #tpu.memory_space<vmem>>, %arg3: memref<2048x128xf32, #tpu.memory_space<vmem>>, %arg4: memref<1x1x2048xi32, #tpu.memory_space<vmem>>, %arg5: memref<1x1x2048xf32, #tpu.memory_space<vmem>>, %arg6: memref<16x128xf32, #tpu.memory_space<vmem>>) attributes {dimension_semantics = [#tpu.dimension_semantics<arbitrary>], iteration_bounds = array<i64: 16>, scalar_prefetch = 0 : i64, scratch_operands = 1 : i64, tpu.core_type = #tpu.core_type<tc>, window_params = [{pipeline_mode = #tpu.pipeline_mode<synchronous>, transform_indices = @transform_0, window_bounds = array<i64: 16, 128>}, {pipeline_mode = #tpu.pipeline_mode<synchronous>, transform_indices = @transform_1, window_bounds = array<i64: 128, 128>}, {transform_indices = @transform_2, window_bounds = array<i64: 2048, 128>}, {transform_indices = @transform_3, window_bounds = array<i64: 1, 1, 2048>}, {transform_indices = @transform_4, window_bounds = array<i64: 1, 1, 2048>}]} {
    %eq3A = arith.constant 0 : i32
    %eq3A_0 = arith.cmpi eq, %arg0, %eq3A : i32
    %convert_element_type3A = arith.extui %eq3A_0 : i1 to i32
    %cond3A = arith.constant 0 : i32
    %cond3A_1 = arith.cmpi ne, %convert_element_type3A, %cond3A : i32
    scf.if %cond3A_1 {
      %get3A_19 = arith.constant 0 : index
      %get3A_20 = arith.constant 0 : index
      %get3A_21 = vector.load %arg1[%get3A_19, %get3A_20] : memref<16x128xf32, #tpu.memory_space<vmem>>, vector<16x128xf32>
      %get3A_22 = arith.constant 0 : index
      %get3A_23 = arith.constant 0 : index
      %get3A_24 = vector.load %arg2[%get3A_22, %get3A_23] : memref<128x128xf32, #tpu.memory_space<vmem>>, vector<128x128xf32>
      %dot_general3A_25 = arith.constant dense<0.000000e+00> : vector<16x128xf32>
      %dot_general3A_26 = tpu.matmul %get3A_21, %get3A_24, %dot_general3A_25 {dimension_numbers = #tpu.dot_dimension_numbers<[1], [0], [0], [1], [0, 0, 1, 1], [], []>, transpose_lhs_hint = false} : vector<16x128xf32>, vector<128x128xf32>, vector<16x128xf32> -> vector<16x128xf32>
      %swap3A_27 = arith.constant 0 : index
      %swap3A_28 = arith.constant 0 : index
      %swap3A_29 = vector.load %arg6[%swap3A_27, %swap3A_28] : memref<16x128xf32, #tpu.memory_space<vmem>>, vector<16x128xf32>
      tpu.vector_store %arg6[%swap3A_27, %swap3A_28], %dot_general3A_26 {strides = array<i32>} : memref<16x128xf32, #tpu.memory_space<vmem>>, vector<16x128xf32>,
    } else {
    }
    %get3A = arith.constant 0 : index
    %get3A_2 = arith.constant 0 : index
    %get3A_3 = vector.load %arg3[%get3A, %get3A_2] : memref<2048x128xf32, #tpu.memory_space<vmem>>, vector<2048x128xf32>
    %get3A_4 = arith.constant 0 : index
    %get3A_5 = arith.constant 0 : index
    %get3A_6 = arith.constant 0 : index
    %get3A_7 = vector.load %arg4[%get3A_4, %get3A_5, %get3A_6] : memref<1x1x2048xi32, #tpu.memory_space<vmem>>, vector<1x1x2048xi32>
    %get3A_8 = vector.shape_cast %get3A_7 : vector<1x1x2048xi32> to vector<1x2048xi32>
    %get3A_9 = arith.constant 0 : index
    %get3A_10 = arith.constant 0 : index
    %get3A_11 = vector.load %arg6[%get3A_9, %get3A_10] : memref<16x128xf32, #tpu.memory_space<vmem>>, vector<16x128xf32>
    %dot_general3A = arith.constant dense<0.000000e+00> : vector<16x2048xf32>
    %dot_general3A_12 = tpu.matmul %get3A_11, %get3A_3, %dot_general3A {dimension_numbers = #tpu.dot_dimension_numbers<[1], [1], [0], [0], [0, 0, 1, 0], [], []>, transpose_lhs_hint = false} : vector<16x128xf32>, vector<2048x128xf32>, vector<16x2048xf32> -> vector<16x2048xf32>
    %iota3A = tpu.iota {dimensions = array<i32: 0>} : vector<16x2048xi32>
    %eq3A_13 = vector.broadcast %get3A_8 : vector<1x2048xi32> to vector<16x2048xi32>
    %eq3A_14 = arith.cmpi eq, %eq3A_13, %iota3A : vector<16x2048xi32>
    %jit3A = arith.constant 0.000000e+00 : f32
    %broadcast_in_dim3A = vector.broadcast %jit3A : f32 to vector<16x2048xf32>
    %select_n3A = arith.select %eq3A_14, %dot_general3A_12, %broadcast_in_dim3A : vector<16x2048xi1>, vector<16x2048xf32>
    %reduce_sum3A = arith.constant dense<0.000000e+00> : vector<2048xf32>
    %reduce_sum3A_15 = vector.multi_reduction <add>, %select_n3A, %reduce_sum3A [0] : vector<16x2048xf32> to vector<2048xf32>
    %reshape3A = vector.shape_cast %reduce_sum3A_15 : vector<2048xf32> to vector<1x1x2048xf32>
    %swap3A = arith.constant 0 : index
    %swap3A_16 = arith.constant 0 : index
    %swap3A_17 = arith.constant 0 : index
    %swap3A_18 = vector.load %arg5[%swap3A, %swap3A_16, %swap3A_17] : memref<1x1x2048xf32, #tpu.memory_space<vmem>>, vector<1x1x2048xf32>
    tpu.vector_store %arg5[%swap3A, %swap3A_16, %swap3A_17], %reshape3A {strides = array<i32>} : memref<1x1x2048xf32, #tpu.memory_space<vmem>>, vector<1x1x2048xf32>,
    return
  }
  func.func @transform_0(%arg0: i32) -> (i32, i32) {
    %c0_i32 = arith.constant 0 : i32
    %c0_i32_0 = arith.constant 0 : i32
    %c0_i32_1 = arith.constant 0 : i32
    return %c0_i32, %c0_i32_0 : i32, i32
  }
  func.func @transform_1(%arg0: i32) -> (i32, i32) {
    %c0_i32 = arith.constant 0 : i32
    %c0_i32_0 = arith.constant 0 : i32
    %c0_i32_1 = arith.constant 0 : i32
    return %c0_i32, %c0_i32_0 : i32, i32
  }
  func.func @transform_2(%arg0: i32) -> (i32, i32) {
    %c0_i32 = arith.constant 0 : i32
    %c0_i32_0 = arith.constant 0 : i32
    return %arg0, %c0_i32 : i32, i32
  }
  func.func @transform_3(%arg0: i32) -> (i32, i32, i32) {
    %c0_i32 = arith.constant 0 : i32
    %c0_i32_0 = arith.constant 0 : i32
    %c0_i32_1 = arith.constant 0 : i32
    return %arg0, %c0_i32, %c0_i32_0 : i32, i32, i32
  }
  func.func @transform_4(%arg0: i32) -> (i32, i32, i32) {
    %c0_i32 = arith.constant 0 : i32
    %c0_i32_0 = arith.constant 0 : i32
    %c0_i32_1 = arith.constant 0 : i32
    return %arg0, %c0_i32, %c0_i32_0 : i32, i32, i32
  }
}

module attributes {stable_mosaic.version = 14 : i64} {
  func.func @_combine_body(%arg0: memref<128x16xf32, #tpu.memory_space<vmem>>, %arg1: memref<128x16xf32, #tpu.memory_space<vmem>>, %arg2: memref<128x2048xf32, #tpu.memory_space<vmem>>, %arg3: memref<16x128xf32, #tpu.memory_space<vmem>>) attributes {dimension_semantics = [], scalar_prefetch = 0 : i64, scratch_operands = 0 : i64, tpu.core_type = #tpu.core_type<tc>} {
    %get3A = arith.constant 0 : index
    %get3A_0 = arith.constant 0 : index
    %get3A_1 = vector.load %arg0[%get3A, %get3A_0] : memref<128x16xf32, #tpu.memory_space<vmem>>, vector<128x16xf32>
    %get3A_2 = arith.constant 0 : index
    %get3A_3 = arith.constant 0 : index
    %get3A_4 = vector.load %arg1[%get3A_2, %get3A_3] : memref<128x16xf32, #tpu.memory_space<vmem>>, vector<128x16xf32>
    %reduce_max3A = arith.constant dense<0xFF800000> : vector<16xf32>
    %reduce_max3A_5 = vector.multi_reduction <maximumf>, %get3A_1, %reduce_max3A [0] : vector<128x16xf32> to vector<16xf32>
    %broadcast_in_dim3A = vector.shape_cast %reduce_max3A_5 : vector<16xf32> to vector<1x16xf32>
    %sub3A = vector.broadcast %broadcast_in_dim3A : vector<1x16xf32> to vector<128x16xf32>
    %sub3A_6 = arith.subf %get3A_1, %sub3A : vector<128x16xf32>
    %exp3A = math.exp %sub3A_6 : vector<128x16xf32>
    %mul3A = arith.mulf %get3A_4, %exp3A : vector<128x16xf32>
    %reduce_sum3A = arith.constant dense<0.000000e+00> : vector<16xf32>
    %reduce_sum3A_7 = vector.multi_reduction <add>, %mul3A, %reduce_sum3A [0] : vector<128x16xf32> to vector<16xf32>
    %get3A_8 = arith.constant 0 : index
    %get3A_9 = arith.constant 0 : index
    %get3A_10 = vector.load %arg2[%get3A_8, %get3A_9] : memref<128x2048xf32, #tpu.memory_space<vmem>>, vector<128x2048xf32>
    %reshape3A = vector.shape_cast %get3A_10 : vector<128x2048xf32> to vector<128x16x128xf32>
    %broadcast_in_dim3A_11 = vector.shape_cast %exp3A : vector<128x16xf32> to vector<128x16x1xf32>
    %mul3A_12 = vector.broadcast %broadcast_in_dim3A_11 : vector<128x16x1xf32> to vector<128x16x128xf32>
    %mul3A_13 = arith.mulf %reshape3A, %mul3A_12 : vector<128x16x128xf32>
    %reduce_sum3A_14 = arith.constant dense<0.000000e+00> : vector<16x128xf32>
    %reduce_sum3A_15 = vector.multi_reduction <add>, %mul3A_13, %reduce_sum3A_14 [0] : vector<128x16x128xf32> to vector<16x128xf32>
    %reshape3A_16 = vector.shape_cast %reduce_sum3A_7 : vector<16xf32> to vector<16x1xf32>
    %gt3A = arith.constant 0.000000e+00 : f32
    %gt3A_17 = vector.broadcast %gt3A : f32 to vector<16x1xf32>
    %gt3A_18 = arith.cmpf ogt, %reshape3A_16, %gt3A_17 : vector<16x1xf32>
    %div3A = vector.broadcast %reshape3A_16 : vector<16x1xf32> to vector<16x128xf32>
    %div3A_19 = arith.divf %reduce_sum3A_15, %div3A : vector<16x128xf32>
    %jit3A = arith.constant 0.000000e+00 : f32
    %broadcast_in_dim3A_20 = vector.shape_cast %gt3A_18 : vector<16x1xi1> to vector<16x1xi1>
    %broadcast_in_dim3A_21 = vector.broadcast %broadcast_in_dim3A_20 : vector<16x1xi1> to vector<16x128xi1>
    %broadcast_in_dim3A_22 = vector.broadcast %jit3A : f32 to vector<16x128xf32>
    %select_n3A = arith.select %broadcast_in_dim3A_21, %div3A_19, %broadcast_in_dim3A_22 : vector<16x128xi1>, vector<16x128xf32>
    %swap3A = arith.constant 0 : index
    %swap3A_23 = arith.constant 0 : index
    %swap3A_24 = vector.load %arg3[%swap3A, %swap3A_23] : memref<16x128xf32, #tpu.memory_space<vmem>>, vector<16x128xf32>
    tpu.vector_store %arg3[%swap3A, %swap3A_23], %select_n3A {strides = array<i32>} : memref<16x128xf32, #tpu.memory_space<vmem>>, vector<16x128xf32>,
    return
  }
}

</mosaic_0001>

<sc_bundles>
// kernel: kernel.5.cloned.1.call-start
scs
__scs_entry_jumppad:
0x0: {  	(pc) =	sbr.rel $0x88, $3  }
0x1: {  	(tag) =	ssettag $0x0;
	lr =	simm.s32 $0x1  }
0x2: {  	[smem:$0x3F9D] =	sst lr;
	_ =	strace $0xD0000000  }
0x3: {  	_ = 	snop  }
0x4: {  	_ = 	snop  }
0x5: {  	_ = 	snop  }
0x6: {  	_ = 	snop  }
0x7: {  	_ = 	snop  }
__scs_overlays_trampoline_lowered:
0x8: {  	[smem:$0x3FAC] =	sst s0  }
0x9: {  	[smem:$0x3FAD] =	sst s1  }
0xa: {  	[smem:$0x3FAE] =	sst s2  }
0xb: {  	[smem:$0x3FAF] =	sst s3  }
0xc: {  	[smem:$0x3FB0] =	sst s4  }
0xd: {  	[smem:$0x3FB1] =	sst s5  }
0xe: {  	[smem:$0x3FB2] =	sst s6  }
0xf: {  	[smem:$0x3FB3] =	sst s7  }
0x10: {  	[smem:$0x3FB4] =	sst s8  }
0x11: {  	[smem:$0x3FB5] =	sst s9;
	s0 =	simm.s32 @!p0 $0x0  }
0x12: {  	s1 =	sld [smem:$0x3F9B];
	s0 =	simm.s32 @p0 $0x1  }
0x13: {  	[smem:$0x3FB6] =	sst s0;
	s0 =	simm.s32 @!p1 $0x0  }
0x14: {  	s2 =	sld [smem:$0x3F9A];
	s0 =	simm.s32 @p1 $0x1  }
0x15: {  	[smem:$0x3FB7] =	sst s0;
	s0 =	simm.s32 @!p2 $0x0  }
0x16: {  	s3 =	sld [smem:$0x3FDB];
	s0 =	simm.s32 @p2 $0x1  }
0x17: {  	s4 =	simm.s32 $0x1BF5;
	[smem:$0x3FB9] =	sst s0  }
0x18: {  	s0 =	sld [smem:$0x3F9C];
	_ =	swait.ge [sflag:s4], $0x0  }
0x19: {  	s7 =	sld [smem:$0x3F9D]  }
0x1a: {  	s8 =	sadd.s32 $0xFFFFE003, lr  }
0x1b: {  	s9 =	sadd.s32 $0xFFFFFEF7, lr;
	s5 =	simm.s32 $0xFFFFFFFF;
	p2 =	slt.u32 s8, $0xFFFFF086  }
0x1c: {  	p1 =	slt.u32 s9, $0xF7A;
	s5 =	simm.s32 @!p2 $0x0  }
0x1d: {  	s5 =	simm.s32 @p1 $0x1;
	p0 =	seq.s32 s7, s2  }
0x1e: {  	s7 =	smul.u32 @!p0 $0xF7A, s2;
	p2 =	seq.s32 @!p0 s5, $0x0  }
0x1f: {  	s9 =	smul.u32 $0xF7A, s1;
	s8 =	simm.s32 @!p0 $0x1BF5;
	p2 =	por !p2, p0  }
0x20: {  	[sflag:s8] =	ssyncset.s32 @!p0 $0xFFFFF086;
	s6 =	sadd.s32 @!p0 s3, s7;
	s7 =	simm.s32 @!p0 $0x108  }
0x21: {  	s3 =	sadd.s32 s3, s9;
	s6 =	sadd.s32 @!p0 $0x88, s6;
	s7 =	simm.s32 @p2 $0x1082  }
0x22: {  	[simem:s7], [sflag:s8] =	dma.local @!p0 [hbm:s6], $0xF7A  }
0x23: {  	s9 =	sor.u32 $0xD0000000, s2;
	s6 =	simm.s32 $0x108;
	_ =	swait.ge @!p0 [sflag:s8], $0x0  }
0x24: {  	s3 =	sadd.s32 $0x88, s3;
	s6 =	simm.s32 @!p1 $0x1082;
	[sflag:s4] =	ssyncset.s32 $0xFFFFF086  }
0x25: {  	[simem:s6], [sflag:s4] =	dma.local [hbm:s3], $0xF7A  }
0x26: {  	[smem:$0x3F9D] =	sst s1;
	(tag) =	ssettag s2;
	_ =	strace s9  }
0x27: {  	s1 =	sld [smem:$0x3FAD]  }
0x28: {  	s2 =	sld [smem:$0x3FAE]  }
0x29: {  	s4 =	sld [smem:$0x3FB0]  }
0x2a: {  	p0 =	seq.s32 s5, $0x0;
	s5 =	sld [smem:$0x3FB1]  }
0x2b: {  	s6 =	sld [smem:$0x3FB2]  }
0x2c: {  	s7 =	sld [smem:$0x3FB3]  }
0x2d: {  	s3 =	simm.s32 $0x108;
	s8 =	sld [smem:$0x3FB4]  }
0x2e: {  	s3 =	simm.s32 @!p0 $0x1082;
	s9 =	sld [smem:$0x3FB5]  }
0x2f: {  	lr =	sadd.s32 s0, s3;
	s0 =	sld [smem:$0x3FAC]  }
0x30: {  	s3 =	sld [smem:$0x3FAF]  }
0x31: {  	[smem:$0x3FB8] =	sst s10  }
0x32: {  	s10 =	sld [smem:$0x3FB6];
	_ =	sdelay $0x3  }
0x33: {  	p0 =	seq.s32 s10, $0x1;
	s10 =	sld [smem:$0x3FB8];
	_ =	sdelay $0x3  }
0x34: {  	[smem:$0x3FB8] =	sst s10  }
0x35: {  	s10 =	sld [smem:$0x3FB7];
	_ =	sdelay $0x3  }
0x36: {  	p1 =	seq.s32 s10, $0x1;
	s10 =	sld [smem:$0x3FB8];
	_ =	sdelay $0x3  }
0x37: {  	[smem:$0x3FB8] =	sst s10  }
0x38: {  	s10 =	sld [smem:$0x3FB9]  }
0x39: {  	_ = 	snop;
	(pc) =	sbr.ind lr, $3  }
0x3a: {  	_ = 	snop  }
0x3b: {  	_ = 	snop  }
0x3c: {  	p2 =	seq.s32 s10, $0x1;
	s10 =	sld [smem:$0x3FB8]  }
0x3d: {  	_ =	shalt  }
0x3e: {  	_ =	shalt  }
0x3f: {  	_ =	shalt  }
0x40: {  	_ =	shalt  }
0x41: {  	_ =	shalt  }
0x42: {  	_ =	shalt  }
0x43: {  	_ =	shalt  }
0x44: {  	_ =	shalt  }
0x45: {  	_ =	shalt  }
0x46: {  	_ =	shalt  }
0x47: {  	_ =	shalt  }
0x48: {  	_ =	shalt  }
0x49: {  	_ =	shalt  }
0x4a: {  	_ =	shalt  }
0x4b: {  	_ =	shalt  }
0x4c: {  	_ =	shalt  }
0x4d: {  	_ =	shalt  }
0x4e: {  	_ =	shalt  }
0x4f: {  	_ =	shalt  }
0x50: {  	_ =	shalt  }
0x51: {  	_ =	shalt  }
0x52: {  	_ =	shalt  }
0x53: {  	_ =	shalt  }
0x54: {  	_ =	shalt  }
0x55: {  	_ =	shalt  }
0x56: {  	_ =	shalt  }
0x57: {  	_ =	shalt  }
0x58: {  	_ =	shalt  }
0x59: {  	_ =	shalt  }
0x5a: {  	_ =	shalt  }
0x5b: {  	_ =	shalt  }
0x5c: {  	_ =	shalt  }
0x5d: {  	_ =	shalt  }
0x5e: {  	_ =	shalt  }
0x5f: {  	_ =	shalt  }
0x60: {  	_ =	shalt  }
0x61: {  	_ =	shalt  }
0x62: {  	_ =	shalt  }
0x63: {  	_ =	shalt  }
0x64: {  	_ =	shalt  }
0x65: {  	_ =	shalt  }
0x66: {  	_ =	shalt  }
0x67: {  	_ =	shalt  }
0x68: {  	_ =	shalt  }
0x69: {  	_ =	shalt  }
0x6a: {  	_ =	shalt  }
0x6b: {  	_ =	shalt  }
0x6c: {  	_ =	shalt  }
0x6d: {  	_ =	shalt  }
0x6e: {  	_ =	shalt  }
0x6f: {  	_ =	shalt  }
0x70: {  	_ =	shalt  }
0x71: {  	_ =	shalt  }
0x72: {  	_ =	shalt  }
0x73: {  	_ =	shalt  }
0x74: {  	_ =	shalt  }
0x75: {  	_ =	shalt  }
0x76: {  	_ =	shalt  }
0x77: {  	_ =	shalt  }
0x78: {  	_ =	shalt  }
0x79: {  	_ =	shalt  }
0x7a: {  	_ =	shalt  }
0x7b: {  	_ =	shalt  }
0x7c: {  	_ =	shalt  }
0x7d: {  	_ =	shalt  }
0x7e: {  	_ =	shalt  }
0x7f: {  	_ =	shalt  }
0x80: {  	_ =	shalt  }
0x81: {  	_ =	shalt  }
0x82: {  	_ =	shalt  }
0x83: {  	_ =	shalt  }
0x84: {  	_ =	shalt  }
0x85: {  	_ =	shalt  }
0x86: {  	_ =	shalt  }
0x87: {  	_ =	shalt  }
.Lfunc_end0:
.L_simem_size_0:
called_computation_lowered:
.L_overlay_start_0:
0x88: {  	s2 =	sld [smem:$0x3FD9]  }
0x89: {  	s3 =	sld [smem:$0x3FFE];
	_ =	sdelay $0x1  }
0x8a: {  	s1 =	srdreg.scid  }
0x8b: {  	s0 =	sand.u32 $0x1, s1  }
0x8c: {  	s17 =	sshll.u32 s0, $0xA;
	s2 =	sadd.s32 s3, s2  }
0x8d: {  	s2 =	sadd.s32 s2, s17  }
0x8e: {  	[smem:$0x3FC4] =	sst s2  }
0x8f: {  	_ = 	snop  }
0x90: {  	s2 =	sld [smem:$0x3FC8]  }
0x91: {  	s18 =	sld [smem:$0x3FC7];
	(tm) =	ssettm $0x1  }
0x92: {  	s4 =	sld [smem:$0x3FFB];
	_ =	sdelay $0x3  }
0x93: {  	_ =	strace s4  }
0x94: {  	s4 =	sld [smem:$0x3FFC];
	_ =	sdelay $0x3  }
0x95: {  	_ =	strace s4  }
0x96: {  	s4 =	sld [smem:$0x3FFD];
	_ =	sdelay $0x3  }
0x97: {  	_ =	strace s4  }
0x98: {  	_ =	strace $0x8FFFFFFF  }
0x99: {  	s19 =	sld [smem:$0x3FDB];
	_ =	sdelay $0x1  }
0x9a: {  	s5 =	simm.s32 $_scs_section_size  }
0x9b: {  	s6 =	simm.s32 $_size__tile_overlayer_lowered;
	s7 =	simm.s32 $_tile_overlayer_lowered  }
0x9c: {  	s22 =	simm.s32 $0x1BFF;
	s21 =	sshll.u32 s7, $0x1;
	s4 =	sadd.s32 s5, s19  }
0x9d: {  	s8 =	simm.s32 $0x0;
	s20 =	sshll.u32 s6, $0x1;
	s6 =	sadd.s32 s21, s4  }
0x9e: {  	[timem:s8], [sflag:s22] =	dma.local [hbm:s6], s20  }
0x9f: {  	_ =	swait.ge [sflag:s22], s20  }
0xa0: {  	s5 =	ssub.s32 $0x0, s20;
	[sflag:s22] =	ssyncset.done $0x0  }
0xa1: {  	[sflag:s22] =	ssyncadd.s32 s5;
	_ =	sdelay $0x1  }
0xa2: {  	s23 =	simm.s32 $0x1B8B  }
0xa3: {  	_ =	swait.ge [sflag:s23], $0x1  }
0xa4: {  	[sflag:s23] =	ssyncset.done $0x0  }
0xa5: {  	s25 =	simm.s32 $0x1B8E;
	s24 =	sld [smem:$0x3FFE];
	[sflag:s23] =	ssyncadd.s32 $0xFFFFFFFF  }
0xa6: {  	s26 =	simm.s32 $execute0_lowered;
	[smem:$0x3FD2] =	sst s25  }
0xa7: {  	s6 =	sshll.u32 s26, $0x1;
	_ =	strace $0x80000046;
	[dreg:$0x1] =	wrdreg $0xFFFFFFFF  }
0xa8: {  	s28 =	simm.s32 $_size_execute0_lowered;
	s4 =	sadd.s32 s4, s6;
	[dreg:$0x0] =	wrdreg $0x0  }
0xa9: {  	s6 =	sshll.u32 s28, $0x1;
	[dreg:$0x2] =	wrdreg s4  }
0xaa: {  	[dreg:$0x3] =	wrdreg s6  }
0xab: {  	[dreg:$0x4] =	wrdreg $0xC0  }
0xac: {  	_ =	task [dreg:s8], $0x5FFFF  }
0xad: {  	[dreg:$0x1] =	wrdreg $0xFFFFFFFF  }
0xae: {  	[dreg:$0x0] =	wrdreg $0x60  }
0xaf: {  	[dreg:$0x2] =	wrdreg s2  }
0xb0: {  	[dreg:$0x3] =	wrdreg s24  }
0xb1: {  	[dreg:$0x4] =	wrdreg s18  }
0xb2: {  	[dreg:$0x5] =	wrdreg $0x9  }
0xb3: {  	_ =	task.clear_ibuf [dreg:s8], $0x6FFFF;
	_ =	strace $0x90000046  }
0xb4: {  	s29 =	simm.s32 $0x9;
	_ =	strace $0x80000048  }
0xb5: {  	_ =	swait.ge [sflag:s29], $0x1  }
0xb6: {  	[sflag:s29] =	ssyncadd.s32 $0xFFFFFFFF  }
0xb7: {  	_ =	strace $0x90000048  }
0xb8: {  	_ =	sfence  }
0xb9: {  	s30 =	sld [smem:$0x0];
	_ =	sdelay $0x2  }
0xba: {  	s31 =	sshll.u32 s1, $0xD;
	s1 =	sshrl.u32 s1, $0x2  }
0xbb: {  	s3 =	sand.u32 $0x4000, s31;
	s1 =	sadd.s32 s1, s30  }
0xbc: {  	s0 =	sor.u32 s3, s0;
	s1 =	sshll.u32 s1, $0x11  }
0xbd: {  	s0 =	sor.u32 s1, s0  }
0xbe: {  	s0 =	sadd.s32 $0x8F2B, s0  }
0xbf: {  	[sflag:s0] =	ssyncadd.remote.s32 $0x1  }
0xc0: {  	_ =	sfence.sel $0xFFFF  }
0xc1: {  	[dreg:$0x0] =	wrdreg $0xFFFFFFFF;
	(pc) =	sbr.abs _section_cstart, $3  }
0xc2: {  	[dreg:$0x1] =	wrdreg $0xFFFFFFFF  }
0xc3: {  	_ =	task.clear_ibuf [dreg:s8], $0x2FFFF;
	_ =	strace $0x9FFFFFFF  }
0xc4: {  	(tm) =	ssettm $0x7FFFFFFF  }
0xc5: {  	_ =	shalt  }
tec
execute0_lowered:
.L_overlay_start_1:
0x0: {  	(tag) =	ssettag $0x1  }
0x1: {  	s1 =	rddreg [dreg:$0x0]  }
0x2: {  	v0 =	vimm.s32 $0xFEDCBA98;
	s8 =	rddreg [dreg:$0x1]  }
0x3: {  	s2 =	rddreg [dreg:$0x2];
	v1 =	vimm.s32 $0x76543210;
	v2 =	vimm.s32 $0xBA98FEDC;
	v3 =	vimm.s32 $0x32107654  }
0x4: {  	s0 =	rddreg [dreg:$0x3];
	s3 =	simm.s32 $0x0;
	s6 =	srdreg.scid;
	v4 =	vimm.s32 $0xDCFE98BA;
	v5 =	vimm.s32 $0x54761032;
	v6 =	vimm.s32 $0xEFCDAB89  }
0x5: {  	v7 =	vimm.s32 $0x67452301;
	s14 =	simm.s32 $0x8000;
	s15 =	simm.s32 $0x8100;
	s16 =	simm.s32 $0x8300  }
0x6: {  	s17 =	simm.s32 $0x8380;
	s18 =	simm.s32 $0x80;
	s19 =	simm.s32 $0x400;
	v0 =	vunpack.c.l.s4.s8 v0;
	v1 =	vunpack.c.l.s4.s8 v1;
	v2 =	vunpack.c.l.s4.s8 v2  }
0x7: {  	s20 =	simm.s32 $0x8400;
	s21 =	simm.s32 $0x0;
	[smem:$0x7FF] =	sst s3;
	v3 =	vunpack.c.l.s4.s8 v3;
	v4 =	vunpack.c.l.s4.s8 v4;
	v5 =	vunpack.c.l.s4.s8 v5  }
0x8: {  	s4 =	sadd.s32 $0x1800, s8;
	s5 =	sadd.s32 $0xA800, s8;
	s9 =	sand.u32 $0x1, s6;
	v6 =	vunpack.c.l.s4.s8 v6;
	v7 =	vunpack.c.l.s4.s8 v7;
	v0 =	vunpack.c.0.s8.s32 v0  }
.Ltmp0:
0x9: {  	s7 =	sadd.s32 $0xB000, s8;
	s6 =	stileid.u32;
	v1 =	vunpack.c.0.s8.s32 v1;
	v2 =	vunpack.c.0.s8.s32 v2;
	v3 =	vunpack.c.0.s8.s32 v3;
	(pc) =	sbr.rel .LBB2_1-.Ltmp0, $4  }
0xa: {  	s8 =	sadd.s32 $0x2800, s8;
	_ =	strace $0x80000047;
	s10 =	ssub.s32 $0x2, s9;
	v4 =	vunpack.c.0.s8.s32 v4;
	v5 =	vunpack.c.0.s8.s32 v5;
	v0 =	vand.u32 $0xF, v0  }
0xb: {  	s12 =	sshll.u32 s6, $0x3;
	s9 =	sshll.u32 s9, $0x2;
	s11 =	sshrl.u32 s10, $0x1;
	v6 =	vunpack.c.0.s8.s32 v6;
	v7 =	vunpack.c.0.s8.s32 v7;
	v0 =	vcombine.low v0, v1  }
0xc: {  	s9 =	sor.u32 s9, s12;
	s13 =	ssub.s32 s10, s11;
	s10 =	sshll.u32 s6, $0xA;
	v1 =	vcombine.low v3, v2;
	v2 =	vcombine.low v5, v4  }
0xd: {  	s11 =	sshll.u32 s6, $0xE;
	s12 =	smax.u32 s13, $0x1;
	s13 =	simm.s32 $0x1;
	v3 =	vlaneseq.u32;
	v4 =	vcombine.low v7, v6;
	v5 =	vimm.f32 $0.0e+00  }
.LBB2_21:
0xe: {  	s21 =	sadd.s32 $0x1, s21  }
0xf: {  	p0 =	sne.s32 s21, s12  }
.Ltmp1:
0x10: {  	_ = 	snop;
	(pc) =	sbr.rel @!p0 .LBB2_22-.Ltmp1, $1  }
0x11: {  	_ =	sdelay $0x3  }
.LBB2_1:
0x12: {  	s22 =	simm.s32 $0x0  }
.LBB2_2:
0x13: {  	s23 =	sadd.s32 s9, s22  }
0x14: {  	s24 =	sshll.u32 s23, $0xC  }
0x15: {  	s24 =	sadd.s32 s1, s24  }
0x16: {  	[tilespmem:s3], [sflag:$0x1] =	stream.linear.gather [hbm4b:s24+s3], $0x8000, $0x38;
	[tilespmem:$0x8C00] =	vst v63  }
0x17: {  	_ =	swait.ge [sflag:s13], $0x8000  }
0x18: {  	s30 =	sshll.u32 s23, $0x5;
	[sflag:s13] =	ssyncset.done $0x0  }
0x19: {  	s25 =	sadd.s32 s4, s30;
	[sflag:s13] =	ssyncadd.s32 $0xFFFF8000  }
0x1a: {  	[tilespmem:s14], [sflag:$0x1] =	stream.linear.gather [hbm4b:s25+s3], $0x100, $0x38;
	[tilespmem:$0x8C00] =	vst v63  }
0x1b: {  	_ =	swait.ge [sflag:s13], $0x100  }
0x1c: {  	[sflag:s13] =	ssyncset.done $0x0  }
0x1d: {  	s24 =	sadd.s32 s2, s30;
	[sflag:s13] =	ssyncadd.s32 $0xFFFFFF00  }
0x1e: {  	[tilespmem:s15], [sflag:$0x1] =	stream.linear.gather [hbm4b:s24+s3], $0x100, $0x38;
	[tilespmem:$0x8C00] =	vst v63  }
0x1f: {  	_ =	swait.ge [sflag:s13], $0x100  }
0x20: {  	[sflag:s13] =	ssyncset.done $0x0  }
0x21: {  	[sflag:s13] =	ssyncadd.s32 $0xFFFFFF00  }
0x22: {  	v6 =	vld [tilespmem:$0x8100]  }
0x23: {  	v7 =	vld [tilespmem:$0x81F0];
	_ =	sdelay $0x3  }
0x24: {  	(v2sf) =	vpush v6, $0x0  }
0x25: {  	(v2sf) =	vpush v7, $0xF;
	_ =	sdelay $0xd  }
0x26: {  	s25 =	spop (v2sf)  }
0x27: {  	s31 =	spop (v2sf)  }
0x28: {  	s24 =	sadd.s32 $0x1, s31  }
0x29: {  	p0 =	sge.s32 s25, s24  }
.Ltmp2:
0x2a: {  	_ = 	snop;
	(pc) =	sbr.rel @p0 .LBB2_6-.Ltmp2, $2  }
0x2b: {  	_ =	sdelay $0x2  }
0x2c: {  	v8 =	vimm.f32 $-1.000000020e+30  }
0x2d: {  	v26 =	vld [tilespmem:$0x8000]  }
0x2e: {  	v8 =	vld [tilespmem:$0x8010]  }
0x2f: {  	v9 =	vld [tilespmem:$0x8110]  }
0x30: {  	v10 =	vld [tilespmem:$0x8020]  }
0x31: {  	v11 =	vld [tilespmem:$0x8120]  }
0x32: {  	v12 =	vld [tilespmem:$0x8030]  }
0x33: {  	v13 =	vld [tilespmem:$0x8130]  }
0x34: {  	v14 =	vld [tilespmem:$0x8040]  }
0x35: {  	v15 =	vld [tilespmem:$0x8140]  }
0x36: {  	v16 =	vld [tilespmem:$0x8050]  }
0x37: {  	v17 =	vld [tilespmem:$0x8150]  }
0x38: {  	v18 =	vld [tilespmem:$0x8060]  }
0x39: {  	v19 =	vld [tilespmem:$0x8160]  }
0x3a: {  	v20 =	vld [tilespmem:$0x8070]  }
0x3b: {  	v21 =	vld [tilespmem:$0x8170]  }
0x3c: {  	v22 =	vld [tilespmem:$0x8080]  }
0x3d: {  	v23 =	vld [tilespmem:$0x8180]  }
0x3e: {  	v24 =	vld [tilespmem:$0x8090]  }
0x3f: {  	v25 =	vld [tilespmem:$0x8190]  }
0x40: {  	v27 =	vld [tilespmem:$0x80A0];
	vm0 =	veq.s32 v6, s25;
	v26 =	vmax.f32 v26, $-1.000000020e+30;
	vm1 =	veq.s32 v9, s25  }
0x41: {  	v28 =	vld [tilespmem:$0x81A0];
	vm14 =	veq.s32 v11, s25;
	v30 =	vnsel vm0, $0xF149F2CA, v26;
	v31 =	vnsel vm1, $0xF149F2CA, v8  }
0x42: {  	v29 =	vld [tilespmem:$0x80B0];
	vm15 =	veq.s32 v13, s25;
	v32 =	vnsel vm14, $0xF149F2CA, v10;
	v31 =	vmax.f32 v30, v31  }
0x43: {  	vm4 =	veq.s32 v15, s25;
	v33 =	vnsel vm15, $0xF149F2CA, v12;
	v30 =	vld [tilespmem:$0x81B0];
	v32 =	vmax.f32 v31, v32  }
0x44: {  	vm5 =	veq.s32 v17, s25;
	v34 =	vnsel vm4, $0xF149F2CA, v14;
	v31 =	vld [tilespmem:$0x80C0];
	v33 =	vmax.f32 v32, v33  }
0x45: {  	vm6 =	veq.s32 v19, s25;
	v35 =	vnsel vm5, $0xF149F2CA, v16;
	v32 =	vld [tilespmem:$0x81C0];
	v34 =	vmax.f32 v33, v34  }
0x46: {  	vm7 =	veq.s32 v21, s25;
	v36 =	vnsel vm6, $0xF149F2CA, v18;
	v33 =	vld [tilespmem:$0x80D0];
	v35 =	vmax.f32 v34, v35  }
0x47: {  	vm8 =	veq.s32 v23, s25;
	v37 =	vnsel vm7, $0xF149F2CA, v20;
	v34 =	vld [tilespmem:$0x81D0];
	v36 =	vmax.f32 v35, v36  }
0x48: {  	vm9 =	veq.s32 v25, s25;
	v38 =	vnsel vm8, $0xF149F2CA, v22;
	v35 =	vld [tilespmem:$0x81E0];
	v37 =	vmax.f32 v36, v37  }
0x49: {  	vm10 =	veq.s32 v28, s25;
	v39 =	vnsel vm9, $0xF149F2CA, v24;
	v36 =	vld [tilespmem:$0x80E0];
	v38 =	vmax.f32 v37, v38  }
0x4a: {  	s26 =	sadd.s32 $0x1, s25;
	v59 =	vnsel vm10, $0xF149F2CA, v27;
	vm11 =	veq.s32 v30, s25;
	v37 =	vld [tilespmem:$0x80F0];
	v38 =	vmax.f32 v38, v39  }
0x4b: {  	p1 =	sne.s32 s24, s26;
	v60 =	vnsel vm11, $0xF149F2CA, v29;
	vm12 =	veq.s32 v32, s25;
	v38 =	vmax.f32 v38, v59  }
.Ltmp3:
0x4c: {  	v61 =	vnsel vm12, $0xF149F2CA, v31;
	vm13 =	veq.s32 v34, s25;
	v38 =	vmax.f32 v38, v60;
	(pc) =	sbr.rel @!p1 .LBB2_5-.Ltmp3, $4  }
0x4d: {  	v62 =	vnsel vm13, $0xF149F2CA, v33;
	vm14 =	veq.s32 v35, s25;
	v38 =	vmax.f32 v38, v61  }
0x4e: {  	vm15 =	veq.s32 v7, s25;
	v63 =	vnsel vm14, $0xF149F2CA, v36;
	v38 =	vmax.f32 v38, v62  }
0x4f: {  	v41 =	vnsel vm15, $0xF149F2CA, v37;
	v40 =	vmax.f32 v38, v63  }
0x50: {  	v39 =	vmov s25;
	v38 =	vimm.f32 $-1.000000020e+30;
	v40 =	vmax.f32 v40, v41  }
.LBB2_4:
0x51: {  	vm1 =	veq.s32 v25, s26;
	vm0 =	veq.s32 v28, s26;
	v41 =	vperm.xlane v40, v0;
	s28 =	smov.u32 s26  }
0x52: {  	vm4 =	veq.s32 v19, s26;
	vm3 =	veq.s32 v21, s26;
	vm2 =	veq.s32 v23, s26  }
0x53: {  	vm5 =	veq.s32 v13, s26;
	vm6 =	veq.s32 v15, s26;
	v40 =	vmax.f32 v40, v41  }
0x54: {  	s26 =	sadd.s32 $0x1, s26;
	vm7 =	veq.s32 v6, s28;
	vm8 =	veq.s32 v9, s28;
	v41 =	vperm.xlane v40, v1  }
0x55: {  	p1 =	sne.s32 s24, s26;
	v42 =	vnsel vm7, $0xF149F2CA, v26;
	v43 =	vnsel vm8, $0xF149F2CA, v8;
	vm7 =	veq.s32 v11, s28  }
0x56: {  	v42 =	vmax.f32 v42, v43;
	v43 =	vnsel vm7, $0xF149F2CA, v10;
	v40 =	vmax.f32 v40, v41  }
0x57: {  	v41 =	vmax.f32 v42, v43;
	v42 =	vnsel vm5, $0xF149F2CA, v12;
	v43 =	vperm.xlane v40, v2  }
0x58: {  	vm5 =	veq.s32 v17, s28;
	v41 =	vmax.f32 v41, v42;
	v42 =	vnsel vm6, $0xF149F2CA, v14  }
0x59: {  	v41 =	vmax.f32 v41, v42;
	v42 =	vnsel vm5, $0xF149F2CA, v16;
	v40 =	vmax.f32 v40, v43  }
0x5a: {  	v41 =	vmax.f32 v41, v42;
	v42 =	vnsel vm4, $0xF149F2CA, v18;
	v43 =	vperm.xlane v40, v4  }
0x5b: {  	v41 =	vmax.f32 v41, v42;
	v42 =	vnsel vm3, $0xF149F2CA, v20;
	vm3 =	veq.s32 v39, v3  }
0x5c: {  	v39 =	vmax.f32 v41, v42;
	v41 =	vnsel vm2, $0xF149F2CA, v22;
	v40 =	vmax.f32 v40, v43  }
0x5d: {  	v39 =	vmax.f32 v39, v41;
	v41 =	vnsel vm1, $0xF149F2CA, v24;
	v38 =	vsel vm3, v40, v38  }
0x5e: {  	v39 =	vmax.f32 v39, v41;
	v40 =	vnsel vm0, $0xF149F2CA, v27;
	vm0 =	veq.s32 v30, s28  }
0x5f: {  	v39 =	vmax.f32 v39, v40;
	v40 =	vnsel vm0, $0xF149F2CA, v29;
	vm0 =	veq.s32 v32, s28  }
.Ltmp4:
0x60: {  	v39 =	vmax.f32 v39, v40;
	v40 =	vnsel vm0, $0xF149F2CA, v31;
	vm0 =	veq.s32 v34, s28;
	(pc) =	sbr.rel @p1 .LBB2_4-.Ltmp4, $4  }
0x61: {  	v39 =	vmax.f32 v39, v40;
	v40 =	vnsel vm0, $0xF149F2CA, v33;
	vm0 =	veq.s32 v35, s28  }
0x62: {  	v39 =	vmax.f32 v39, v40;
	v40 =	vnsel vm0, $0xF149F2CA, v36;
	vm0 =	veq.s32 v7, s28  }
0x63: {  	v40 =	vmax.f32 v39, v40;
	v41 =	vnsel vm0, $0xF149F2CA, v37  }
0x64: {  	v39 =	vmov s28;
	v40 =	vmax.f32 v40, v41  }
.LBB2_5:
0x65: {  	v6 =	vperm.xlane v40, v0;
	_ =	sdelay $0x1  }
0x66: {  	v6 =	vmax.f32 v40, v6  }
0x67: {  	v7 =	vperm.xlane v6, v1;
	_ =	sdelay $0x1  }
0x68: {  	v6 =	vmax.f32 v6, v7  }
0x69: {  	v7 =	vperm.xlane v6, v2;
	_ =	sdelay $0x1  }
0x6a: {  	v6 =	vmax.f32 v6, v7  }
0x6b: {  	v7 =	vperm.xlane v6, v4;
	_ =	sdelay $0x1  }
0x6c: {  	vm0 =	veq.s32 v39, v3;
	v6 =	vmax.f32 v6, v7  }
0x6d: {  	v8 =	vsel vm0, v6, v38  }
.LBB2_6:
0x6e: {  	[tilespmem:$0x8300] =	vst v8;
	s26 =	simm.s32 $0x0  }
0x6f: {  	v6 =	vld [tilespmem:s26+$0x8100];
	_ =	sdelay $0x6  }
0x70: {  	v7 =	vld [tilespmem:s26+$0x8000]  }
0x71: {  	v6 =	vld.idx.msk [tilespmem:v6+s16+$0x0], $0xffff;
	_ =	sdelay $0x4  }
0x72: {  	v6 =	vsub.f32 v7, v6;
	_ =	sdelay $0x1  }
0x73: {  	v6 =	vmul.f32 $1.442695020e+00, v6;
	_ =	sdelay $0x1  }
0x74: {  	(erf) = vpow2.f32 v6;
	_ =	sdelay $0x1  }
0x75: {  	s29 =	simm.s32 $0x10;
	s28 =	simm.s32 $0x80  }
.LBB2_7:
0x76: {  	p1 =	seq.s32 s28, $0x3C0;
	v6 =	vld [tilespmem:s29+$0x8100];
	_ =	sdelay $0x5  }
0x77: {  	v7 =	vpop (erf)  }
0x78: {  	[tilespmem:s26+$0x8200] =	vst v7;
	s26 =	smov.u32 s29  }
0x79: {  	v6 =	vld.idx.msk [tilespmem:v6+s16+$0x0], $0xffff  }
0x7a: {  	v7 =	vld [tilespmem:s26+$0x8000];
	_ =	sdelay $0x4  }
0x7b: {  	v6 =	vsub.f32 v7, v6;
	_ =	sdelay $0x1  }
.Ltmp5:
0x7c: {  	v6 =	vmul.f32 $1.442695020e+00, v6;
	(pc) =	sbr.rel @!p1 .LBB2_7-.Ltmp5, $3  }
0x7d: {  	_ = 	snop  }
0x7e: {  	(erf) = vpow2.f32 v6;
	_ =	sdelay $0x1  }
0x7f: {  	s29 =	sshra.s32 s28, $0x2;
	s28 =	sadd.s32 $0x40, s28  }
0x80: {  	v6 =	vld [tilespmem:s29+$0x8100];
	_ =	sdelay $0x5  }
0x81: {  	v7 =	vpop (erf)  }
0x82: {  	[tilespmem:s26+$0x8200] =	vst v7  }
0x83: {  	v6 =	vld.idx.msk [tilespmem:v6+s16+$0x0], $0xffff  }
0x84: {  	v7 =	vld [tilespmem:s29+$0x8000];
	_ =	sdelay $0x4  }
0x85: {  	v6 =	vsub.f32 v7, v6;
	_ =	sdelay $0x1  }
0x86: {  	v6 =	vmul.f32 $1.442695020e+00, v6;
	_ =	sdelay $0x1  }
0x87: {  	(erf) = vpow2.f32 v6;
	_ =	sdelay $0x5  }
.Ltmp6:
0x88: {  	_ = 	snop;
	(pc) =	sbr.rel @p0 .LBB2_16-.Ltmp6, $3  }
0x89: {  	_ =	sdelay $0x1  }
0x8a: {  	v6 =	vpop (erf)  }
0x8b: {  	[tilespmem:s29+$0x8200] =	vst v6;
	v6 =	vimm.f32 $0.0e+00  }
0x8c: {  	v6 =	vld [tilespmem:$0x8200]  }
0x8d: {  	v7 =	vld [tilespmem:$0x8100]  }
0x8e: {  	v8 =	vld [tilespmem:$0x8210]  }
0x8f: {  	v9 =	vld [tilespmem:$0x8110]  }
0x90: {  	v10 =	vld [tilespmem:$0x8220]  }
0x91: {  	v11 =	vld [tilespmem:$0x8120]  }
0x92: {  	v18 =	vld [tilespmem:$0x8230]  }
0x93: {  	v19 =	vld [tilespmem:$0x8130]  }
0x94: {  	v20 =	vld [tilespmem:$0x8240]  }
0x95: {  	v21 =	vld [tilespmem:$0x8140]  }
0x96: {  	v22 =	vld [tilespmem:$0x8250]  }
0x97: {  	v23 =	vld [tilespmem:$0x8150]  }
0x98: {  	v24 =	vld [tilespmem:$0x8260]  }
0x99: {  	v25 =	vld [tilespmem:$0x8160]  }
0x9a: {  	v26 =	vld [tilespmem:$0x8270];
	v37 =	vadd.f32 $0.0e+00, v6  }
0x9b: {  	v27 =	vld [tilespmem:$0x8170];
	vm0 =	veq.s32 v7, s25;
	vm1 =	veq.s32 v9, s25  }
0x9c: {  	v28 =	vld [tilespmem:$0x8280];
	v40 =	vnsel vm1, $0x0, v8;
	v39 =	vnsel vm0, $0x0, v37  }
0x9d: {  	v29 =	vld [tilespmem:$0x8180];
	vm0 =	veq.s32 v11, s25;
	v39 =	vadd.f32 v40, v39  }
0x9e: {  	v30 =	vld [tilespmem:$0x8290];
	v57 =	vnsel vm0, $0x0, v10  }
0x9f: {  	v31 =	vld [tilespmem:$0x8190];
	vm0 =	veq.s32 v19, s25;
	v39 =	vadd.f32 v57, v39  }
0xa0: {  	v12 =	vld [tilespmem:$0x82A0];
	v58 =	vnsel vm0, $0x0, v18  }
0xa1: {  	v32 =	vld [tilespmem:$0x81A0];
	vm0 =	veq.s32 v21, s25;
	v39 =	vadd.f32 v58, v39  }
0xa2: {  	v33 =	vld [tilespmem:$0x81B0];
	v59 =	vnsel vm0, $0x0, v20  }
0xa3: {  	v34 =	vld [tilespmem:$0x81C0];
	vm0 =	veq.s32 v23, s25;
	v39 =	vadd.f32 v59, v39  }
0xa4: {  	v36 =	vld [tilespmem:$0x81E0];
	v60 =	vnsel vm0, $0x0, v22  }
0xa5: {  	v35 =	vld [tilespmem:$0x81D0];
	s26 =	sadd.s32 $0x1, s25;
	vm0 =	veq.s32 v25, s25;
	v39 =	vadd.f32 v60, v39  }
0xa6: {  	v38 =	vld [tilespmem:$0x81F0];
	p1 =	sne.s32 s24, s26;
	v6 =	vimm.f32 $0.0e+00;
	v61 =	vnsel vm0, $0x0, v24  }
.Ltmp7:
0xa7: {  	v13 =	vld [tilespmem:$0x82B0];
	vm2 =	veq.s32 v29, s25;
	vm0 =	veq.s32 v27, s25;
	v39 =	vadd.f32 v61, v39;
	(pc) =	sbr.rel @!p1 .LBB2_10-.Ltmp7, $4  }
0xa8: {  	v14 =	vld [tilespmem:$0x82C0];
	vm3 =	veq.s32 v34, s25;
	vm4 =	veq.s32 v31, s25;
	v62 =	vnsel vm0, $0x0, v26  }
0xa9: {  	v15 =	vld [tilespmem:$0x82D0];
	vm5 =	veq.s32 v32, s25;
	vm1 =	veq.s32 v36, s25;
	v39 =	vadd.f32 v62, v39  }
0xaa: {  	v16 =	vld [tilespmem:$0x82E0];
	v63 =	vnsel vm2, $0x0, v28;
	vm2 =	veq.s32 v35, s25;
	v44 =	vnsel vm4, $0x0, v30  }
0xab: {  	v17 =	vld [tilespmem:$0x82F0];
	p0 =	por $0x0, $0x0;
	vm4 =	veq.s32 v33, s25;
	vm0 =	veq.s32 v38, s25;
	v43 =	vadd.f32 v63, v39  }
0xac: {  	_ = 	snop  }
0xad: {  	v39 =	vadd.f32 v44, v43  }
0xae: {  	v40 =	vnsel vm5, $0x0, v12  }
0xaf: {  	vm5 =	veq.s32 v7, s26;
	vm6 =	veq.s32 v9, s26;
	v39 =	vadd.f32 v40, v39  }
0xb0: {  	v42 =	vnsel vm4, $0x0, v13;
	v50 =	vnsel vm5, $0x0, v37;
	v41 =	vnsel vm6, $0x0, v8  }
0xb1: {  	vm4 =	veq.s32 v11, s26;
	v40 =	vadd.f32 v41, v50;
	v39 =	vadd.f32 v42, v39  }
0xb2: {  	v51 =	vnsel vm4, $0x0, v10;
	v52 =	vnsel vm3, $0x0, v14  }
0xb3: {  	vm3 =	veq.s32 v19, s26;
	v40 =	vadd.f32 v51, v40;
	v39 =	vadd.f32 v52, v39  }
0xb4: {  	v53 =	vnsel vm3, $0x0, v18;
	v54 =	vnsel vm2, $0x0, v15  }
0xb5: {  	vm2 =	veq.s32 v21, s26;
	v40 =	vadd.f32 v53, v40;
	v39 =	vadd.f32 v54, v39  }
0xb6: {  	v55 =	vnsel vm2, $0x0, v20;
	v56 =	vnsel vm1, $0x0, v16  }
0xb7: {  	vm1 =	veq.s32 v23, s26;
	v40 =	vadd.f32 v55, v40;
	v39 =	vadd.f32 v56, v39  }
0xb8: {  	v57 =	vnsel vm1, $0x0, v22;
	v58 =	vnsel vm0, $0x0, v17  }
0xb9: {  	vm0 =	veq.s32 v25, s26;
	v40 =	vadd.f32 v57, v40;
	v59 =	vadd.f32 v58, v39  }
0xba: {  	vm4 =	veq.s32 v31, s26;
	v60 =	vnsel vm0, $0x0, v24;
	v39 =	vmov s25;
	s25 =	sadd.s32 $0x1, s26  }
0xbb: {  	vm0 =	veq.s32 v27, s26;
	v40 =	vadd.f32 v60, v40;
	p1 =	sne.s32 s24, s25;
	v61 =	vperm.xlane v59, v0  }
.Ltmp8:
0xbc: {  	vm5 =	veq.s32 v32, s26;
	vm3 =	veq.s32 v34, s26;
	v62 =	vnsel vm0, $0x0, v26;
	(pc) =	sbr.rel @!p1 .LBB2_12-.Ltmp8, $4  }
0xbd: {  	vm2 =	veq.s32 v29, s26;
	v40 =	vadd.f32 v62, v40;
	v41 =	vadd.f32 v61, v59  }
0xbe: {  	v44 =	vnsel vm4, $0x0, v30;
	vm4 =	veq.s32 v33, s26;
	v63 =	vnsel vm2, $0x0, v28  }
0xbf: {  	vm1 =	veq.s32 v36, s26;
	v43 =	vadd.f32 v63, v40;
	v42 =	vperm.xlane v41, v1  }
0xc0: {  	p0 =	por $0x1, $0x1;
	vm2 =	veq.s32 v35, s26;
	vm0 =	veq.s32 v38, s26;
	v40 =	vimm.f32 $0.0e+00  }
.LBB2_13:
0xc1: {  	vm6 =	veq.s32 v7, s25;
	v43 =	vadd.f32 v44, v43;
	v41 =	vadd.f32 v42, v41;
	s28 =	smov.u32 s25  }
0xc2: {  	v44 =	vnsel vm5, $0x0, v12;
	v42 =	vnsel vm6, $0x0, v37;
	vm6 =	veq.s32 v9, s25  }
0xc3: {  	s25 =	sadd.s32 $0x1, s25;
	v45 =	vnsel vm6, $0x0, v8;
	v43 =	vadd.f32 v44, v43;
	v44 =	vperm.xlane v41, v2  }
0xc4: {  	vm5 =	veq.s32 v11, s28;
	p1 =	sne.s32 s24, s25;
	v42 =	vadd.f32 v45, v42;
	v45 =	vnsel vm4, $0x0, v13  }
0xc5: {  	v46 =	vnsel vm5, $0x0, v10;
	v43 =	vadd.f32 v45, v43;
	v41 =	vadd.f32 v44, v41  }
0xc6: {  	vm4 =	veq.s32 v19, s28;
	v44 =	vnsel vm3, $0x0, v14;
	v42 =	vadd.f32 v46, v42  }
0xc7: {  	v45 =	vnsel vm4, $0x0, v18;
	v43 =	vadd.f32 v44, v43;
	v44 =	vperm.xlane v41, v4  }
0xc8: {  	vm3 =	veq.s32 v23, s28;
	v42 =	vadd.f32 v45, v42;
	v45 =	vnsel vm2, $0x0, v15  }
0xc9: {  	vm2 =	veq.s32 v21, s28;
	v43 =	vadd.f32 v45, v43;
	v41 =	vadd.f32 v44, v41  }
0xca: {  	v44 =	vnsel vm2, $0x0, v20;
	v45 =	vnsel vm1, $0x0, v16;
	vm1 =	veq.s32 v39, v3  }
0xcb: {  	v39 =	vadd.f32 v44, v42;
	v42 =	vadd.f32 v45, v43;
	v40 =	vsel vm1, v41, v40  }
0xcc: {  	v41 =	vnsel vm3, $0x0, v22;
	v43 =	vnsel vm0, $0x0, v17  }
0xcd: {  	vm0 =	veq.s32 v25, s28;
	v41 =	vadd.f32 v41, v39;
	v42 =	vadd.f32 v43, v42  }
0xce: {  	v39 =	vmov s26;
	s26 =	smov.u32 s28;
	v43 =	vnsel vm0, $0x0, v24  }
0xcf: {  	vm0 =	veq.s32 v27, s26;
	v41 =	vadd.f32 v43, v41;
	v43 =	vperm.xlane v42, v0  }
.Ltmp9:
0xd0: {  	vm1 =	veq.s32 v36, s26;
	v44 =	vnsel vm0, $0x0, v26;
	vm0 =	veq.s32 v38, s26;
	(pc) =	sbr.rel @p1 .LBB2_13-.Ltmp9, $4  }
0xd1: {  	vm2 =	veq.s32 v29, s26;
	v44 =	vadd.f32 v44, v41;
	v41 =	vadd.f32 v43, v42  }
0xd2: {  	vm3 =	veq.s32 v34, s26;
	v42 =	vnsel vm2, $0x0, v28;
	vm2 =	veq.s32 v35, s26  }
0xd3: {  	vm4 =	veq.s32 v31, s26;
	v43 =	vadd.f32 v42, v44;
	v42 =	vperm.xlane v41, v1  }
0xd4: {  	vm5 =	veq.s32 v32, s26;
	v44 =	vnsel vm4, $0x0, v30;
	vm4 =	veq.s32 v33, s26  }
0xd5: {  	s25 =	smov.u32 s26  }
.LBB2_15:
0xd6: {  	v7 =	vadd.f32 v44, v43  }
0xd7: {  	v8 =	vnsel vm5, $0x0, v12  }
0xd8: {  	v7 =	vadd.f32 v8, v7  }
0xd9: {  	v8 =	vnsel vm4, $0x0, v13  }
0xda: {  	v7 =	vadd.f32 v8, v7  }
0xdb: {  	v8 =	vnsel vm3, $0x0, v14  }
0xdc: {  	v7 =	vadd.f32 v8, v7  }
0xdd: {  	v8 =	vnsel vm2, $0x0, v15  }
0xde: {  	v7 =	vadd.f32 v8, v7  }
0xdf: {  	v8 =	vnsel vm1, $0x0, v16  }
0xe0: {  	v7 =	vadd.f32 v8, v7  }
0xe1: {  	v8 =	vnsel vm0, $0x0, v17  }
0xe2: {  	v7 =	vadd.f32 v8, v7;
	_ =	sdelay $0x1  }
0xe3: {  	v8 =	vperm.xlane v7, v0;
	_ =	sdelay $0x1  }
0xe4: {  	v7 =	vadd.f32 v8, v7;
	_ =	sdelay $0x1  }
0xe5: {  	v8 =	vadd.f32 @p0 v42, v41;
	v9 =	vperm.xlane v7, v1;
	_ =	sdelay $0x1  }
0xe6: {  	v10 =	vperm.xlane @p0 v8, v2;
	v7 =	vadd.f32 v9, v7;
	_ =	sdelay $0x1  }
0xe7: {  	v8 =	vadd.f32 @p0 v10, v8;
	v9 =	vperm.xlane v7, v2;
	_ =	sdelay $0x1  }
0xe8: {  	v10 =	vperm.xlane @p0 v8, v4;
	v7 =	vadd.f32 v9, v7;
	_ =	sdelay $0x1  }
0xe9: {  	v8 =	vadd.f32 @p0 v10, v8;
	v9 =	vperm.xlane v7, v4  }
0xea: {  	vm0 =	veq.s32 @p0 v39, v3  }
0xeb: {  	v63 =	vmov s25;
	v8 =	vsel @p0 vm0, v8, v40;
	v7 =	vadd.f32 v9, v7  }
0xec: {  	vm15 =	veq.s32 v63, v3;
	v6 =	vpsel p0, v8, v6  }
0xed: {  	v6 =	vsel vm15, v7, v6  }
.LBB2_16:
0xee: {  	[tilespmem:$0x8380] =	vst v6;
	s24 =	simm.s32 $0x0;
	s25 =	simm.s32 $0x0  }
.LBB2_17:
0xef: {  	p0 =	sne.s32 s25, $0x1FC0  }
.Ltmp10:
0xf0: {  	_ = 	snop;
	(pc) =	sbr.rel @p0 .LBB2_17-.Ltmp10, $3  }
0xf1: {  	_ =	sdelay $0x1  }
0xf2: {  	s26 =	sshra.s32 s25, $0x2  }
0xf3: {  	s25 =	sadd.s32 $0x40, s25;
	[tilespmem:s26+$0x8400] =	vst v5  }
0xf4: {  	s25 =	simm.s32 $0x400  }
.LBB2_19:
0xf5: {  	s26 =	sshra.s32 s24, $0x2  }
0xf6: {  	v6 =	vld [tilespmem:s26+$0x8100];
	_ =	sdelay $0x4  }
0xf7: {  	v6 =	vshll.u32 v6, $0x9  }
0xf8: {  	v7 =	vshra.s32 v6, $0x2  }
0xf9: {  	(v2sf) =	vpush v7, $0x0;
	_ =	sdelay $0xb  }
0xfa: {  	v6 =	vld [tilespmem:s26+$0x8200];
	_ =	sdelay $0x1  }
0xfb: {  	v8 =	vld [tilespmem:s25+$0xFFFFFC00]  }
0xfc: {  	s28 =	spop (v2sf)  }
0xfd: {  	v9 =	vld [tilespmem:s28+$0x8400]  }
0xfe: {  	v10 =	vbroadcast v6, $0x0;
	_ =	sdelay $0x1  }
0xff: {  	v8 =	vmul.f32 v8, v10;
	_ =	sdelay $0x1  }
0x100: {  	v8 =	vadd.f32 v8, v9;
	_ =	sdelay $0x1  }
0x101: {  	[tilespmem:s28+$0x8400] =	vst v8  }
0x102: {  	v8 =	vld [tilespmem:s25+$0xFFFFFC10];
	_ =	sdelay $0x1  }
0x103: {  	v27 =	vld [tilespmem:s28+$0x8410];
	_ =	sdelay $0x2  }
0x104: {  	v8 =	vmul.f32 v8, v10;
	_ =	sdelay $0x1  }
0x105: {  	v8 =	vadd.f32 v8, v27;
	_ =	sdelay $0x1  }
0x106: {  	[tilespmem:s28+$0x8410] =	vst v8  }
0x107: {  	v8 =	vld [tilespmem:s25+$0xFFFFFC20];
	_ =	sdelay $0x1  }
0x108: {  	v28 =	vld [tilespmem:s28+$0x8420];
	_ =	sdelay $0x2  }
0x109: {  	v8 =	vmul.f32 v8, v10;
	_ =	sdelay $0x1  }
0x10a: {  	v8 =	vadd.f32 v8, v28;
	_ =	sdelay $0x1  }
0x10b: {  	[tilespmem:s28+$0x8420] =	vst v8  }
0x10c: {  	v8 =	vld [tilespmem:s25+$0xFFFFFC30];
	_ =	sdelay $0x1  }
0x10d: {  	v29 =	vld [tilespmem:s28+$0x8430];
	_ =	sdelay $0x2  }
0x10e: {  	v8 =	vmul.f32 v8, v10;
	_ =	sdelay $0x1  }
0x10f: {  	v8 =	vadd.f32 v8, v29;
	_ =	sdelay $0x1  }
0x110: {  	[tilespmem:s28+$0x8430] =	vst v8  }
0x111: {  	v8 =	vld [tilespmem:s25+$0xFFFFFC40];
	_ =	sdelay $0x1  }
0x112: {  	v30 =	vld [tilespmem:s28+$0x8440];
	_ =	sdelay $0x2  }
0x113: {  	v8 =	vmul.f32 v8, v10;
	_ =	sdelay $0x1  }
0x114: {  	v8 =	vadd.f32 v8, v30;
	_ =	sdelay $0x1  }
0x115: {  	[tilespmem:s28+$0x8440] =	vst v8  }
0x116: {  	v8 =	vld [tilespmem:s25+$0xFFFFFC50];
	_ =	sdelay $0x1  }
0x117: {  	v31 =	vld [tilespmem:s28+$0x8450];
	_ =	sdelay $0x2  }
0x118: {  	v8 =	vmul.f32 v8, v10;
	_ =	sdelay $0x1  }
0x119: {  	v8 =	vadd.f32 v8, v31;
	_ =	sdelay $0x1  }
0x11a: {  	[tilespmem:s28+$0x8450] =	vst v8  }
0x11b: {  	v8 =	vld [tilespmem:s25+$0xFFFFFC60];
	_ =	sdelay $0x1  }
0x11c: {  	v32 =	vld [tilespmem:s28+$0x8460];
	_ =	sdelay $0x2  }
0x11d: {  	v8 =	vmul.f32 v8, v10  }
0x11e: {  	(v2sf) =	vpush v7, $0x1  }
0x11f: {  	v8 =	vadd.f32 v8, v32;
	_ =	sdelay $0x1  }
0x120: {  	[tilespmem:s28+$0x8460] =	vst v8  }
0x121: {  	v8 =	vld [tilespmem:s25+$0xFFFFFC70];
	_ =	sdelay $0x1  }
0x122: {  	v33 =	vld [tilespmem:s28+$0x8470];
	_ =	sdelay $0x2  }
0x123: {  	v8 =	vmul.f32 v8, v10;
	_ =	sdelay $0x1  }
0x124: {  	v8 =	vadd.f32 v8, v33;
	_ =	sdelay $0x1  }
0x125: {  	[tilespmem:s28+$0x8470] =	vst v8  }
0x126: {  	v8 =	vld [tilespmem:s25+$0xFFFFFC80]  }
0x127: {  	s29 =	spop (v2sf)  }
0x128: {  	v34 =	vld [tilespmem:s29+$0x8400]  }
0x129: {  	v35 =	vbroadcast v6, $0x1;
	_ =	sdelay $0x1  }
0x12a: {  	v8 =	vmul.f32 v8, v35;
	_ =	sdelay $0x1  }
0x12b: {  	v8 =	vadd.f32 v8, v34;
	_ =	sdelay $0x1  }
0x12c: {  	[tilespmem:s29+$0x8400] =	vst v8  }
0x12d: {  	v8 =	vld [tilespmem:s25+$0xFFFFFC90];
	_ =	sdelay $0x1  }
0x12e: {  	v36 =	vld [tilespmem:s29+$0x8410];
	_ =	sdelay $0x2  }
0x12f: {  	v8 =	vmul.f32 v8, v35;
	_ =	sdelay $0x1  }
0x130: {  	v8 =	vadd.f32 v8, v36;
	_ =	sdelay $0x1  }
0x131: {  	[tilespmem:s29+$0x8410] =	vst v8  }
0x132: {  	v8 =	vld [tilespmem:s25+$0xFFFFFCA0];
	_ =	sdelay $0x1  }
0x133: {  	v37 =	vld [tilespmem:s29+$0x8420];
	_ =	sdelay $0x2  }
0x134: {  	v8 =	vmul.f32 v8, v35;
	_ =	sdelay $0x1  }
0x135: {  	v8 =	vadd.f32 v8, v37;
	_ =	sdelay $0x1  }
0x136: {  	[tilespmem:s29+$0x8420] =	vst v8  }
0x137: {  	v8 =	vld [tilespmem:s25+$0xFFFFFCB0];
	_ =	sdelay $0x1  }
0x138: {  	v38 =	vld [tilespmem:s29+$0x8430];
	_ =	sdelay $0x2  }
0x139: {  	v8 =	vmul.f32 v8, v35;
	_ =	sdelay $0x1  }
0x13a: {  	v8 =	vadd.f32 v8, v38;
	_ =	sdelay $0x1  }
0x13b: {  	[tilespmem:s29+$0x8430] =	vst v8  }
0x13c: {  	v8 =	vld [tilespmem:s25+$0xFFFFFCC0];
	_ =	sdelay $0x1  }
0x13d: {  	v39 =	vld [tilespmem:s29+$0x8440];
	_ =	sdelay $0x2  }
0x13e: {  	v8 =	vmul.f32 v8, v35;
	_ =	sdelay $0x1  }
0x13f: {  	v8 =	vadd.f32 v8, v39;
	_ =	sdelay $0x1  }
0x140: {  	[tilespmem:s29+$0x8440] =	vst v8  }
0x141: {  	v8 =	vld [tilespmem:s25+$0xFFFFFCD0];
	_ =	sdelay $0x1  }
0x142: {  	v40 =	vld [tilespmem:s29+$0x8450];
	_ =	sdelay $0x2  }
0x143: {  	v8 =	vmul.f32 v8, v35;
	_ =	sdelay $0x1  }
0x144: {  	v8 =	vadd.f32 v8, v40;
	_ =	sdelay $0x1  }
0x145: {  	[tilespmem:s29+$0x8450] =	vst v8  }
0x146: {  	v8 =	vld [tilespmem:s25+$0xFFFFFCE0];
	_ =	sdelay $0x1  }
0x147: {  	v41 =	vld [tilespmem:s29+$0x8460];
	_ =	sdelay $0x2  }
0x148: {  	v8 =	vmul.f32 v8, v35  }
0x149: {  	(v2sf) =	vpush v7, $0x2  }
0x14a: {  	v8 =	vadd.f32 v8, v41;
	_ =	sdelay $0x1  }
0x14b: {  	[tilespmem:s29+$0x8460] =	vst v8  }
0x14c: {  	v8 =	vld [tilespmem:s25+$0xFFFFFCF0];
	_ =	sdelay $0x1  }
0x14d: {  	v42 =	vld [tilespmem:s29+$0x8470];
	_ =	sdelay $0x2  }
0x14e: {  	v8 =	vmul.f32 v8, v35;
	_ =	sdelay $0x1  }
0x14f: {  	v8 =	vadd.f32 v8, v42;
	_ =	sdelay $0x1  }
0x150: {  	[tilespmem:s29+$0x8470] =	vst v8  }
0x151: {  	v8 =	vld [tilespmem:s25+$0xFFFFFD00]  }
0x152: {  	s30 =	spop (v2sf)  }
0x153: {  	v43 =	vld [tilespmem:s30+$0x8400]  }
0x154: {  	v44 =	vbroadcast v6, $0x2;
	_ =	sdelay $0x1  }
0x155: {  	v8 =	vmul.f32 v8, v44;
	_ =	sdelay $0x1  }
0x156: {  	v8 =	vadd.f32 v8, v43;
	_ =	sdelay $0x1  }
0x157: {  	[tilespmem:s30+$0x8400] =	vst v8  }
0x158: {  	v8 =	vld [tilespmem:s25+$0xFFFFFD10];
	_ =	sdelay $0x1  }
0x159: {  	v45 =	vld [tilespmem:s30+$0x8410];
	_ =	sdelay $0x2  }
0x15a: {  	v8 =	vmul.f32 v8, v44;
	_ =	sdelay $0x1  }
0x15b: {  	v8 =	vadd.f32 v8, v45;
	_ =	sdelay $0x1  }
0x15c: {  	[tilespmem:s30+$0x8410] =	vst v8  }
0x15d: {  	v8 =	vld [tilespmem:s25+$0xFFFFFD20];
	_ =	sdelay $0x1  }
0x15e: {  	v46 =	vld [tilespmem:s30+$0x8420];
	_ =	sdelay $0x2  }
0x15f: {  	v8 =	vmul.f32 v8, v44;
	_ =	sdelay $0x1  }
0x160: {  	v8 =	vadd.f32 v8, v46;
	_ =	sdelay $0x1  }
0x161: {  	[tilespmem:s30+$0x8420] =	vst v8  }
0x162: {  	v8 =	vld [tilespmem:s25+$0xFFFFFD30];
	_ =	sdelay $0x1  }
0x163: {  	v47 =	vld [tilespmem:s30+$0x8430];
	_ =	sdelay $0x2  }
0x164: {  	v8 =	vmul.f32 v8, v44;
	_ =	sdelay $0x1  }
0x165: {  	v8 =	vadd.f32 v8, v47;
	_ =	sdelay $0x1  }
0x166: {  	[tilespmem:s30+$0x8430] =	vst v8  }
0x167: {  	v8 =	vld [tilespmem:s25+$0xFFFFFD40];
	_ =	sdelay $0x1  }
0x168: {  	v48 =	vld [tilespmem:s30+$0x8440];
	_ =	sdelay $0x2  }
0x169: {  	v8 =	vmul.f32 v8, v44;
	_ =	sdelay $0x1  }
0x16a: {  	v8 =	vadd.f32 v8, v48;
	_ =	sdelay $0x1  }
0x16b: {  	[tilespmem:s30+$0x8440] =	vst v8  }
0x16c: {  	v8 =	vld [tilespmem:s25+$0xFFFFFD50];
	_ =	sdelay $0x1  }
0x16d: {  	v49 =	vld [tilespmem:s30+$0x8450];
	_ =	sdelay $0x2  }
0x16e: {  	v8 =	vmul.f32 v8, v44;
	_ =	sdelay $0x1  }
0x16f: {  	v8 =	vadd.f32 v8, v49;
	_ =	sdelay $0x1  }
0x170: {  	[tilespmem:s30+$0x8450] =	vst v8  }
0x171: {  	v8 =	vld [tilespmem:s25+$0xFFFFFD60];
	_ =	sdelay $0x1  }
0x172: {  	v50 =	vld [tilespmem:s30+$0x8460];
	_ =	sdelay $0x2  }
0x173: {  	v8 =	vmul.f32 v8, v44  }
0x174: {  	(v2sf) =	vpush v7, $0x3  }
0x175: {  	v8 =	vadd.f32 v8, v50;
	_ =	sdelay $0x1  }
0x176: {  	[tilespmem:s30+$0x8460] =	vst v8  }
0x177: {  	v8 =	vld [tilespmem:s25+$0xFFFFFD70];
	_ =	sdelay $0x1  }
0x178: {  	v51 =	vld [tilespmem:s30+$0x8470];
	_ =	sdelay $0x2  }
0x179: {  	v8 =	vmul.f32 v8, v44;
	_ =	sdelay $0x1  }
0x17a: {  	v8 =	vadd.f32 v8, v51;
	_ =	sdelay $0x1  }
0x17b: {  	[tilespmem:s30+$0x8470] =	vst v8  }
0x17c: {  	v8 =	vld [tilespmem:s25+$0xFFFFFD80]  }
0x17d: {  	s31 =	spop (v2sf)  }
0x17e: {  	v52 =	vld [tilespmem:s31+$0x8400]  }
0x17f: {  	v53 =	vbroadcast v6, $0x3;
	_ =	sdelay $0x1  }
0x180: {  	v8 =	vmul.f32 v8, v53;
	_ =	sdelay $0x1  }
0x181: {  	v8 =	vadd.f32 v8, v52;
	_ =	sdelay $0x1  }
0x182: {  	[tilespmem:s31+$0x8400] =	vst v8  }
0x183: {  	v8 =	vld [tilespmem:s25+$0xFFFFFD90];
	_ =	sdelay $0x1  }
0x184: {  	v54 =	vld [tilespmem:s31+$0x8410];
	_ =	sdelay $0x2  }
0x185: {  	v8 =	vmul.f32 v8, v53;
	_ =	sdelay $0x1  }
0x186: {  	v8 =	vadd.f32 v8, v54;
	_ =	sdelay $0x1  }
0x187: {  	[tilespmem:s31+$0x8410] =	vst v8  }
0x188: {  	v8 =	vld [tilespmem:s25+$0xFFFFFDA0];
	_ =	sdelay $0x1  }
0x189: {  	v55 =	vld [tilespmem:s31+$0x8420];
	_ =	sdelay $0x2  }
0x18a: {  	v8 =	vmul.f32 v8, v53;
	_ =	sdelay $0x1  }
0x18b: {  	v8 =	vadd.f32 v8, v55;
	_ =	sdelay $0x1  }
0x18c: {  	[tilespmem:s31+$0x8420] =	vst v8  }
0x18d: {  	v8 =	vld [tilespmem:s25+$0xFFFFFDB0];
	_ =	sdelay $0x1  }
0x18e: {  	v56 =	vld [tilespmem:s31+$0x8430];
	_ =	sdelay $0x2  }
0x18f: {  	v8 =	vmul.f32 v8, v53;
	_ =	sdelay $0x1  }
0x190: {  	v8 =	vadd.f32 v8, v56;
	_ =	sdelay $0x1  }
0x191: {  	[tilespmem:s31+$0x8430] =	vst v8  }
0x192: {  	v8 =	vld [tilespmem:s25+$0xFFFFFDC0];
	_ =	sdelay $0x1  }
0x193: {  	v57 =	vld [tilespmem:s31+$0x8440];
	_ =	sdelay $0x2  }
0x194: {  	v8 =	vmul.f32 v8, v53;
	_ =	sdelay $0x1  }
0x195: {  	v8 =	vadd.f32 v8, v57;
	_ =	sdelay $0x1  }
0x196: {  	[tilespmem:s31+$0x8440] =	vst v8  }
0x197: {  	v8 =	vld [tilespmem:s25+$0xFFFFFDD0];
	_ =	sdelay $0x1  }
0x198: {  	v58 =	vld [tilespmem:s31+$0x8450];
	_ =	sdelay $0x2  }
0x199: {  	v8 =	vmul.f32 v8, v53;
	_ =	sdelay $0x1  }
0x19a: {  	v8 =	vadd.f32 v8, v58;
	_ =	sdelay $0x1  }
0x19b: {  	[tilespmem:s31+$0x8450] =	vst v8  }
0x19c: {  	v8 =	vld [tilespmem:s25+$0xFFFFFDE0];
	_ =	sdelay $0x1  }
0x19d: {  	v59 =	vld [tilespmem:s31+$0x8460];
	_ =	sdelay $0x2  }
0x19e: {  	v8 =	vmul.f32 v8, v53  }
0x19f: {  	(v2sf) =	vpush v7, $0x4  }
0x1a0: {  	v8 =	vadd.f32 v8, v59;
	_ =	sdelay $0x1  }
0x1a1: {  	[tilespmem:s31+$0x8460] =	vst v8  }
0x1a2: {  	v8 =	vld [tilespmem:s25+$0xFFFFFDF0];
	_ =	sdelay $0x1  }
0x1a3: {  	v60 =	vld [tilespmem:s31+$0x8470];
	_ =	sdelay $0x2  }
0x1a4: {  	v8 =	vmul.f32 v8, v53;
	_ =	sdelay $0x1  }
0x1a5: {  	v8 =	vadd.f32 v8, v60;
	_ =	sdelay $0x1  }
0x1a6: {  	[tilespmem:s31+$0x8470] =	vst v8  }
0x1a7: {  	v8 =	vld [tilespmem:s25+$0xFFFFFE00]  }
0x1a8: {  	s28 =	spop (v2sf)  }
0x1a9: {  	v61 =	vld [tilespmem:s28+$0x8400]  }
0x1aa: {  	v62 =	vbroadcast v6, $0x4;
	_ =	sdelay $0x1  }
0x1ab: {  	v8 =	vmul.f32 v8, v62;
	_ =	sdelay $0x1  }
0x1ac: {  	v8 =	vadd.f32 v8, v61;
	_ =	sdelay $0x1  }
0x1ad: {  	[tilespmem:s28+$0x8400] =	vst v8  }
0x1ae: {  	v8 =	vld [tilespmem:s25+$0xFFFFFE10];
	_ =	sdelay $0x1  }
0x1af: {  	v63 =	vld [tilespmem:s28+$0x8410];
	_ =	sdelay $0x2  }
0x1b0: {  	v8 =	vmul.f32 v8, v62;
	_ =	sdelay $0x1  }
0x1b1: {  	v8 =	vadd.f32 v8, v63;
	_ =	sdelay $0x1  }
0x1b2: {  	[tilespmem:s28+$0x8410] =	vst v8  }
0x1b3: {  	v8 =	vld [tilespmem:s25+$0xFFFFFE20];
	_ =	sdelay $0x1  }
0x1b4: {  	v12 =	vld [tilespmem:s28+$0x8420];
	_ =	sdelay $0x2  }
0x1b5: {  	v8 =	vmul.f32 v8, v62;
	_ =	sdelay $0x1  }
0x1b6: {  	v8 =	vadd.f32 v8, v12;
	_ =	sdelay $0x1  }
0x1b7: {  	[tilespmem:s28+$0x8420] =	vst v8  }
0x1b8: {  	v8 =	vld [tilespmem:s25+$0xFFFFFE30];
	_ =	sdelay $0x1  }
0x1b9: {  	v13 =	vld [tilespmem:s28+$0x8430];
	_ =	sdelay $0x2  }
0x1ba: {  	v8 =	vmul.f32 v8, v62;
	_ =	sdelay $0x1  }
0x1bb: {  	v8 =	vadd.f32 v8, v13;
	_ =	sdelay $0x1  }
0x1bc: {  	[tilespmem:s28+$0x8430] =	vst v8  }
0x1bd: {  	v8 =	vld [tilespmem:s25+$0xFFFFFE40];
	_ =	sdelay $0x1  }
0x1be: {  	v14 =	vld [tilespmem:s28+$0x8440];
	_ =	sdelay $0x2  }
0x1bf: {  	v8 =	vmul.f32 v8, v62;
	_ =	sdelay $0x1  }
0x1c0: {  	v8 =	vadd.f32 v8, v14;
	_ =	sdelay $0x1  }
0x1c1: {  	[tilespmem:s28+$0x8440] =	vst v8  }
0x1c2: {  	v8 =	vld [tilespmem:s25+$0xFFFFFE50];
	_ =	sdelay $0x1  }
0x1c3: {  	v15 =	vld [tilespmem:s28+$0x8450];
	_ =	sdelay $0x2  }
0x1c4: {  	v8 =	vmul.f32 v8, v62;
	_ =	sdelay $0x1  }
0x1c5: {  	v8 =	vadd.f32 v8, v15;
	_ =	sdelay $0x1  }
0x1c6: {  	[tilespmem:s28+$0x8450] =	vst v8  }
0x1c7: {  	v8 =	vld [tilespmem:s25+$0xFFFFFE60];
	_ =	sdelay $0x1  }
0x1c8: {  	v16 =	vld [tilespmem:s28+$0x8460];
	_ =	sdelay $0x2  }
0x1c9: {  	v8 =	vmul.f32 v8, v62  }
0x1ca: {  	(v2sf) =	vpush v7, $0x5  }
0x1cb: {  	v8 =	vadd.f32 v8, v16;
	_ =	sdelay $0x1  }
0x1cc: {  	[tilespmem:s28+$0x8460] =	vst v8  }
0x1cd: {  	v8 =	vld [tilespmem:s25+$0xFFFFFE70];
	_ =	sdelay $0x1  }
0x1ce: {  	v17 =	vld [tilespmem:s28+$0x8470];
	_ =	sdelay $0x2  }
0x1cf: {  	v8 =	vmul.f32 v8, v62;
	_ =	sdelay $0x1  }
0x1d0: {  	v8 =	vadd.f32 v8, v17;
	_ =	sdelay $0x1  }
0x1d1: {  	[tilespmem:s28+$0x8470] =	vst v8  }
0x1d2: {  	v8 =	vld [tilespmem:s25+$0xFFFFFE80]  }
0x1d3: {  	s29 =	spop (v2sf)  }
0x1d4: {  	v18 =	vld [tilespmem:s29+$0x8400]  }
0x1d5: {  	v19 =	vbroadcast v6, $0x5;
	_ =	sdelay $0x1  }
0x1d6: {  	v8 =	vmul.f32 v8, v19;
	_ =	sdelay $0x1  }
0x1d7: {  	v8 =	vadd.f32 v8, v18;
	_ =	sdelay $0x1  }
0x1d8: {  	[tilespmem:s29+$0x8400] =	vst v8  }
0x1d9: {  	v8 =	vld [tilespmem:s25+$0xFFFFFE90];
	_ =	sdelay $0x1  }
0x1da: {  	v20 =	vld [tilespmem:s29+$0x8410];
	_ =	sdelay $0x2  }
0x1db: {  	v8 =	vmul.f32 v8, v19;
	_ =	sdelay $0x1  }
0x1dc: {  	v8 =	vadd.f32 v8, v20;
	_ =	sdelay $0x1  }
0x1dd: {  	[tilespmem:s29+$0x8410] =	vst v8  }
0x1de: {  	v8 =	vld [tilespmem:s25+$0xFFFFFEA0];
	_ =	sdelay $0x1  }
0x1df: {  	v21 =	vld [tilespmem:s29+$0x8420];
	_ =	sdelay $0x2  }
0x1e0: {  	v8 =	vmul.f32 v8, v19;
	_ =	sdelay $0x1  }
0x1e1: {  	v8 =	vadd.f32 v8, v21;
	_ =	sdelay $0x1  }
0x1e2: {  	[tilespmem:s29+$0x8420] =	vst v8  }
0x1e3: {  	v8 =	vld [tilespmem:s25+$0xFFFFFEB0];
	_ =	sdelay $0x1  }
0x1e4: {  	v22 =	vld [tilespmem:s29+$0x8430];
	_ =	sdelay $0x2  }
0x1e5: {  	v8 =	vmul.f32 v8, v19;
	_ =	sdelay $0x1  }
0x1e6: {  	v8 =	vadd.f32 v8, v22;
	_ =	sdelay $0x1  }
0x1e7: {  	[tilespmem:s29+$0x8430] =	vst v8  }
0x1e8: {  	v8 =	vld [tilespmem:s25+$0xFFFFFEC0];
	_ =	sdelay $0x1  }
0x1e9: {  	v23 =	vld [tilespmem:s29+$0x8440];
	_ =	sdelay $0x2  }
0x1ea: {  	v8 =	vmul.f32 v8, v19;
	_ =	sdelay $0x1  }
0x1eb: {  	v8 =	vadd.f32 v8, v23;
	_ =	sdelay $0x1  }
0x1ec: {  	[tilespmem:s29+$0x8440] =	vst v8  }
0x1ed: {  	v8 =	vld [tilespmem:s25+$0xFFFFFED0];
	_ =	sdelay $0x1  }
0x1ee: {  	v24 =	vld [tilespmem:s29+$0x8450];
	_ =	sdelay $0x2  }
0x1ef: {  	v8 =	vmul.f32 v8, v19;
	_ =	sdelay $0x1  }
0x1f0: {  	v8 =	vadd.f32 v8, v24;
	_ =	sdelay $0x1  }
0x1f1: {  	[tilespmem:s29+$0x8450] =	vst v8  }
0x1f2: {  	v8 =	vld [tilespmem:s25+$0xFFFFFEE0];
	_ =	sdelay $0x1  }
0x1f3: {  	v25 =	vld [tilespmem:s29+$0x8460];
	_ =	sdelay $0x2  }
0x1f4: {  	v8 =	vmul.f32 v8, v19  }
0x1f5: {  	(v2sf) =	vpush v7, $0x6  }
0x1f6: {  	v8 =	vadd.f32 v8, v25;
	_ =	sdelay $0x1  }
0x1f7: {  	[tilespmem:s29+$0x8460] =	vst v8  }
0x1f8: {  	v8 =	vld [tilespmem:s25+$0xFFFFFEF0];
	_ =	sdelay $0x1  }
0x1f9: {  	v26 =	vld [tilespmem:s29+$0x8470];
	_ =	sdelay $0x2  }
0x1fa: {  	v8 =	vmul.f32 v8, v19;
	_ =	sdelay $0x1  }
0x1fb: {  	v8 =	vadd.f32 v8, v26;
	_ =	sdelay $0x1  }
0x1fc: {  	[tilespmem:s29+$0x8470] =	vst v8  }
0x1fd: {  	v8 =	vld [tilespmem:s25+$0xFFFFFF00]  }
0x1fe: {  	s30 =	spop (v2sf)  }
0x1ff: {  	v27 =	vld [tilespmem:s30+$0x8400]  }
0x200: {  	v28 =	vbroadcast v6, $0x6;
	_ =	sdelay $0x1  }
0x201: {  	v8 =	vmul.f32 v8, v28;
	_ =	sdelay $0x1  }
0x202: {  	v8 =	vadd.f32 v8, v27;
	_ =	sdelay $0x1  }
0x203: {  	[tilespmem:s30+$0x8400] =	vst v8  }
0x204: {  	v8 =	vld [tilespmem:s25+$0xFFFFFF10];
	_ =	sdelay $0x1  }
0x205: {  	v29 =	vld [tilespmem:s30+$0x8410];
	_ =	sdelay $0x2  }
0x206: {  	v8 =	vmul.f32 v8, v28;
	_ =	sdelay $0x1  }
0x207: {  	v8 =	vadd.f32 v8, v29;
	_ =	sdelay $0x1  }
0x208: {  	[tilespmem:s30+$0x8410] =	vst v8  }
0x209: {  	v8 =	vld [tilespmem:s25+$0xFFFFFF20];
	_ =	sdelay $0x1  }
0x20a: {  	v30 =	vld [tilespmem:s30+$0x8420];
	_ =	sdelay $0x2  }
0x20b: {  	v8 =	vmul.f32 v8, v28;
	_ =	sdelay $0x1  }
0x20c: {  	v8 =	vadd.f32 v8, v30;
	_ =	sdelay $0x1  }
0x20d: {  	[tilespmem:s30+$0x8420] =	vst v8  }
0x20e: {  	v8 =	vld [tilespmem:s25+$0xFFFFFF30];
	_ =	sdelay $0x1  }
0x20f: {  	v31 =	vld [tilespmem:s30+$0x8430];
	_ =	sdelay $0x2  }
0x210: {  	v8 =	vmul.f32 v8, v28;
	_ =	sdelay $0x1  }
0x211: {  	v8 =	vadd.f32 v8, v31;
	_ =	sdelay $0x1  }
0x212: {  	[tilespmem:s30+$0x8430] =	vst v8  }
0x213: {  	v8 =	vld [tilespmem:s25+$0xFFFFFF40];
	_ =	sdelay $0x1  }
0x214: {  	v32 =	vld [tilespmem:s30+$0x8440];
	_ =	sdelay $0x2  }
0x215: {  	v8 =	vmul.f32 v8, v28;
	_ =	sdelay $0x1  }
0x216: {  	v8 =	vadd.f32 v8, v32;
	_ =	sdelay $0x1  }
0x217: {  	[tilespmem:s30+$0x8440] =	vst v8  }
0x218: {  	v8 =	vld [tilespmem:s25+$0xFFFFFF50];
	_ =	sdelay $0x1  }
0x219: {  	v33 =	vld [tilespmem:s30+$0x8450];
	_ =	sdelay $0x2  }
0x21a: {  	v8 =	vmul.f32 v8, v28;
	_ =	sdelay $0x1  }
0x21b: {  	v8 =	vadd.f32 v8, v33;
	_ =	sdelay $0x1  }
0x21c: {  	[tilespmem:s30+$0x8450] =	vst v8  }
0x21d: {  	v8 =	vld [tilespmem:s25+$0xFFFFFF60];
	_ =	sdelay $0x1  }
0x21e: {  	v34 =	vld [tilespmem:s30+$0x8460];
	_ =	sdelay $0x2  }
0x21f: {  	v8 =	vmul.f32 v8, v28  }
0x220: {  	(v2sf) =	vpush v7, $0x7  }
0x221: {  	v8 =	vadd.f32 v8, v34;
	_ =	sdelay $0x1  }
0x222: {  	[tilespmem:s30+$0x8460] =	vst v8  }
0x223: {  	v8 =	vld [tilespmem:s25+$0xFFFFFF70];
	_ =	sdelay $0x1  }
0x224: {  	v35 =	vld [tilespmem:s30+$0x8470];
	_ =	sdelay $0x2  }
0x225: {  	v8 =	vmul.f32 v8, v28;
	_ =	sdelay $0x1  }
0x226: {  	v8 =	vadd.f32 v8, v35;
	_ =	sdelay $0x1  }
0x227: {  	[tilespmem:s30+$0x8470] =	vst v8  }
0x228: {  	v8 =	vld [tilespmem:s25+$0xFFFFFF80]  }
0x229: {  	s31 =	spop (v2sf)  }
0x22a: {  	v36 =	vld [tilespmem:s31+$0x8400]  }
0x22b: {  	v37 =	vbroadcast v6, $0x7;
	_ =	sdelay $0x1  }
0x22c: {  	v8 =	vmul.f32 v8, v37;
	_ =	sdelay $0x1  }
0x22d: {  	v8 =	vadd.f32 v8, v36;
	_ =	sdelay $0x1  }
0x22e: {  	[tilespmem:s31+$0x8400] =	vst v8  }
0x22f: {  	v8 =	vld [tilespmem:s25+$0xFFFFFF90];
	_ =	sdelay $0x1  }
0x230: {  	v38 =	vld [tilespmem:s31+$0x8410];
	_ =	sdelay $0x2  }
0x231: {  	v8 =	vmul.f32 v8, v37;
	_ =	sdelay $0x1  }
0x232: {  	v8 =	vadd.f32 v8, v38;
	_ =	sdelay $0x1  }
0x233: {  	[tilespmem:s31+$0x8410] =	vst v8  }
0x234: {  	v8 =	vld [tilespmem:s25+$0xFFFFFFA0];
	_ =	sdelay $0x1  }
0x235: {  	v39 =	vld [tilespmem:s31+$0x8420];
	_ =	sdelay $0x2  }
0x236: {  	v8 =	vmul.f32 v8, v37;
	_ =	sdelay $0x1  }
0x237: {  	v8 =	vadd.f32 v8, v39;
	_ =	sdelay $0x1  }
0x238: {  	[tilespmem:s31+$0x8420] =	vst v8  }
0x239: {  	v8 =	vld [tilespmem:s25+$0xFFFFFFB0];
	_ =	sdelay $0x1  }
0x23a: {  	v40 =	vld [tilespmem:s31+$0x8430];
	_ =	sdelay $0x2  }
0x23b: {  	v8 =	vmul.f32 v8, v37;
	_ =	sdelay $0x1  }
0x23c: {  	v8 =	vadd.f32 v8, v40;
	_ =	sdelay $0x1  }
0x23d: {  	[tilespmem:s31+$0x8430] =	vst v8  }
0x23e: {  	v8 =	vld [tilespmem:s25+$0xFFFFFFC0];
	_ =	sdelay $0x1  }
0x23f: {  	v41 =	vld [tilespmem:s31+$0x8440];
	_ =	sdelay $0x2  }
0x240: {  	v8 =	vmul.f32 v8, v37;
	_ =	sdelay $0x1  }
0x241: {  	v8 =	vadd.f32 v8, v41;
	_ =	sdelay $0x1  }
0x242: {  	[tilespmem:s31+$0x8440] =	vst v8  }
0x243: {  	v8 =	vld [tilespmem:s25+$0xFFFFFFD0];
	_ =	sdelay $0x1  }
0x244: {  	v42 =	vld [tilespmem:s31+$0x8450];
	_ =	sdelay $0x2  }
0x245: {  	v8 =	vmul.f32 v8, v37;
	_ =	sdelay $0x1  }
0x246: {  	v8 =	vadd.f32 v8, v42;
	_ =	sdelay $0x1  }
0x247: {  	[tilespmem:s31+$0x8450] =	vst v8  }
0x248: {  	v8 =	vld [tilespmem:s25+$0xFFFFFFE0];
	_ =	sdelay $0x1  }
0x249: {  	v43 =	vld [tilespmem:s31+$0x8460];
	_ =	sdelay $0x2  }
0x24a: {  	v8 =	vmul.f32 v8, v37  }
0x24b: {  	(v2sf) =	vpush v7, $0x8  }
0x24c: {  	v8 =	vadd.f32 v8, v43;
	_ =	sdelay $0x1  }
0x24d: {  	[tilespmem:s31+$0x8460] =	vst v8  }
0x24e: {  	v8 =	vld [tilespmem:s25+$0xFFFFFFF0];
	_ =	sdelay $0x1  }
0x24f: {  	v44 =	vld [tilespmem:s31+$0x8470];
	_ =	sdelay $0x2  }
0x250: {  	v8 =	vmul.f32 v8, v37;
	_ =	sdelay $0x1  }
0x251: {  	v8 =	vadd.f32 v8, v44;
	_ =	sdelay $0x1  }
0x252: {  	[tilespmem:s31+$0x8470] =	vst v8  }
0x253: {  	v8 =	vld [tilespmem:s25+$0x0]  }
0x254: {  	s28 =	spop (v2sf)  }
0x255: {  	v45 =	vld [tilespmem:s28+$0x8400]  }
0x256: {  	v46 =	vbroadcast v6, $0x8;
	_ =	sdelay $0x1  }
0x257: {  	v8 =	vmul.f32 v8, v46;
	_ =	sdelay $0x1  }
0x258: {  	v8 =	vadd.f32 v8, v45;
	_ =	sdelay $0x1  }
0x259: {  	[tilespmem:s28+$0x8400] =	vst v8  }
0x25a: {  	v8 =	vld [tilespmem:s25+$0x10];
	_ =	sdelay $0x1  }
0x25b: {  	v47 =	vld [tilespmem:s28+$0x8410];
	_ =	sdelay $0x2  }
0x25c: {  	v8 =	vmul.f32 v8, v46;
	_ =	sdelay $0x1  }
0x25d: {  	v8 =	vadd.f32 v8, v47;
	_ =	sdelay $0x1  }
0x25e: {  	[tilespmem:s28+$0x8410] =	vst v8  }
0x25f: {  	v8 =	vld [tilespmem:s25+$0x20];
	_ =	sdelay $0x1  }
0x260: {  	v48 =	vld [tilespmem:s28+$0x8420];
	_ =	sdelay $0x2  }
0x261: {  	v8 =	vmul.f32 v8, v46;
	_ =	sdelay $0x1  }
0x262: {  	v8 =	vadd.f32 v8, v48;
	_ =	sdelay $0x1  }
0x263: {  	[tilespmem:s28+$0x8420] =	vst v8  }
0x264: {  	v8 =	vld [tilespmem:s25+$0x30];
	_ =	sdelay $0x1  }
0x265: {  	v49 =	vld [tilespmem:s28+$0x8430];
	_ =	sdelay $0x2  }
0x266: {  	v8 =	vmul.f32 v8, v46;
	_ =	sdelay $0x1  }
0x267: {  	v8 =	vadd.f32 v8, v49;
	_ =	sdelay $0x1  }
0x268: {  	[tilespmem:s28+$0x8430] =	vst v8  }
0x269: {  	v8 =	vld [tilespmem:s25+$0x40];
	_ =	sdelay $0x1  }
0x26a: {  	v50 =	vld [tilespmem:s28+$0x8440];
	_ =	sdelay $0x2  }
0x26b: {  	v8 =	vmul.f32 v8, v46;
	_ =	sdelay $0x1  }
0x26c: {  	v8 =	vadd.f32 v8, v50;
	_ =	sdelay $0x1  }
0x26d: {  	[tilespmem:s28+$0x8440] =	vst v8  }
0x26e: {  	v8 =	vld [tilespmem:s25+$0x50];
	_ =	sdelay $0x1  }
0x26f: {  	v51 =	vld [tilespmem:s28+$0x8450];
	_ =	sdelay $0x2  }
0x270: {  	v8 =	vmul.f32 v8, v46;
	_ =	sdelay $0x1  }
0x271: {  	v8 =	vadd.f32 v8, v51;
	_ =	sdelay $0x1  }
0x272: {  	[tilespmem:s28+$0x8450] =	vst v8  }
0x273: {  	v8 =	vld [tilespmem:s25+$0x60];
	_ =	sdelay $0x1  }
0x274: {  	v52 =	vld [tilespmem:s28+$0x8460];
	_ =	sdelay $0x2  }
0x275: {  	v8 =	vmul.f32 v8, v46  }
0x276: {  	(v2sf) =	vpush v7, $0x9  }
0x277: {  	v8 =	vadd.f32 v8, v52;
	_ =	sdelay $0x1  }
0x278: {  	[tilespmem:s28+$0x8460] =	vst v8  }
0x279: {  	v8 =	vld [tilespmem:s25+$0x70];
	_ =	sdelay $0x1  }
0x27a: {  	v53 =	vld [tilespmem:s28+$0x8470];
	_ =	sdelay $0x2  }
0x27b: {  	v8 =	vmul.f32 v8, v46;
	_ =	sdelay $0x1  }
0x27c: {  	v8 =	vadd.f32 v8, v53;
	_ =	sdelay $0x1  }
0x27d: {  	[tilespmem:s28+$0x8470] =	vst v8  }
0x27e: {  	v8 =	vld [tilespmem:s25+$0x80]  }
0x27f: {  	s29 =	spop (v2sf)  }
0x280: {  	v54 =	vld [tilespmem:s29+$0x8400]  }
0x281: {  	v55 =	vbroadcast v6, $0x9;
	_ =	sdelay $0x1  }
0x282: {  	v8 =	vmul.f32 v8, v55;
	_ =	sdelay $0x1  }
0x283: {  	v8 =	vadd.f32 v8, v54;
	_ =	sdelay $0x1  }
0x284: {  	[tilespmem:s29+$0x8400] =	vst v8  }
0x285: {  	v8 =	vld [tilespmem:s25+$0x90];
	_ =	sdelay $0x1  }
0x286: {  	v56 =	vld [tilespmem:s29+$0x8410];
	_ =	sdelay $0x2  }
0x287: {  	v8 =	vmul.f32 v8, v55;
	_ =	sdelay $0x1  }
0x288: {  	v8 =	vadd.f32 v8, v56;
	_ =	sdelay $0x1  }
0x289: {  	[tilespmem:s29+$0x8410] =	vst v8  }
0x28a: {  	v8 =	vld [tilespmem:s25+$0xA0];
	_ =	sdelay $0x1  }
0x28b: {  	v57 =	vld [tilespmem:s29+$0x8420];
	_ =	sdelay $0x2  }
0x28c: {  	v8 =	vmul.f32 v8, v55;
	_ =	sdelay $0x1  }
0x28d: {  	v8 =	vadd.f32 v8, v57;
	_ =	sdelay $0x1  }
0x28e: {  	[tilespmem:s29+$0x8420] =	vst v8  }
0x28f: {  	v8 =	vld [tilespmem:s25+$0xB0];
	_ =	sdelay $0x1  }
0x290: {  	v58 =	vld [tilespmem:s29+$0x8430];
	_ =	sdelay $0x2  }
0x291: {  	v8 =	vmul.f32 v8, v55;
	_ =	sdelay $0x1  }
0x292: {  	v8 =	vadd.f32 v8, v58;
	_ =	sdelay $0x1  }
0x293: {  	[tilespmem:s29+$0x8430] =	vst v8  }
0x294: {  	v8 =	vld [tilespmem:s25+$0xC0];
	_ =	sdelay $0x1  }
0x295: {  	v59 =	vld [tilespmem:s29+$0x8440];
	_ =	sdelay $0x2  }
0x296: {  	v8 =	vmul.f32 v8, v55;
	_ =	sdelay $0x1  }
0x297: {  	v8 =	vadd.f32 v8, v59;
	_ =	sdelay $0x1  }
0x298: {  	[tilespmem:s29+$0x8440] =	vst v8  }
0x299: {  	v8 =	vld [tilespmem:s25+$0xD0];
	_ =	sdelay $0x1  }
0x29a: {  	v60 =	vld [tilespmem:s29+$0x8450];
	_ =	sdelay $0x2  }
0x29b: {  	v8 =	vmul.f32 v8, v55;
	_ =	sdelay $0x1  }
0x29c: {  	v8 =	vadd.f32 v8, v60;
	_ =	sdelay $0x1  }
0x29d: {  	[tilespmem:s29+$0x8450] =	vst v8  }
0x29e: {  	v8 =	vld [tilespmem:s25+$0xE0];
	_ =	sdelay $0x1  }
0x29f: {  	v61 =	vld [tilespmem:s29+$0x8460];
	_ =	sdelay $0x2  }
0x2a0: {  	v8 =	vmul.f32 v8, v55  }
0x2a1: {  	(v2sf) =	vpush v7, $0xA  }
0x2a2: {  	v8 =	vadd.f32 v8, v61;
	_ =	sdelay $0x1  }
0x2a3: {  	[tilespmem:s29+$0x8460] =	vst v8  }
0x2a4: {  	v8 =	vld [tilespmem:s25+$0xF0];
	_ =	sdelay $0x1  }
0x2a5: {  	v62 =	vld [tilespmem:s29+$0x8470];
	_ =	sdelay $0x2  }
0x2a6: {  	v8 =	vmul.f32 v8, v55;
	_ =	sdelay $0x1  }
0x2a7: {  	v8 =	vadd.f32 v8, v62;
	_ =	sdelay $0x1  }
0x2a8: {  	[tilespmem:s29+$0x8470] =	vst v8  }
0x2a9: {  	v8 =	vld [tilespmem:s25+$0x100]  }
0x2aa: {  	s30 =	spop (v2sf)  }
0x2ab: {  	v63 =	vld [tilespmem:s30+$0x8400]  }
0x2ac: {  	v12 =	vbroadcast v6, $0xA;
	_ =	sdelay $0x1  }
0x2ad: {  	v8 =	vmul.f32 v8, v12;
	_ =	sdelay $0x1  }
0x2ae: {  	v8 =	vadd.f32 v8, v63;
	_ =	sdelay $0x1  }
0x2af: {  	[tilespmem:s30+$0x8400] =	vst v8  }
0x2b0: {  	v8 =	vld [tilespmem:s25+$0x110];
	_ =	sdelay $0x1  }
0x2b1: {  	v13 =	vld [tilespmem:s30+$0x8410];
	_ =	sdelay $0x2  }
0x2b2: {  	v8 =	vmul.f32 v8, v12;
	_ =	sdelay $0x1  }
0x2b3: {  	v8 =	vadd.f32 v8, v13;
	_ =	sdelay $0x1  }
0x2b4: {  	[tilespmem:s30+$0x8410] =	vst v8  }
0x2b5: {  	v8 =	vld [tilespmem:s25+$0x120];
	_ =	sdelay $0x1  }
0x2b6: {  	v14 =	vld [tilespmem:s30+$0x8420];
	_ =	sdelay $0x2  }
0x2b7: {  	v8 =	vmul.f32 v8, v12;
	_ =	sdelay $0x1  }
0x2b8: {  	v8 =	vadd.f32 v8, v14;
	_ =	sdelay $0x1  }
0x2b9: {  	[tilespmem:s30+$0x8420] =	vst v8  }
0x2ba: {  	v8 =	vld [tilespmem:s25+$0x130];
	_ =	sdelay $0x1  }
0x2bb: {  	v15 =	vld [tilespmem:s30+$0x8430];
	_ =	sdelay $0x2  }
0x2bc: {  	v8 =	vmul.f32 v8, v12;
	_ =	sdelay $0x1  }
0x2bd: {  	v8 =	vadd.f32 v8, v15;
	_ =	sdelay $0x1  }
0x2be: {  	[tilespmem:s30+$0x8430] =	vst v8  }
0x2bf: {  	v8 =	vld [tilespmem:s25+$0x140];
	_ =	sdelay $0x1  }
0x2c0: {  	v16 =	vld [tilespmem:s30+$0x8440];
	_ =	sdelay $0x2  }
0x2c1: {  	v8 =	vmul.f32 v8, v12;
	_ =	sdelay $0x1  }
0x2c2: {  	v8 =	vadd.f32 v8, v16;
	_ =	sdelay $0x1  }
0x2c3: {  	[tilespmem:s30+$0x8440] =	vst v8  }
0x2c4: {  	v8 =	vld [tilespmem:s25+$0x150];
	_ =	sdelay $0x1  }
0x2c5: {  	v17 =	vld [tilespmem:s30+$0x8450];
	_ =	sdelay $0x2  }
0x2c6: {  	v8 =	vmul.f32 v8, v12;
	_ =	sdelay $0x1  }
0x2c7: {  	v8 =	vadd.f32 v8, v17;
	_ =	sdelay $0x1  }
0x2c8: {  	[tilespmem:s30+$0x8450] =	vst v8  }
0x2c9: {  	v8 =	vld [tilespmem:s25+$0x160];
	_ =	sdelay $0x1  }
0x2ca: {  	v18 =	vld [tilespmem:s30+$0x8460];
	_ =	sdelay $0x2  }
0x2cb: {  	v8 =	vmul.f32 v8, v12  }
0x2cc: {  	(v2sf) =	vpush v7, $0xB  }
0x2cd: {  	v8 =	vadd.f32 v8, v18;
	_ =	sdelay $0x1  }
0x2ce: {  	[tilespmem:s30+$0x8460] =	vst v8  }
0x2cf: {  	v8 =	vld [tilespmem:s25+$0x170];
	_ =	sdelay $0x1  }
0x2d0: {  	v19 =	vld [tilespmem:s30+$0x8470];
	_ =	sdelay $0x2  }
0x2d1: {  	v8 =	vmul.f32 v8, v12;
	_ =	sdelay $0x1  }
0x2d2: {  	v8 =	vadd.f32 v8, v19;
	_ =	sdelay $0x1  }
0x2d3: {  	[tilespmem:s30+$0x8470] =	vst v8  }
0x2d4: {  	v8 =	vld [tilespmem:s25+$0x180]  }
0x2d5: {  	s31 =	spop (v2sf)  }
0x2d6: {  	v20 =	vld [tilespmem:s31+$0x8400]  }
0x2d7: {  	v21 =	vbroadcast v6, $0xB;
	_ =	sdelay $0x1  }
0x2d8: {  	v8 =	vmul.f32 v8, v21;
	_ =	sdelay $0x1  }
0x2d9: {  	v8 =	vadd.f32 v8, v20;
	_ =	sdelay $0x1  }
0x2da: {  	[tilespmem:s31+$0x8400] =	vst v8  }
0x2db: {  	v8 =	vld [tilespmem:s25+$0x190];
	_ =	sdelay $0x1  }
0x2dc: {  	v22 =	vld [tilespmem:s31+$0x8410];
	_ =	sdelay $0x2  }
0x2dd: {  	v8 =	vmul.f32 v8, v21;
	_ =	sdelay $0x1  }
0x2de: {  	v8 =	vadd.f32 v8, v22;
	_ =	sdelay $0x1  }
0x2df: {  	[tilespmem:s31+$0x8410] =	vst v8  }
0x2e0: {  	v8 =	vld [tilespmem:s25+$0x1A0];
	_ =	sdelay $0x1  }
0x2e1: {  	v23 =	vld [tilespmem:s31+$0x8420];
	_ =	sdelay $0x2  }
0x2e2: {  	v8 =	vmul.f32 v8, v21;
	_ =	sdelay $0x1  }
0x2e3: {  	v8 =	vadd.f32 v8, v23;
	_ =	sdelay $0x1  }
0x2e4: {  	[tilespmem:s31+$0x8420] =	vst v8  }
0x2e5: {  	v8 =	vld [tilespmem:s25+$0x1B0];
	_ =	sdelay $0x1  }
0x2e6: {  	v24 =	vld [tilespmem:s31+$0x8430];
	_ =	sdelay $0x2  }
0x2e7: {  	v8 =	vmul.f32 v8, v21;
	_ =	sdelay $0x1  }
0x2e8: {  	v8 =	vadd.f32 v8, v24;
	_ =	sdelay $0x1  }
0x2e9: {  	[tilespmem:s31+$0x8430] =	vst v8  }
0x2ea: {  	v8 =	vld [tilespmem:s25+$0x1C0];
	_ =	sdelay $0x1  }
0x2eb: {  	v25 =	vld [tilespmem:s31+$0x8440];
	_ =	sdelay $0x2  }
0x2ec: {  	v8 =	vmul.f32 v8, v21;
	_ =	sdelay $0x1  }
0x2ed: {  	v8 =	vadd.f32 v8, v25;
	_ =	sdelay $0x1  }
0x2ee: {  	[tilespmem:s31+$0x8440] =	vst v8  }
0x2ef: {  	v8 =	vld [tilespmem:s25+$0x1D0];
	_ =	sdelay $0x1  }
0x2f0: {  	v26 =	vld [tilespmem:s31+$0x8450];
	_ =	sdelay $0x2  }
0x2f1: {  	v8 =	vmul.f32 v8, v21;
	_ =	sdelay $0x1  }
0x2f2: {  	v8 =	vadd.f32 v8, v26;
	_ =	sdelay $0x1  }
0x2f3: {  	[tilespmem:s31+$0x8450] =	vst v8  }
0x2f4: {  	v8 =	vld [tilespmem:s25+$0x1E0];
	_ =	sdelay $0x1  }
0x2f5: {  	v27 =	vld [tilespmem:s31+$0x8460];
	_ =	sdelay $0x2  }
0x2f6: {  	v8 =	vmul.f32 v8, v21  }
0x2f7: {  	(v2sf) =	vpush v7, $0xC  }
0x2f8: {  	v8 =	vadd.f32 v8, v27;
	_ =	sdelay $0x1  }
0x2f9: {  	[tilespmem:s31+$0x8460] =	vst v8  }
0x2fa: {  	v8 =	vld [tilespmem:s25+$0x1F0];
	_ =	sdelay $0x1  }
0x2fb: {  	v28 =	vld [tilespmem:s31+$0x8470];
	_ =	sdelay $0x2  }
0x2fc: {  	v8 =	vmul.f32 v8, v21;
	_ =	sdelay $0x1  }
0x2fd: {  	v8 =	vadd.f32 v8, v28;
	_ =	sdelay $0x1  }
0x2fe: {  	[tilespmem:s31+$0x8470] =	vst v8  }
0x2ff: {  	v8 =	vld [tilespmem:s25+$0x200]  }
0x300: {  	s28 =	spop (v2sf)  }
0x301: {  	v29 =	vld [tilespmem:s28+$0x8400]  }
0x302: {  	v30 =	vbroadcast v6, $0xC;
	_ =	sdelay $0x1  }
0x303: {  	v8 =	vmul.f32 v8, v30;
	_ =	sdelay $0x1  }
0x304: {  	v8 =	vadd.f32 v8, v29;
	_ =	sdelay $0x1  }
0x305: {  	[tilespmem:s28+$0x8400] =	vst v8  }
0x306: {  	v8 =	vld [tilespmem:s25+$0x210];
	_ =	sdelay $0x1  }
0x307: {  	v31 =	vld [tilespmem:s28+$0x8410];
	_ =	sdelay $0x2  }
0x308: {  	v8 =	vmul.f32 v8, v30;
	_ =	sdelay $0x1  }
0x309: {  	v8 =	vadd.f32 v8, v31;
	_ =	sdelay $0x1  }
0x30a: {  	[tilespmem:s28+$0x8410] =	vst v8  }
0x30b: {  	v8 =	vld [tilespmem:s25+$0x220];
	_ =	sdelay $0x1  }
0x30c: {  	v32 =	vld [tilespmem:s28+$0x8420];
	_ =	sdelay $0x2  }
0x30d: {  	v8 =	vmul.f32 v8, v30;
	_ =	sdelay $0x1  }
0x30e: {  	v8 =	vadd.f32 v8, v32;
	_ =	sdelay $0x1  }
0x30f: {  	[tilespmem:s28+$0x8420] =	vst v8  }
0x310: {  	v8 =	vld [tilespmem:s25+$0x230];
	_ =	sdelay $0x1  }
0x311: {  	v33 =	vld [tilespmem:s28+$0x8430];
	_ =	sdelay $0x2  }
0x312: {  	v8 =	vmul.f32 v8, v30;
	_ =	sdelay $0x1  }
0x313: {  	v8 =	vadd.f32 v8, v33;
	_ =	sdelay $0x1  }
0x314: {  	[tilespmem:s28+$0x8430] =	vst v8  }
0x315: {  	v8 =	vld [tilespmem:s25+$0x240];
	_ =	sdelay $0x1  }
0x316: {  	v34 =	vld [tilespmem:s28+$0x8440];
	_ =	sdelay $0x2  }
0x317: {  	v8 =	vmul.f32 v8, v30;
	_ =	sdelay $0x1  }
0x318: {  	v8 =	vadd.f32 v8, v34;
	_ =	sdelay $0x1  }
0x319: {  	[tilespmem:s28+$0x8440] =	vst v8  }
0x31a: {  	v8 =	vld [tilespmem:s25+$0x250];
	_ =	sdelay $0x1  }
0x31b: {  	v35 =	vld [tilespmem:s28+$0x8450];
	_ =	sdelay $0x2  }
0x31c: {  	v8 =	vmul.f32 v8, v30;
	_ =	sdelay $0x1  }
0x31d: {  	v8 =	vadd.f32 v8, v35;
	_ =	sdelay $0x1  }
0x31e: {  	[tilespmem:s28+$0x8450] =	vst v8  }
0x31f: {  	v8 =	vld [tilespmem:s25+$0x260];
	_ =	sdelay $0x1  }
0x320: {  	v36 =	vld [tilespmem:s28+$0x8460];
	_ =	sdelay $0x2  }
0x321: {  	v8 =	vmul.f32 v8, v30  }
0x322: {  	(v2sf) =	vpush v7, $0xD  }
0x323: {  	v8 =	vadd.f32 v8, v36;
	_ =	sdelay $0x1  }
0x324: {  	[tilespmem:s28+$0x8460] =	vst v8  }
0x325: {  	v8 =	vld [tilespmem:s25+$0x270];
	_ =	sdelay $0x1  }
0x326: {  	v37 =	vld [tilespmem:s28+$0x8470];
	_ =	sdelay $0x2  }
0x327: {  	v8 =	vmul.f32 v8, v30;
	_ =	sdelay $0x1  }
0x328: {  	v8 =	vadd.f32 v8, v37;
	_ =	sdelay $0x1  }
0x329: {  	[tilespmem:s28+$0x8470] =	vst v8  }
0x32a: {  	v8 =	vld [tilespmem:s25+$0x280]  }
0x32b: {  	s29 =	spop (v2sf)  }
0x32c: {  	v38 =	vld [tilespmem:s29+$0x8400]  }
0x32d: {  	v39 =	vbroadcast v6, $0xD;
	_ =	sdelay $0x1  }
0x32e: {  	v8 =	vmul.f32 v8, v39;
	_ =	sdelay $0x1  }
0x32f: {  	v8 =	vadd.f32 v8, v38;
	_ =	sdelay $0x1  }
0x330: {  	[tilespmem:s29+$0x8400] =	vst v8  }
0x331: {  	v8 =	vld [tilespmem:s25+$0x290];
	_ =	sdelay $0x1  }
0x332: {  	v40 =	vld [tilespmem:s29+$0x8410];
	_ =	sdelay $0x2  }
0x333: {  	v8 =	vmul.f32 v8, v39;
	_ =	sdelay $0x1  }
0x334: {  	v8 =	vadd.f32 v8, v40;
	_ =	sdelay $0x1  }
0x335: {  	[tilespmem:s29+$0x8410] =	vst v8  }
0x336: {  	v8 =	vld [tilespmem:s25+$0x2A0];
	_ =	sdelay $0x1  }
0x337: {  	v41 =	vld [tilespmem:s29+$0x8420];
	_ =	sdelay $0x2  }
0x338: {  	v8 =	vmul.f32 v8, v39;
	_ =	sdelay $0x1  }
0x339: {  	v8 =	vadd.f32 v8, v41;
	_ =	sdelay $0x1  }
0x33a: {  	[tilespmem:s29+$0x8420] =	vst v8  }
0x33b: {  	v8 =	vld [tilespmem:s25+$0x2B0];
	_ =	sdelay $0x1  }
0x33c: {  	v42 =	vld [tilespmem:s29+$0x8430];
	_ =	sdelay $0x2  }
0x33d: {  	v8 =	vmul.f32 v8, v39;
	_ =	sdelay $0x1  }
0x33e: {  	v8 =	vadd.f32 v8, v42;
	_ =	sdelay $0x1  }
0x33f: {  	[tilespmem:s29+$0x8430] =	vst v8  }
0x340: {  	v8 =	vld [tilespmem:s25+$0x2C0];
	_ =	sdelay $0x1  }
0x341: {  	v43 =	vld [tilespmem:s29+$0x8440];
	_ =	sdelay $0x2  }
0x342: {  	v8 =	vmul.f32 v8, v39;
	_ =	sdelay $0x1  }
0x343: {  	v8 =	vadd.f32 v8, v43;
	_ =	sdelay $0x1  }
0x344: {  	[tilespmem:s29+$0x8440] =	vst v8  }
0x345: {  	v8 =	vld [tilespmem:s25+$0x2D0];
	_ =	sdelay $0x1  }
0x346: {  	v44 =	vld [tilespmem:s29+$0x8450];
	_ =	sdelay $0x2  }
0x347: {  	v8 =	vmul.f32 v8, v39;
	_ =	sdelay $0x1  }
0x348: {  	v8 =	vadd.f32 v8, v44;
	_ =	sdelay $0x1  }
0x349: {  	[tilespmem:s29+$0x8450] =	vst v8  }
0x34a: {  	v8 =	vld [tilespmem:s25+$0x2E0];
	_ =	sdelay $0x1  }
0x34b: {  	v45 =	vld [tilespmem:s29+$0x8460];
	_ =	sdelay $0x2  }
0x34c: {  	v8 =	vmul.f32 v8, v39  }
0x34d: {  	(v2sf) =	vpush v7, $0xE  }
0x34e: {  	v8 =	vadd.f32 v8, v45;
	_ =	sdelay $0x1  }
0x34f: {  	[tilespmem:s29+$0x8460] =	vst v8  }
0x350: {  	v8 =	vld [tilespmem:s25+$0x2F0];
	_ =	sdelay $0x1  }
0x351: {  	v46 =	vld [tilespmem:s29+$0x8470];
	_ =	sdelay $0x2  }
0x352: {  	v8 =	vmul.f32 v8, v39;
	_ =	sdelay $0x1  }
0x353: {  	v8 =	vadd.f32 v8, v46;
	_ =	sdelay $0x1  }
0x354: {  	[tilespmem:s29+$0x8470] =	vst v8  }
0x355: {  	v8 =	vld [tilespmem:s25+$0x300]  }
0x356: {  	s30 =	spop (v2sf)  }
0x357: {  	v47 =	vld [tilespmem:s30+$0x8400]  }
0x358: {  	v48 =	vbroadcast v6, $0xE;
	_ =	sdelay $0x1  }
0x359: {  	v8 =	vmul.f32 v8, v48;
	_ =	sdelay $0x1  }
0x35a: {  	v8 =	vadd.f32 v8, v47;
	_ =	sdelay $0x1  }
0x35b: {  	[tilespmem:s30+$0x8400] =	vst v8  }
0x35c: {  	v8 =	vld [tilespmem:s25+$0x310];
	_ =	sdelay $0x1  }
0x35d: {  	v49 =	vld [tilespmem:s30+$0x8410];
	_ =	sdelay $0x2  }
0x35e: {  	v8 =	vmul.f32 v8, v48;
	_ =	sdelay $0x1  }
0x35f: {  	v8 =	vadd.f32 v8, v49;
	_ =	sdelay $0x1  }
0x360: {  	[tilespmem:s30+$0x8410] =	vst v8  }
0x361: {  	v8 =	vld [tilespmem:s25+$0x320];
	_ =	sdelay $0x1  }
0x362: {  	v50 =	vld [tilespmem:s30+$0x8420];
	_ =	sdelay $0x2  }
0x363: {  	v8 =	vmul.f32 v8, v48;
	_ =	sdelay $0x1  }
0x364: {  	v8 =	vadd.f32 v8, v50;
	_ =	sdelay $0x1  }
0x365: {  	[tilespmem:s30+$0x8420] =	vst v8  }
0x366: {  	v8 =	vld [tilespmem:s25+$0x330];
	_ =	sdelay $0x1  }
0x367: {  	v51 =	vld [tilespmem:s30+$0x8430];
	_ =	sdelay $0x2  }
0x368: {  	v8 =	vmul.f32 v8, v48;
	_ =	sdelay $0x1  }
0x369: {  	v8 =	vadd.f32 v8, v51;
	_ =	sdelay $0x1  }
0x36a: {  	[tilespmem:s30+$0x8430] =	vst v8  }
0x36b: {  	v8 =	vld [tilespmem:s25+$0x340];
	_ =	sdelay $0x1  }
0x36c: {  	v52 =	vld [tilespmem:s30+$0x8440];
	_ =	sdelay $0x2  }
0x36d: {  	v8 =	vmul.f32 v8, v48;
	_ =	sdelay $0x1  }
0x36e: {  	v8 =	vadd.f32 v8, v52;
	_ =	sdelay $0x1  }
0x36f: {  	[tilespmem:s30+$0x8440] =	vst v8  }
0x370: {  	v8 =	vld [tilespmem:s25+$0x350];
	_ =	sdelay $0x1  }
0x371: {  	v53 =	vld [tilespmem:s30+$0x8450];
	_ =	sdelay $0x2  }
0x372: {  	v8 =	vmul.f32 v8, v48;
	_ =	sdelay $0x1  }
0x373: {  	v8 =	vadd.f32 v8, v53;
	_ =	sdelay $0x1  }
0x374: {  	[tilespmem:s30+$0x8450] =	vst v8  }
0x375: {  	v8 =	vld [tilespmem:s25+$0x360];
	_ =	sdelay $0x1  }
0x376: {  	v54 =	vld [tilespmem:s30+$0x8460];
	_ =	sdelay $0x2  }
0x377: {  	v8 =	vmul.f32 v8, v48  }
0x378: {  	(v2sf) =	vpush v7, $0xF  }
0x379: {  	v7 =	vadd.f32 v8, v54;
	_ =	sdelay $0x1  }
0x37a: {  	[tilespmem:s30+$0x8460] =	vst v7  }
0x37b: {  	v7 =	vld [tilespmem:s25+$0x370];
	_ =	sdelay $0x1  }
0x37c: {  	v55 =	vld [tilespmem:s30+$0x8470];
	_ =	sdelay $0x2  }
0x37d: {  	v7 =	vmul.f32 v7, v48;
	_ =	sdelay $0x1  }
0x37e: {  	v7 =	vadd.f32 v7, v55;
	_ =	sdelay $0x1  }
0x37f: {  	[tilespmem:s30+$0x8470] =	vst v7  }
0x380: {  	v7 =	vld [tilespmem:s25+$0x380]  }
0x381: {  	s31 =	spop (v2sf)  }
0x382: {  	v56 =	vld [tilespmem:s31+$0x8400]  }
0x383: {  	v6 =	vbroadcast v6, $0xF;
	_ =	sdelay $0x1  }
0x384: {  	v7 =	vmul.f32 v7, v6;
	_ =	sdelay $0x1  }
0x385: {  	v7 =	vadd.f32 v7, v56;
	_ =	sdelay $0x1  }
0x386: {  	[tilespmem:s31+$0x8400] =	vst v7  }
0x387: {  	v7 =	vld [tilespmem:s25+$0x390];
	_ =	sdelay $0x1  }
0x388: {  	v57 =	vld [tilespmem:s31+$0x8410];
	_ =	sdelay $0x2  }
0x389: {  	v7 =	vmul.f32 v7, v6;
	_ =	sdelay $0x1  }
0x38a: {  	v7 =	vadd.f32 v7, v57;
	_ =	sdelay $0x1  }
0x38b: {  	[tilespmem:s31+$0x8410] =	vst v7  }
0x38c: {  	v7 =	vld [tilespmem:s25+$0x3A0];
	_ =	sdelay $0x1  }
0x38d: {  	v58 =	vld [tilespmem:s31+$0x8420];
	_ =	sdelay $0x2  }
0x38e: {  	v7 =	vmul.f32 v7, v6;
	_ =	sdelay $0x1  }
0x38f: {  	v7 =	vadd.f32 v7, v58;
	_ =	sdelay $0x1  }
0x390: {  	[tilespmem:s31+$0x8420] =	vst v7  }
0x391: {  	v7 =	vld [tilespmem:s25+$0x3B0];
	_ =	sdelay $0x1  }
0x392: {  	v59 =	vld [tilespmem:s31+$0x8430];
	_ =	sdelay $0x2  }
0x393: {  	v7 =	vmul.f32 v7, v6;
	_ =	sdelay $0x1  }
0x394: {  	v7 =	vadd.f32 v7, v59;
	_ =	sdelay $0x1  }
0x395: {  	[tilespmem:s31+$0x8430] =	vst v7  }
0x396: {  	v7 =	vld [tilespmem:s25+$0x3C0];
	_ =	sdelay $0x1  }
0x397: {  	v60 =	vld [tilespmem:s31+$0x8440];
	_ =	sdelay $0x2  }
0x398: {  	v7 =	vmul.f32 v7, v6;
	_ =	sdelay $0x1  }
0x399: {  	v7 =	vadd.f32 v7, v60;
	_ =	sdelay $0x1  }
0x39a: {  	[tilespmem:s31+$0x8440] =	vst v7  }
0x39b: {  	v7 =	vld [tilespmem:s25+$0x3D0];
	_ =	sdelay $0x1  }
0x39c: {  	v61 =	vld [tilespmem:s31+$0x8450];
	_ =	sdelay $0x2  }
0x39d: {  	v7 =	vmul.f32 v7, v6;
	_ =	sdelay $0x1  }
0x39e: {  	v7 =	vadd.f32 v7, v61;
	_ =	sdelay $0x1  }
0x39f: {  	[tilespmem:s31+$0x8450] =	vst v7  }
0x3a0: {  	v7 =	vld [tilespmem:s25+$0x3E0];
	_ =	sdelay $0x1  }
0x3a1: {  	v62 =	vld [tilespmem:s31+$0x8460];
	_ =	sdelay $0x2  }
0x3a2: {  	v7 =	vmul.f32 v7, v6;
	_ =	sdelay $0x1  }
0x3a3: {  	v7 =	vadd.f32 v7, v62;
	_ =	sdelay $0x1  }
0x3a4: {  	[tilespmem:s31+$0x8460] =	vst v7  }
0x3a5: {  	v7 =	vld [tilespmem:s25+$0x3F0];
	_ =	sdelay $0x1  }
0x3a6: {  	v63 =	vld [tilespmem:s31+$0x8470];
	_ =	sdelay $0x1  }
0x3a7: {  	p0 =	sne.s32 s24, $0x3C0  }
.Ltmp11:
0x3a8: {  	v6 =	vmul.f32 v7, v6;
	(pc) =	sbr.rel @p0 .LBB2_19-.Ltmp11, $3  }
0x3a9: {  	_ = 	snop  }
0x3aa: {  	v6 =	vadd.f32 v6, v63;
	_ =	sdelay $0x1  }
0x3ab: {  	s24 =	sadd.s32 $0x40, s24;
	s25 =	sadd.s32 $0x800, s25;
	[tilespmem:s31+$0x8470] =	vst v6  }
0x3ac: {  	s23 =	sshll.u32 s23, $0x7  }
0x3ad: {  	s23 =	sand.u32 $0x380, s23  }
0x3ae: {  	s24 =	sor.u32 s10, s23  }
0x3af: {  	s24 =	sshrl.u32 s24, $0x3  }
0x3b0: {  	s25 =	sadd.s32 s5, s24  }
0x3b1: {  	[hbm4b:s25+s3] =	stream.linear.scatter [tilespmem:s16], [sflag:$0x1], $0x80, $0x38;
	[tilespmem:$0x8C00] =	vst v63  }
0x3b2: {  	_ =	swait.ge [sflag:s13], $0x80  }
0x3b3: {  	[sflag:s13] =	ssyncset.done $0x0  }
0x3b4: {  	s24 =	sadd.s32 s7, s24;
	[sflag:s13] =	ssyncadd.s32 $0xFFFFFF80  }
0x3b5: {  	[hbm4b:s24+s3] =	stream.linear.scatter [tilespmem:s17], [sflag:$0x1], $0x80, $0x38;
	[tilespmem:$0x8C00] =	vst v63  }
0x3b6: {  	s23 =	sor.u32 s11, s23;
	_ =	swait.ge [sflag:s13], $0x80  }
0x3b7: {  	s22 =	sadd.s32 $0x1, s22;
	s23 =	sshrl.u32 s23, $0x3;
	[sflag:s13] =	ssyncset.done $0x0  }
0x3b8: {  	p0 =	sne.s32 s22, $0x4;
	s23 =	sadd.s32 s8, s23;
	[sflag:s13] =	ssyncadd.s32 $0xFFFFFF80  }
0x3b9: {  	[hbm4b:s23+s18] =	stream.strided.scatter [tilespmem:s20], [sflag:$0x1], $0x800, s19, s18, $0x38;
	[tilespmem:$0x8C00] =	vst v63  }
.Ltmp12:
0x3ba: {  	_ = 	snop;
	(pc) =	sbr.rel @p0 .LBB2_2-.Ltmp12, $4  }
.Ltmp13:
0x3bb: {  	_ = 	snop;
	(pc) =	sbr.rel @!p0 .LBB2_21-.Ltmp13, $4  }
0x3bc: {  	_ =	swait.ge [sflag:s13], $0x800  }
0x3bd: {  	[sflag:s13] =	ssyncset.done $0x0  }
0x3be: {  	[sflag:s13] =	ssyncadd.s32 $0xFFFFF800  }
0x3bf: {  	_ = 	snop  }
.LBB2_10:
.Ltmp14:
0x3c0: {  	(pc) =	sbr.rel .LBB2_15-.Ltmp14, $2  }
0x3c1: {  	_ =	sdelay $0x2  }
0x3c2: {  	v40 =	vimm.f32 $0.0e+00  }
.LBB2_12:
.Ltmp15:
0x3c3: {  	(pc) =	sbr.rel .LBB2_15-.Ltmp15, $2  }
0x3c4: {  	_ =	sdelay $0x2  }
0x3c5: {  	v40 =	vimm.f32 $0.0e+00;
	s25 =	smov.u32 s26  }
.LBB2_22:
0x3c6: {  	_ =	sfence.sel $0x180000  }
0x3c7: {  	[bflag:$0x0] =	sbarrier.arrive $0xFFFF  }
0x3c8: {  	p0 =	sne.s32 s6, $0x0;
	_ =	strace $0x90000047  }
0x3c9: {  	s0 =	sadd.s32 @!p0 $0x100000, s0;
	[bflag:$0x2] =	sbarrier.arrive $0xFFFF  }
0x3ca: {  	[sflag:s0] =	ssyncadd.tile.s32 @!p0 $0x1;
	_ =	shalt  }
.Lfunc_end2:
_tile_overlayer_lowered:
.L_overlay_start_2:
0x3cb: {  	(tag) =	ssettag $0x2  }
0x3cc: {  	s0 =	rddreg [dreg:$0x0];
	s2 =	stileid.u32  }
0x3cd: {  	s1 =	rddreg [dreg:$0x1];
	p0 =	sne.s32 s2, $0x0  }
0x3ce: {  	s3 =	rddreg [dreg:$0x2];
	[bflag:$0x3] =	sbarrier.arrive $0xFFFF;
	s2 =	simm.s32 @!p0 $0x1C01  }
0x3cf: {  	[timem:s3], [sflag:s2] =	dma.local @!p0 [hbm:s0], s1  }
0x3d0: {  	s0 =	simm.s32 @!p0 $0x1  }
0x3d1: {  	_ =	swait.ge @!p0 [sflag:s0], s1  }
0x3d2: {  	s1 =	ssub.s32 @!p0 $0x0, s1;
	[sflag:s0] =	ssyncset.done @!p0 $0x0  }
0x3d3: {  	[sflag:s0] =	ssyncadd.s32 @!p0 s1  }
0x3d4: {  	[bflag:$0x3] =	sbarrier.arrive $0xFFFF  }
0x3d5: {  	_ =	shalt  }

</sc_bundles>
